<compile_context>
chip_gen: v7x
topology: tpu7x:2x2x1
jax: 0.10.2.dev20260603
libtpu: 0.0.44.dev20260713+nightly
codegen_flags: <defaults>
</compile_context>

<pallas_src>
import jax
import jax.numpy as jnp
from jax import lax
from jax.experimental import pallas as pl
from jax.experimental.pallas import tpu as pltpu
from jax.experimental.pallas import tpu_sc as plsc

_NUM_CLASSES = 1000
_FEAT = 512
_B = 1024
_TEMP = 0.1
_ALPHA = 0.1
_BETA = 0.01
_MARGIN = 0.01
_GAMMA = 0.9
_K_HARD = 0.4
_EPS = 1e-16
_SM = _MARGIN / _TEMP
_NEG_FILL = -1e30

_C_PAD = 1024
_NC, _NS = 2, 16
_NW = _NC * _NS
_RPW = _B // _NW
_CROWS = _C_PAD // _NS

_ROW_T = 128
_NT = _B // _ROW_T
_BS_ITERS = 10
_N_UPPER = _B * (_B - 1) // 2



def _l2norm_body(x_ref, of_ref):
    x = x_ref[...]
    nrm = jnp.sqrt(jnp.sum(x * x, axis=1, keepdims=True))
    en = x / jnp.maximum(nrm, 1e-12)
    of_ref[...] = en.reshape(x.shape[0] * _FEAT)


def _l2norm_tc(emb):
    rows = _B // 2
    return pl.pallas_call(
        _l2norm_body,
        grid=(2,),
        in_specs=[pl.BlockSpec((rows, _FEAT), lambda i: (i, 0))],
        out_specs=pl.BlockSpec((rows * _FEAT,), lambda i: (i,)),
        out_shape=jax.ShapeDtypeStruct((_B * _FEAT,), jnp.float32),
    )(emb)



_FPW = _FEAT // _NW


def _sc_body(en_hbm, labels_hbm, sums_hbm, lab_v, rows_v, acc_v):
    c = lax.axis_index("c")
    s = lax.axis_index("s")
    wid = s * _NC + c
    fs = wid * _FPW

    pltpu.sync_copy(labels_hbm, lab_v)
    pltpu.sync_copy(en_hbm.at[:, pl.ds(fs, _FPW)], rows_v)

    z16 = jnp.zeros((_FPW,), jnp.float32)

    def _zero(r, _):
        acc_v[r, :] = z16
        return 0
    lax.fori_loop(0, _C_PAD, _zero, 0)

    def _accum(rc, _):
        base = rc * 16
        lab16 = lab_v[pl.ds(base, 16)]
        for j in range(16):
            plsc.addupdate(acc_v.at[lab16[j]], rows_v[base + j, :])
        return 0
    lax.fori_loop(0, _B // 16, _accum, 0)

    pltpu.sync_copy(acc_v, sums_hbm.at[:, pl.ds(fs, _FPW)])


def _center_partials(en, labels):
    f = pl.kernel(
        _sc_body,
        out_type=jax.ShapeDtypeStruct((_C_PAD, _FEAT), jnp.float32),
        mesh=plsc.VectorSubcoreMesh(
            core_axis_name="c", subcore_axis_name="s",
            num_cores=_NC, num_subcores=_NS),
        scratch_types=[
            pltpu.VMEM((_B,), jnp.int32),
            pltpu.VMEM((_B, _FPW), jnp.float32),
            pltpu.VMEM((_C_PAD, _FPW), jnp.float32),
        ],
        compiler_params=pltpu.CompilerParams(use_tc_tiling_on_sc=False),
    )
    return f(en, labels)



def _main_body(emb_ref, lgt_ref, lrow_ref, out_ref, cnt_ref,
               en_s, cneg_ref, sacc_ref):
    i = pl.program_id(0)

    @pl.when(i == 0)
    def _init():
        for t in range(6):
            sacc_ref[t] = 0.0
        for j in range(_NT):
            x = emb_ref[j * _ROW_T:(j + 1) * _ROW_T, :]
            nrm = jnp.sqrt(jnp.sum(x * x, axis=1, keepdims=True))
            en_s[j * _ROW_T:(j + 1) * _ROW_T, :] = x / jnp.maximum(nrm, 1e-12)

    inv_t = jnp.float32(1.0 / _TEMP)
    lrow = lrow_ref[...]
    ltile = lrow_ref[:, pl.ds(i * _ROW_T, _ROW_T)]
    lcol = jnp.transpose(ltile)

    en_t = en_s[pl.ds(i * _ROW_T, _ROW_T), :]
    cs = lax.dot_general(en_t, en_s[...], (((1,), (1,)), ((), ())),
                         preferred_element_type=jnp.float32) * inv_t
    same = lcol == lrow
    rowid = i * _ROW_T + lax.broadcasted_iota(jnp.int32, (_ROW_T, _B), 0)
    colid = lax.broadcasted_iota(jnp.int32, (_ROW_T, _B), 1)
    upper = colid > rowid
    pos = same & upper
    sacc_ref[0] += jnp.sum(pos.astype(jnp.float32))
    sacc_ref[1] += jnp.sum(jnp.where(pos, jnp.maximum(1.0 - cs, 0.0), 0.0))
    cneg_ref[pl.ds(i * _ROW_T, _ROW_T), :] = jnp.where(
        upper & (~same), cs, _NEG_FILL)

    lgt = lgt_ref[...] * inv_t
    mx = jnp.max(lgt, axis=0, keepdims=True)
    lse = jnp.log(jnp.sum(jnp.exp(lgt - mx), axis=0, keepdims=True)) + mx
    rid = lax.broadcasted_iota(jnp.int32, (_NUM_CLASSES, _ROW_T), 0)
    lab = jnp.sum(jnp.where(rid == ltile, lgt, 0.0), axis=0, keepdims=True)
    sacc_ref[4] += jnp.sum(lse - lab)

    @pl.when(i == _NT - 1)
    def _tail():
        def scan_gt(t):
            cnt = jnp.zeros((_ROW_T, _ROW_T), jnp.float32)
            tot = jnp.zeros((_ROW_T, _ROW_T), jnp.float32)
            for bi in range(_NT):
                for bj in range(bi, _NT):
                    blk = cneg_ref[bi * _ROW_T:(bi + 1) * _ROW_T,
                                   bj * _ROW_T:(bj + 1) * _ROW_T]
                    gt = blk > t
                    cnt += gt.astype(jnp.float32)
                    tot += jnp.where(gt, blk, 0.0)
            return jnp.sum(cnt), jnp.sum(tot)

        def count_gt(t):
            acc = jnp.zeros((_ROW_T, _ROW_T), jnp.float32)
            for bi in range(_NT):
                for bj in range(bi, _NT):
                    blk = cneg_ref[bi * _ROW_T:(bi + 1) * _ROW_T,
                                   bj * _ROW_T:(bj + 1) * _ROW_T]
                    acc += (blk > t).astype(jnp.float32)
            return jnp.sum(acc)

        m_up, s_sm = scan_gt(jnp.float32(_SM))
        m = 2.0 * m_up
        kf = jnp.maximum(1.0, jnp.floor(jnp.float32(_K_HARD) * m))

        def bs(_, carry):
            lo, hi = carry
            mid = 0.5 * (lo + hi)
            c = 2.0 * count_gt(mid)
            take = c >= kf
            return (jnp.where(take, mid, lo), jnp.where(take, hi, mid))
        lo, _hi = lax.fori_loop(
            0, _BS_ITERS, bs, (jnp.float32(_SM), jnp.float32(10.5)))

        c_gt, s_gt = scan_gt(lo)
        topk_sum = 2.0 * s_gt - (2.0 * c_gt - kf) * lo
        loss_neg_hard = topk_sum / kf - _SM
        neg_up = _N_UPPER - sacc_ref[0]
        loss_neg_fb = (s_sm - m_up * _SM) / neg_up
        loss_neg = jnp.where(m > 0.0, loss_neg_hard, loss_neg_fb)
        loss_pos = sacc_ref[1] / sacc_ref[0]
        loss_cos = jnp.maximum(loss_pos + loss_neg, _EPS)
        loss_ce = sacc_ref[4] / _B
        partial = loss_ce + _ALPHA * loss_cos
        out_ref[...] = jnp.broadcast_to(partial, (1, 1))

        for j in range(_NT):
            cls = j * _ROW_T + lax.broadcasted_iota(
                jnp.int32, (_ROW_T, _B), 0)
            cnt_ref[pl.ds(j * _ROW_T, _ROW_T), :] = jnp.sum(
                (lrow == cls).astype(jnp.float32), axis=1, keepdims=True)


def _main(emb, logits_t, lrow):
    return pl.pallas_call(
        _main_body,
        grid=(_NT,),
        in_specs=[
            pl.BlockSpec((_B, _FEAT), lambda i: (0, 0)),
            pl.BlockSpec((_NUM_CLASSES, _ROW_T), lambda i: (0, i)),
            pl.BlockSpec((1, _B), lambda i: (0, 0)),
        ],
        out_specs=(
            pl.BlockSpec((1, 1), lambda i: (0, 0)),
            pl.BlockSpec((_B, 1), lambda i: (0, 0)),
        ),
        out_shape=(
            jax.ShapeDtypeStruct((1, 1), jnp.float32),
            jax.ShapeDtypeStruct((_B, 1), jnp.float32),
        ),
        scratch_shapes=[
            pltpu.VMEM((_B, _FEAT), jnp.float32),
            pltpu.VMEM((_B, _B), jnp.float32),
            pltpu.SMEM((8,), jnp.float32),
        ],
    )(emb, logits_t, lrow)


def _finish_body(part_ref, cnt_ref, ctr_ref, psums_ref, out_ref):
    tot = jnp.float32(0.0)
    for j in range(_NUM_CLASSES // _ROW_T + 1):
        rows = _ROW_T if j < _NUM_CLASSES // _ROW_T \
            else _NUM_CLASSES % _ROW_T
        sm_ = psums_ref[j * _ROW_T * _FEAT:
                        (j * _ROW_T + rows) * _FEAT].reshape(rows, _FEAT)
        cnt = cnt_ref[j * _ROW_T:j * _ROW_T + rows, :]
        ctr = ctr_ref[j * _ROW_T:j * _ROW_T + rows, :]
        newc = sm_ / (cnt + _EPS)
        upd = jnp.where(cnt > 0.0, _GAMMA * ctr + (1.0 - _GAMMA) * newc, ctr)
        nrm = jnp.maximum(
            jnp.sqrt(jnp.sum(upd * upd, axis=1, keepdims=True)), 1e-12)
        dot = jnp.sum(upd * sm_, axis=1, keepdims=True) / nrm
        tot += jnp.sum(dot)
    loss_center = jnp.maximum(1.0 - tot / (_B * _TEMP), _EPS)
    out_ref[...] = part_ref[...] + _BETA * loss_center


def _finish(partial, cnt, centers, psums):
    return pl.pallas_call(
        _finish_body,
        out_shape=jax.ShapeDtypeStruct((1, 1), jnp.float32),
    )(partial, cnt, centers, psums)


def kernel(emb, logits, labels, centers):
    en_flat = _l2norm_tc(emb)
    psums = _center_partials(en_flat.reshape(_B, _FEAT), labels)
    lrow = labels.reshape(1, _B)
    partial, cnt = _main(emb, logits.T, lrow)
    out = _finish(partial, cnt, centers, psums.reshape(_C_PAD * _FEAT))
    return out[0, 0]

# --- scband reference (transcript-rebuilt; emitter-appended) ---
"""Pipeline reference for scband-adaptive-cosine-center-cross-entropy-loss-56977036148932 (READ-ONLY COPY).

The authoritative reference and input builder live on the scoring server;
editing this copy changes nothing except your own understanding.
"""

import jax, jax.numpy as jnp
import numpy as np

NUM_CLASSES = 1000
FEAT_DIM = 512
BATCH = 1024
TEMP = 0.1
ALPHA = 0.1
BETA = 0.01
MARGIN = 0.01
GAMMA = 0.9
K_HARD = 0.4
EPS = 1e-16


def _l2norm(x):
    return x / jnp.maximum(jnp.linalg.norm(x, axis=1, keepdims=True), 1e-12)


def setup_inputs(seed: int = 0) -> dict:
    key = jax.random.key(seed)
    k1, k2, k3, k4 = jax.random.split(key, 4)
    emb = jax.random.normal(k1, (BATCH, FEAT_DIM), dtype=jnp.float32)
    logits = jax.random.normal(k2, (BATCH, NUM_CLASSES), dtype=jnp.float32)
    labels = jax.random.randint(k3, (BATCH,), 0, NUM_CLASSES, dtype=jnp.int32)
    centers = _l2norm(jax.random.normal(k4, (NUM_CLASSES, FEAT_DIM), dtype=jnp.float32))
    return {"emb": emb, "logits": logits, "labels": labels, "centers": centers}


def reference(emb, logits, labels, centers):
    n = emb.shape[0]
    emb_norm = _l2norm(emb)
    # cross entropy on temperature-scaled logits
    logp = jax.nn.log_softmax(logits / TEMP, axis=1)
    loss_ce = -jnp.mean(jnp.take_along_axis(logp, labels[:, None], axis=1)[:, 0])
    # cosine pairwise loss
    cos_sims = (emb_norm @ emb_norm.T) / TEMP
    same = labels[None, :] == labels[:, None]
    mask_pos = same & (~jnp.eye(n, dtype=bool))
    mask_neg = ~same
    pos_count = jnp.sum(mask_pos).astype(jnp.float32)
    pos_vals = jnp.where(mask_pos, jnp.maximum(1.0 - cos_sims, 0.0), 0.0)
    loss_positive = jnp.sum(pos_vals) / pos_count
    scaled_margin = MARGIN / TEMP
    active_mask = mask_neg & (cos_sims > scaled_margin)
    m = jnp.sum(active_mask)
    k = jnp.maximum(1, jnp.floor(K_HARD * m.astype(jnp.float32)).astype(jnp.int32))
    neg_flat = jnp.where(mask_neg, cos_sims, -jnp.inf).ravel()
    sorted_desc, _ = jax.lax.top_k(neg_flat, n * n)
    hard_vals = jnp.where(
        jnp.arange(n * n) < k, jnp.maximum(sorted_desc - scaled_margin, 0.0), 0.0
    )
    loss_negative_hard = jnp.sum(hard_vals) / k.astype(jnp.float32)
    neg_count = jnp.sum(mask_neg).astype(jnp.float32)
    fallback_vals = jnp.where(mask_neg, jnp.maximum(cos_sims - scaled_margin, 0.0), 0.0)
    loss_negative_fallback = jnp.sum(fallback_vals) / neg_count
    loss_negative = jnp.where(m > 0, loss_negative_hard, loss_negative_fallback)
    loss_cos = jnp.maximum(loss_positive + loss_negative, EPS)
    # center loss: EMA buffer update (no-grad in torch), then cosine to target center
    sums = jnp.zeros_like(centers).at[labels].add(emb_norm)
    counts = jnp.bincount(labels, length=NUM_CLASSES).astype(jnp.float32)[:, None]
    has = counts > 0.0
    new_centers = sums / (counts + EPS)
    upd = jnp.where(has, GAMMA * centers + (1.0 - GAMMA) * new_centers, centers)
    upd = _l2norm(upd)
    target_centers = upd[labels]
    cosine_sim = jnp.sum(emb_norm * target_centers, axis=1) / TEMP
    loss_center = jnp.maximum(jnp.mean(1.0 - cosine_sim), EPS)
    return loss_ce + ALPHA * loss_cos + BETA * loss_center

if __name__ == "__main__":
    import jax
    _d = setup_inputs()
    print(jax.jit(kernel)(*tuple(_d.values())))

</pallas_src>

<mosaic_0001>
#map = affine_map<(d0, d1) -> (0, 0)>
#map1 = affine_map<(d0, d1) -> (0)>
module attributes {stable_mosaic.version = 14 : i64} {
  func.func @_sc_body(%arg0: i32, %arg1: i32, %arg2: memref<1024x512xf32, #tpu.memory_space<hbm>>, %arg3: memref<1024xi32, #tpu.memory_space<hbm>>, %arg4: memref<1024x512xf32, #tpu.memory_space<hbm>>, %arg5: memref<1024xi32, #tpu.memory_space<vmem>>, %arg6: memref<1024x16xf32, #tpu.memory_space<vmem>>, %arg7: memref<1024x16xf32, #tpu.memory_space<vmem>>) attributes {dimension_semantics = [#tpu.dimension_semantics<core_parallel>, #tpu.dimension_semantics<subcore_parallel>], iteration_bounds = array<i64: 2, 16>, scalar_prefetch = 0 : i64, scratch_operands = 3 : i64, tpu.core_type = #tpu.core_type<sc_vector_subcore>, window_params = [{transform_indices = #map}, {transform_indices = #map1}, {transform_indices = #map}]} {
    %mul3A = arith.constant 2 : i32
    %mul3A_0 = arith.muli %arg1, %mul3A : i32
    %add3A = arith.addi %mul3A_0, %arg0 : i32
    %mul3A_1 = arith.constant 16 : i32
    %mul3A_2 = arith.muli %add3A, %mul3A_1 : i32
    "tpu.region"() ({
      %run_scoped3A = tpu.sem_alloc : memref<!tpu.dma_semaphore, #tpu.memory_space<semaphore_mem>>
      tpu.enqueue_dma source(%arg3 : memref<1024xi32, #tpu.memory_space<hbm>>) target(%arg5 : memref<1024xi32, #tpu.memory_space<vmem>>) target_semaphore(%run_scoped3A : memref<!tpu.dma_semaphore, #tpu.memory_space<semaphore_mem>>)
      tpu.wait_dma2 semaphore(%run_scoped3A : memref<!tpu.dma_semaphore, #tpu.memory_space<semaphore_mem>>) src(%arg3 : memref<1024xi32, #tpu.memory_space<hbm>>) dst(%arg5 : memref<1024xi32, #tpu.memory_space<vmem>>)
      tpu.yield
    }) : () -> ()
    "tpu.region"() ({
      %run_scoped3A = tpu.sem_alloc : memref<!tpu.dma_semaphore, #tpu.memory_space<semaphore_mem>>
      %dma_start3A = arith.constant 0 : i32
      %dma_start3A_17 = tpu.memref_slice %arg2[%dma_start3A, %mul3A_2] : memref<1024x512xf32, #tpu.memory_space<hbm>> -> memref<1024x16xf32, #tpu.memory_space<hbm>>
      %dma_start3A_18 = arith.constant 0 : i32
      %dma_start3A_19 = tpu.memref_slice %arg2[%dma_start3A_18, %mul3A_2] : memref<1024x512xf32, #tpu.memory_space<hbm>> -> memref<1024x16xf32, #tpu.memory_space<hbm>>
      tpu.enqueue_dma source(%dma_start3A_19 : memref<1024x16xf32, #tpu.memory_space<hbm>>) target(%arg6 : memref<1024x16xf32, #tpu.memory_space<vmem>>) target_semaphore(%run_scoped3A : memref<!tpu.dma_semaphore, #tpu.memory_space<semaphore_mem>>)
      %dma_wait3A = arith.constant 0 : i32
      %dma_wait3A_20 = tpu.memref_slice %arg2[%dma_wait3A, %mul3A_2] : memref<1024x512xf32, #tpu.memory_space<hbm>> -> memref<1024x16xf32, #tpu.memory_space<hbm>>
      %dma_wait3A_21 = arith.constant 0 : i32
      %dma_wait3A_22 = tpu.memref_slice %arg2[%dma_wait3A_21, %mul3A_2] : memref<1024x512xf32, #tpu.memory_space<hbm>> -> memref<1024x16xf32, #tpu.memory_space<hbm>>
      tpu.wait_dma2 semaphore(%run_scoped3A : memref<!tpu.dma_semaphore, #tpu.memory_space<semaphore_mem>>) src(%dma_wait3A_22 : memref<1024x16xf32, #tpu.memory_space<hbm>>) dst(%arg6 : memref<1024x16xf32, #tpu.memory_space<vmem>>)
      tpu.yield
    }) : () -> ()
    %broadcast_in_dim3A = arith.constant 0.000000e+00 : f32
    %broadcast_in_dim3A_3 = vector.broadcast %broadcast_in_dim3A : f32 to vector<16xf32>
    %scan3A = arith.constant 0 : i32
    %scan3A_4 = arith.constant 0 : i32
    %scan3A_5 = arith.constant 1024 : i32
    %scan3A_6 = arith.addi %scan3A_4, %scan3A_5 : i32
    %scan3A_7 = arith.constant 1 : i32
    %scan3A_8 = scf.for %scan3A_17 = %scan3A_4 to %scan3A_6 step %scan3A_7 iter_args(%scan3A_18 = %scan3A) -> (i32)  : i32 {
      %swap3A = arith.index_cast %scan3A_17 : i32 to index
      %swap3A_19 = arith.constant 0 : index
      %swap3A_20 = tpu.vector_load %arg7[%swap3A, %swap3A_19] {strides = array<i32>} : memref<1024x16xf32, #tpu.memory_space<vmem>>, vector<1x16xf32>,
      %swap3A_21 = vector.shape_cast %swap3A_20 : vector<1x16xf32> to vector<16xf32>
      %swap3A_22 = vector.shape_cast %broadcast_in_dim3A_3 : vector<16xf32> to vector<1x16xf32>
      tpu.vector_store %arg7[%swap3A, %swap3A_19], %swap3A_22 {strides = array<i32>} : memref<1024x16xf32, #tpu.memory_space<vmem>>, vector<1x16xf32>,
      %scan3A_23 = arith.constant 0 : i32
      scf.yield %scan3A_23 : i32
    }
    %scan3A_9 = arith.constant 1024 : i32
    %scan3A_10 = arith.constant 0 : i32
    %scan3A_11 = arith.constant 0 : i32
    %scan3A_12 = arith.constant 64 : i32
    %scan3A_13 = arith.addi %scan3A_11, %scan3A_12 : i32
    %scan3A_14 = arith.constant 1 : i32
    %scan3A_15 = scf.for %scan3A_17 = %scan3A_11 to %scan3A_13 step %scan3A_14 iter_args(%scan3A_18 = %scan3A_10) -> (i32)  : i32 {
      %mul3A_19 = arith.constant 16 : i32
      %mul3A_20 = arith.muli %scan3A_17, %mul3A_19 : i32
      %get3A = arith.index_cast %mul3A_20 : i32 to index
      %get3A_21 = tpu.vector_load %arg5[%get3A] {strides = array<i32>} : memref<1024xi32, #tpu.memory_space<vmem>>, vector<16xi32>,
      %get3A_22 = vector.shape_cast %get3A_21 : vector<16xi32> to vector<16xi32>
      %slice3A = vector.extract_strided_slice %get3A_22 {offsets = [0], sizes = [1], strides = [1]} : vector<16xi32> to vector<1xi32>
      %squeeze3A = vector.extract %slice3A[0] : i32 from vector<1xi32>
      %add3A_23 = arith.constant 0 : i32
      %add3A_24 = arith.addi %mul3A_20, %add3A_23 : i32
      %get3A_25 = arith.index_cast %add3A_24 : i32 to index
      %get3A_26 = arith.constant 0 : index
      %get3A_27 = tpu.vector_load %arg6[%get3A_25, %get3A_26] {strides = array<i32>} : memref<1024x16xf32, #tpu.memory_space<vmem>>, vector<1x16xf32>,
      %get3A_28 = vector.shape_cast %get3A_27 : vector<1x16xf32> to vector<16xf32>
      %swap3A = arith.index_cast %squeeze3A : i32 to index
      %swap3A_29 = arith.constant 0 : index
      %swap3A_30 = tpu.vector_load %arg7[%swap3A, %swap3A_29] {strides = array<i32>} : memref<1024x16xf32, #tpu.memory_space<vmem>>, vector<1x16xf32>,
      %swap3A_31 = vector.shape_cast %swap3A_30 : vector<1x16xf32> to vector<16xf32>
      %swap3A_32 = vector.shape_cast %get3A_28 : vector<16xf32> to vector<1x16xf32>
      tpu.vector_store %arg7[%swap3A, %swap3A_29], %swap3A_32 {add = true, strides = array<i32>} : memref<1024x16xf32, #tpu.memory_space<vmem>>, vector<1x16xf32>,
      %slice3A_33 = vector.extract_strided_slice %get3A_22 {offsets = [1], sizes = [1], strides = [1]} : vector<16xi32> to vector<1xi32>
      %squeeze3A_34 = vector.extract %slice3A_33[0] : i32 from vector<1xi32>
      %add3A_35 = arith.constant 1 : i32
      %add3A_36 = arith.addi %mul3A_20, %add3A_35 : i32
      %get3A_37 = arith.index_cast %add3A_36 : i32 to index
      %get3A_38 = arith.constant 0 : index
      %get3A_39 = tpu.vector_load %arg6[%get3A_37, %get3A_38] {strides = array<i32>} : memref<1024x16xf32, #tpu.memory_space<vmem>>, vector<1x16xf32>,
      %get3A_40 = vector.shape_cast %get3A_39 : vector<1x16xf32> to vector<16xf32>
      %swap3A_41 = arith.index_cast %squeeze3A_34 : i32 to index
      %swap3A_42 = arith.constant 0 : index
      %swap3A_43 = tpu.vector_load %arg7[%swap3A_41, %swap3A_42] {strides = array<i32>} : memref<1024x16xf32, #tpu.memory_space<vmem>>, vector<1x16xf32>,
      %swap3A_44 = vector.shape_cast %swap3A_43 : vector<1x16xf32> to vector<16xf32>
      %swap3A_45 = vector.shape_cast %get3A_40 : vector<16xf32> to vector<1x16xf32>
      tpu.vector_store %arg7[%swap3A_41, %swap3A_42], %swap3A_45 {add = true, strides = array<i32>} : memref<1024x16xf32, #tpu.memory_space<vmem>>, vector<1x16xf32>,
      %slice3A_46 = vector.extract_strided_slice %get3A_22 {offsets = [2], sizes = [1], strides = [1]} : vector<16xi32> to vector<1xi32>
      %squeeze3A_47 = vector.extract %slice3A_46[0] : i32 from vector<1xi32>
      %add3A_48 = arith.constant 2 : i32
      %add3A_49 = arith.addi %mul3A_20, %add3A_48 : i32
      %get3A_50 = arith.index_cast %add3A_49 : i32 to index
      %get3A_51 = arith.constant 0 : index
      %get3A_52 = tpu.vector_load %arg6[%get3A_50, %get3A_51] {strides = array<i32>} : memref<1024x16xf32, #tpu.memory_space<vmem>>, vector<1x16xf32>,
      %get3A_53 = vector.shape_cast %get3A_52 : vector<1x16xf32> to vector<16xf32>
      %swap3A_54 = arith.index_cast %squeeze3A_47 : i32 to index
      %swap3A_55 = arith.constant 0 : index
      %swap3A_56 = tpu.vector_load %arg7[%swap3A_54, %swap3A_55] {strides = array<i32>} : memref<1024x16xf32, #tpu.memory_space<vmem>>, vector<1x16xf32>,
      %swap3A_57 = vector.shape_cast %swap3A_56 : vector<1x16xf32> to vector<16xf32>
      %swap3A_58 = vector.shape_cast %get3A_53 : vector<16xf32> to vector<1x16xf32>
      tpu.vector_store %arg7[%swap3A_54, %swap3A_55], %swap3A_58 {add = true, strides = array<i32>} : memref<1024x16xf32, #tpu.memory_space<vmem>>, vector<1x16xf32>,
      %slice3A_59 = vector.extract_strided_slice %get3A_22 {offsets = [3], sizes = [1], strides = [1]} : vector<16xi32> to vector<1xi32>
      %squeeze3A_60 = vector.extract %slice3A_59[0] : i32 from vector<1xi32>
      %add3A_61 = arith.constant 3 : i32
      %add3A_62 = arith.addi %mul3A_20, %add3A_61 : i32
      %get3A_63 = arith.index_cast %add3A_62 : i32 to index
      %get3A_64 = arith.constant 0 : index
      %get3A_65 = tpu.vector_load %arg6[%get3A_63, %get3A_64] {strides = array<i32>} : memref<1024x16xf32, #tpu.memory_space<vmem>>, vector<1x16xf32>,
      %get3A_66 = vector.shape_cast %get3A_65 : vector<1x16xf32> to vector<16xf32>
      %swap3A_67 = arith.index_cast %squeeze3A_60 : i32 to index
      %swap3A_68 = arith.constant 0 : index
      %swap3A_69 = tpu.vector_load %arg7[%swap3A_67, %swap3A_68] {strides = array<i32>} : memref<1024x16xf32, #tpu.memory_space<vmem>>, vector<1x16xf32>,
      %swap3A_70 = vector.shape_cast %swap3A_69 : vector<1x16xf32> to vector<16xf32>
      %swap3A_71 = vector.shape_cast %get3A_66 : vector<16xf32> to vector<1x16xf32>
      tpu.vector_store %arg7[%swap3A_67, %swap3A_68], %swap3A_71 {add = true, strides = array<i32>} : memref<1024x16xf32, #tpu.memory_space<vmem>>, vector<1x16xf32>,
      %slice3A_72 = vector.extract_strided_slice %get3A_22 {offsets = [4], sizes = [1], strides = [1]} : vector<16xi32> to vector<1xi32>
      %squeeze3A_73 = vector.extract %slice3A_72[0] : i32 from vector<1xi32>
      %add3A_74 = arith.constant 4 : i32
      %add3A_75 = arith.addi %mul3A_20, %add3A_74 : i32
      %get3A_76 = arith.index_cast %add3A_75 : i32 to index
      %get3A_77 = arith.constant 0 : index
      %get3A_78 = tpu.vector_load %arg6[%get3A_76, %get3A_77] {strides = array<i32>} : memref<1024x16xf32, #tpu.memory_space<vmem>>, vector<1x16xf32>,
      %get3A_79 = vector.shape_cast %get3A_78 : vector<1x16xf32> to vector<16xf32>
      %swap3A_80 = arith.index_cast %squeeze3A_73 : i32 to index
      %swap3A_81 = arith.constant 0 : index
      %swap3A_82 = tpu.vector_load %arg7[%swap3A_80, %swap3A_81] {strides = array<i32>} : memref<1024x16xf32, #tpu.memory_space<vmem>>, vector<1x16xf32>,
      %swap3A_83 = vector.shape_cast %swap3A_82 : vector<1x16xf32> to vector<16xf32>
      %swap3A_84 = vector.shape_cast %get3A_79 : vector<16xf32> to vector<1x16xf32>
      tpu.vector_store %arg7[%swap3A_80, %swap3A_81], %swap3A_84 {add = true, strides = array<i32>} : memref<1024x16xf32, #tpu.memory_space<vmem>>, vector<1x16xf32>,
      %slice3A_85 = vector.extract_strided_slice %get3A_22 {offsets = [5], sizes = [1], strides = [1]} : vector<16xi32> to vector<1xi32>
      %squeeze3A_86 = vector.extract %slice3A_85[0] : i32 from vector<1xi32>
      %add3A_87 = arith.constant 5 : i32
      %add3A_88 = arith.addi %mul3A_20, %add3A_87 : i32
      %get3A_89 = arith.index_cast %add3A_88 : i32 to index
      %get3A_90 = arith.constant 0 : index
      %get3A_91 = tpu.vector_load %arg6[%get3A_89, %get3A_90] {strides = array<i32>} : memref<1024x16xf32, #tpu.memory_space<vmem>>, vector<1x16xf32>,
      %get3A_92 = vector.shape_cast %get3A_91 : vector<1x16xf32> to vector<16xf32>
      %swap3A_93 = arith.index_cast %squeeze3A_86 : i32 to index
      %swap3A_94 = arith.constant 0 : index
      %swap3A_95 = tpu.vector_load %arg7[%swap3A_93, %swap3A_94] {strides = array<i32>} : memref<1024x16xf32, #tpu.memory_space<vmem>>, vector<1x16xf32>,
      %swap3A_96 = vector.shape_cast %swap3A_95 : vector<1x16xf32> to vector<16xf32>
      %swap3A_97 = vector.shape_cast %get3A_92 : vector<16xf32> to vector<1x16xf32>
      tpu.vector_store %arg7[%swap3A_93, %swap3A_94], %swap3A_97 {add = true, strides = array<i32>} : memref<1024x16xf32, #tpu.memory_space<vmem>>, vector<1x16xf32>,
      %slice3A_98 = vector.extract_strided_slice %get3A_22 {offsets = [6], sizes = [1], strides = [1]} : vector<16xi32> to vector<1xi32>
      %squeeze3A_99 = vector.extract %slice3A_98[0] : i32 from vector<1xi32>
      %add3A_100 = arith.constant 6 : i32
      %add3A_101 = arith.addi %mul3A_20, %add3A_100 : i32
      %get3A_102 = arith.index_cast %add3A_101 : i32 to index
      %get3A_103 = arith.constant 0 : index
      %get3A_104 = tpu.vector_load %arg6[%get3A_102, %get3A_103] {strides = array<i32>} : memref<1024x16xf32, #tpu.memory_space<vmem>>, vector<1x16xf32>,
      %get3A_105 = vector.shape_cast %get3A_104 : vector<1x16xf32> to vector<16xf32>
      %swap3A_106 = arith.index_cast %squeeze3A_99 : i32 to index
      %swap3A_107 = arith.constant 0 : index
      %swap3A_108 = tpu.vector_load %arg7[%swap3A_106, %swap3A_107] {strides = array<i32>} : memref<1024x16xf32, #tpu.memory_space<vmem>>, vector<1x16xf32>,
      %swap3A_109 = vector.shape_cast %swap3A_108 : vector<1x16xf32> to vector<16xf32>
      %swap3A_110 = vector.shape_cast %get3A_105 : vector<16xf32> to vector<1x16xf32>
      tpu.vector_store %arg7[%swap3A_106, %swap3A_107], %swap3A_110 {add = true, strides = array<i32>} : memref<1024x16xf32, #tpu.memory_space<vmem>>, vector<1x16xf32>,
      %slice3A_111 = vector.extract_strided_slice %get3A_22 {offsets = [7], sizes = [1], strides = [1]} : vector<16xi32> to vector<1xi32>
      %squeeze3A_112 = vector.extract %slice3A_111[0] : i32 from vector<1xi32>
      %add3A_113 = arith.constant 7 : i32
      %add3A_114 = arith.addi %mul3A_20, %add3A_113 : i32
      %get3A_115 = arith.index_cast %add3A_114 : i32 to index
      %get3A_116 = arith.constant 0 : index
      %get3A_117 = tpu.vector_load %arg6[%get3A_115, %get3A_116] {strides = array<i32>} : memref<1024x16xf32, #tpu.memory_space<vmem>>, vector<1x16xf32>,
      %get3A_118 = vector.shape_cast %get3A_117 : vector<1x16xf32> to vector<16xf32>
      %swap3A_119 = arith.index_cast %squeeze3A_112 : i32 to index
      %swap3A_120 = arith.constant 0 : index
      %swap3A_121 = tpu.vector_load %arg7[%swap3A_119, %swap3A_120] {strides = array<i32>} : memref<1024x16xf32, #tpu.memory_space<vmem>>, vector<1x16xf32>,
      %swap3A_122 = vector.shape_cast %swap3A_121 : vector<1x16xf32> to vector<16xf32>
      %swap3A_123 = vector.shape_cast %get3A_118 : vector<16xf32> to vector<1x16xf32>
      tpu.vector_store %arg7[%swap3A_119, %swap3A_120], %swap3A_123 {add = true, strides = array<i32>} : memref<1024x16xf32, #tpu.memory_space<vmem>>, vector<1x16xf32>,
      %slice3A_124 = vector.extract_strided_slice %get3A_22 {offsets = [8], sizes = [1], strides = [1]} : vector<16xi32> to vector<1xi32>
      %squeeze3A_125 = vector.extract %slice3A_124[0] : i32 from vector<1xi32>
      %add3A_126 = arith.constant 8 : i32
      %add3A_127 = arith.addi %mul3A_20, %add3A_126 : i32
      %get3A_128 = arith.index_cast %add3A_127 : i32 to index
      %get3A_129 = arith.constant 0 : index
      %get3A_130 = tpu.vector_load %arg6[%get3A_128, %get3A_129] {strides = array<i32>} : memref<1024x16xf32, #tpu.memory_space<vmem>>, vector<1x16xf32>,
      %get3A_131 = vector.shape_cast %get3A_130 : vector<1x16xf32> to vector<16xf32>
      %swap3A_132 = arith.index_cast %squeeze3A_125 : i32 to index
      %swap3A_133 = arith.constant 0 : index
      %swap3A_134 = tpu.vector_load %arg7[%swap3A_132, %swap3A_133] {strides = array<i32>} : memref<1024x16xf32, #tpu.memory_space<vmem>>, vector<1x16xf32>,
      %swap3A_135 = vector.shape_cast %swap3A_134 : vector<1x16xf32> to vector<16xf32>
      %swap3A_136 = vector.shape_cast %get3A_131 : vector<16xf32> to vector<1x16xf32>
      tpu.vector_store %arg7[%swap3A_132, %swap3A_133], %swap3A_136 {add = true, strides = array<i32>} : memref<1024x16xf32, #tpu.memory_space<vmem>>, vector<1x16xf32>,
      %slice3A_137 = vector.extract_strided_slice %get3A_22 {offsets = [9], sizes = [1], strides = [1]} : vector<16xi32> to vector<1xi32>
      %squeeze3A_138 = vector.extract %slice3A_137[0] : i32 from vector<1xi32>
      %add3A_139 = arith.constant 9 : i32
      %add3A_140 = arith.addi %mul3A_20, %add3A_139 : i32
      %get3A_141 = arith.index_cast %add3A_140 : i32 to index
      %get3A_142 = arith.constant 0 : index
      %get3A_143 = tpu.vector_load %arg6[%get3A_141, %get3A_142] {strides = array<i32>} : memref<1024x16xf32, #tpu.memory_space<vmem>>, vector<1x16xf32>,
      %get3A_144 = vector.shape_cast %get3A_143 : vector<1x16xf32> to vector<16xf32>
      %swap3A_145 = arith.index_cast %squeeze3A_138 : i32 to index
      %swap3A_146 = arith.constant 0 : index
      %swap3A_147 = tpu.vector_load %arg7[%swap3A_145, %swap3A_146] {strides = array<i32>} : memref<1024x16xf32, #tpu.memory_space<vmem>>, vector<1x16xf32>,
      %swap3A_148 = vector.shape_cast %swap3A_147 : vector<1x16xf32> to vector<16xf32>
      %swap3A_149 = vector.shape_cast %get3A_144 : vector<16xf32> to vector<1x16xf32>
      tpu.vector_store %arg7[%swap3A_145, %swap3A_146], %swap3A_149 {add = true, strides = array<i32>} : memref<1024x16xf32, #tpu.memory_space<vmem>>, vector<1x16xf32>,
      %slice3A_150 = vector.extract_strided_slice %get3A_22 {offsets = [10], sizes = [1], strides = [1]} : vector<16xi32> to vector<1xi32>
      %squeeze3A_151 = vector.extract %slice3A_150[0] : i32 from vector<1xi32>
      %add3A_152 = arith.constant 10 : i32
      %add3A_153 = arith.addi %mul3A_20, %add3A_152 : i32
      %get3A_154 = arith.index_cast %add3A_153 : i32 to index
      %get3A_155 = arith.constant 0 : index
      %get3A_156 = tpu.vector_load %arg6[%get3A_154, %get3A_155] {strides = array<i32>} : memref<1024x16xf32, #tpu.memory_space<vmem>>, vector<1x16xf32>,
      %get3A_157 = vector.shape_cast %get3A_156 : vector<1x16xf32> to vector<16xf32>
      %swap3A_158 = arith.index_cast %squeeze3A_151 : i32 to index
      %swap3A_159 = arith.constant 0 : index
      %swap3A_160 = tpu.vector_load %arg7[%swap3A_158, %swap3A_159] {strides = array<i32>} : memref<1024x16xf32, #tpu.memory_space<vmem>>, vector<1x16xf32>,
      %swap3A_161 = vector.shape_cast %swap3A_160 : vector<1x16xf32> to vector<16xf32>
      %swap3A_162 = vector.shape_cast %get3A_157 : vector<16xf32> to vector<1x16xf32>
      tpu.vector_store %arg7[%swap3A_158, %swap3A_159], %swap3A_162 {add = true, strides = array<i32>} : memref<1024x16xf32, #tpu.memory_space<vmem>>, vector<1x16xf32>,
      %slice3A_163 = vector.extract_strided_slice %get3A_22 {offsets = [11], sizes = [1], strides = [1]} : vector<16xi32> to vector<1xi32>
      %squeeze3A_164 = vector.extract %slice3A_163[0] : i32 from vector<1xi32>
      %add3A_165 = arith.constant 11 : i32
      %add3A_166 = arith.addi %mul3A_20, %add3A_165 : i32
      %get3A_167 = arith.index_cast %add3A_166 : i32 to index
      %get3A_168 = arith.constant 0 : index
      %get3A_169 = tpu.vector_load %arg6[%get3A_167, %get3A_168] {strides = array<i32>} : memref<1024x16xf32, #tpu.memory_space<vmem>>, vector<1x16xf32>,
      %get3A_170 = vector.shape_cast %get3A_169 : vector<1x16xf32> to vector<16xf32>
      %swap3A_171 = arith.index_cast %squeeze3A_164 : i32 to index
      %swap3A_172 = arith.constant 0 : index
      %swap3A_173 = tpu.vector_load %arg7[%swap3A_171, %swap3A_172] {strides = array<i32>} : memref<1024x16xf32, #tpu.memory_space<vmem>>, vector<1x16xf32>,
      %swap3A_174 = vector.shape_cast %swap3A_173 : vector<1x16xf32> to vector<16xf32>
      %swap3A_175 = vector.shape_cast %get3A_170 : vector<16xf32> to vector<1x16xf32>
      tpu.vector_store %arg7[%swap3A_171, %swap3A_172], %swap3A_175 {add = true, strides = array<i32>} : memref<1024x16xf32, #tpu.memory_space<vmem>>, vector<1x16xf32>,
      %slice3A_176 = vector.extract_strided_slice %get3A_22 {offsets = [12], sizes = [1], strides = [1]} : vector<16xi32> to vector<1xi32>
      %squeeze3A_177 = vector.extract %slice3A_176[0] : i32 from vector<1xi32>
      %add3A_178 = arith.constant 12 : i32
      %add3A_179 = arith.addi %mul3A_20, %add3A_178 : i32
      %get3A_180 = arith.index_cast %add3A_179 : i32 to index
      %get3A_181 = arith.constant 0 : index
      %get3A_182 = tpu.vector_load %arg6[%get3A_180, %get3A_181] {strides = array<i32>} : memref<1024x16xf32, #tpu.memory_space<vmem>>, vector<1x16xf32>,
      %get3A_183 = vector.shape_cast %get3A_182 : vector<1x16xf32> to vector<16xf32>
      %swap3A_184 = arith.index_cast %squeeze3A_177 : i32 to index
      %swap3A_185 = arith.constant 0 : index
      %swap3A_186 = tpu.vector_load %arg7[%swap3A_184, %swap3A_185] {strides = array<i32>} : memref<1024x16xf32, #tpu.memory_space<vmem>>, vector<1x16xf32>,
      %swap3A_187 = vector.shape_cast %swap3A_186 : vector<1x16xf32> to vector<16xf32>
      %swap3A_188 = vector.shape_cast %get3A_183 : vector<16xf32> to vector<1x16xf32>
      tpu.vector_store %arg7[%swap3A_184, %swap3A_185], %swap3A_188 {add = true, strides = array<i32>} : memref<1024x16xf32, #tpu.memory_space<vmem>>, vector<1x16xf32>,
      %slice3A_189 = vector.extract_strided_slice %get3A_22 {offsets = [13], sizes = [1], strides = [1]} : vector<16xi32> to vector<1xi32>
      %squeeze3A_190 = vector.extract %slice3A_189[0] : i32 from vector<1xi32>
      %add3A_191 = arith.constant 13 : i32
      %add3A_192 = arith.addi %mul3A_20, %add3A_191 : i32
      %get3A_193 = arith.index_cast %add3A_192 : i32 to index
      %get3A_194 = arith.constant 0 : index
      %get3A_195 = tpu.vector_load %arg6[%get3A_193, %get3A_194] {strides = array<i32>} : memref<1024x16xf32, #tpu.memory_space<vmem>>, vector<1x16xf32>,
      %get3A_196 = vector.shape_cast %get3A_195 : vector<1x16xf32> to vector<16xf32>
      %swap3A_197 = arith.index_cast %squeeze3A_190 : i32 to index
      %swap3A_198 = arith.constant 0 : index
      %swap3A_199 = tpu.vector_load %arg7[%swap3A_197, %swap3A_198] {strides = array<i32>} : memref<1024x16xf32, #tpu.memory_space<vmem>>, vector<1x16xf32>,
      %swap3A_200 = vector.shape_cast %swap3A_199 : vector<1x16xf32> to vector<16xf32>
      %swap3A_201 = vector.shape_cast %get3A_196 : vector<16xf32> to vector<1x16xf32>
      tpu.vector_store %arg7[%swap3A_197, %swap3A_198], %swap3A_201 {add = true, strides = array<i32>} : memref<1024x16xf32, #tpu.memory_space<vmem>>, vector<1x16xf32>,
      %slice3A_202 = vector.extract_strided_slice %get3A_22 {offsets = [14], sizes = [1], strides = [1]} : vector<16xi32> to vector<1xi32>
      %squeeze3A_203 = vector.extract %slice3A_202[0] : i32 from vector<1xi32>
      %add3A_204 = arith.constant 14 : i32
      %add3A_205 = arith.addi %mul3A_20, %add3A_204 : i32
      %get3A_206 = arith.index_cast %add3A_205 : i32 to index
      %get3A_207 = arith.constant 0 : index
      %get3A_208 = tpu.vector_load %arg6[%get3A_206, %get3A_207] {strides = array<i32>} : memref<1024x16xf32, #tpu.memory_space<vmem>>, vector<1x16xf32>,
      %get3A_209 = vector.shape_cast %get3A_208 : vector<1x16xf32> to vector<16xf32>
      %swap3A_210 = arith.index_cast %squeeze3A_203 : i32 to index
      %swap3A_211 = arith.constant 0 : index
      %swap3A_212 = tpu.vector_load %arg7[%swap3A_210, %swap3A_211] {strides = array<i32>} : memref<1024x16xf32, #tpu.memory_space<vmem>>, vector<1x16xf32>,
      %swap3A_213 = vector.shape_cast %swap3A_212 : vector<1x16xf32> to vector<16xf32>
      %swap3A_214 = vector.shape_cast %get3A_209 : vector<16xf32> to vector<1x16xf32>
      tpu.vector_store %arg7[%swap3A_210, %swap3A_211], %swap3A_214 {add = true, strides = array<i32>} : memref<1024x16xf32, #tpu.memory_space<vmem>>, vector<1x16xf32>,
      %slice3A_215 = vector.extract_strided_slice %get3A_22 {offsets = [15], sizes = [1], strides = [1]} : vector<16xi32> to vector<1xi32>
      %squeeze3A_216 = vector.extract %slice3A_215[0] : i32 from vector<1xi32>
      %add3A_217 = arith.constant 15 : i32
      %add3A_218 = arith.addi %mul3A_20, %add3A_217 : i32
      %get3A_219 = arith.index_cast %add3A_218 : i32 to index
      %get3A_220 = arith.constant 0 : index
      %get3A_221 = tpu.vector_load %arg6[%get3A_219, %get3A_220] {strides = array<i32>} : memref<1024x16xf32, #tpu.memory_space<vmem>>, vector<1x16xf32>,
      %get3A_222 = vector.shape_cast %get3A_221 : vector<1x16xf32> to vector<16xf32>
      %swap3A_223 = arith.index_cast %squeeze3A_216 : i32 to index
      %swap3A_224 = arith.constant 0 : index
      %swap3A_225 = tpu.vector_load %arg7[%swap3A_223, %swap3A_224] {strides = array<i32>} : memref<1024x16xf32, #tpu.memory_space<vmem>>, vector<1x16xf32>,
      %swap3A_226 = vector.shape_cast %swap3A_225 : vector<1x16xf32> to vector<16xf32>
      %swap3A_227 = vector.shape_cast %get3A_222 : vector<16xf32> to vector<1x16xf32>
      tpu.vector_store %arg7[%swap3A_223, %swap3A_224], %swap3A_227 {add = true, strides = array<i32>} : memref<1024x16xf32, #tpu.memory_space<vmem>>, vector<1x16xf32>,
      %scan3A_228 = arith.constant 0 : i32
      scf.yield %scan3A_228 : i32
    }
    %scan3A_16 = arith.constant 64 : i32
    "tpu.region"() ({
      %run_scoped3A = tpu.sem_alloc : memref<!tpu.dma_semaphore, #tpu.memory_space<semaphore_mem>>
      %dma_start3A = arith.constant 0 : i32
      %dma_start3A_17 = tpu.memref_slice %arg4[%dma_start3A, %mul3A_2] : memref<1024x512xf32, #tpu.memory_space<hbm>> -> memref<1024x16xf32, #tpu.memory_space<hbm>>
      %dma_start3A_18 = arith.constant 0 : i32
      %dma_start3A_19 = tpu.memref_slice %arg4[%dma_start3A_18, %mul3A_2] : memref<1024x512xf32, #tpu.memory_space<hbm>> -> memref<1024x16xf32, #tpu.memory_space<hbm>>
      tpu.enqueue_dma source(%arg7 : memref<1024x16xf32, #tpu.memory_space<vmem>>) target(%dma_start3A_19 : memref<1024x16xf32, #tpu.memory_space<hbm>>) target_semaphore(%run_scoped3A : memref<!tpu.dma_semaphore, #tpu.memory_space<semaphore_mem>>)
      %dma_wait3A = arith.constant 0 : i32
      %dma_wait3A_20 = tpu.memref_slice %arg4[%dma_wait3A, %mul3A_2] : memref<1024x512xf32, #tpu.memory_space<hbm>> -> memref<1024x16xf32, #tpu.memory_space<hbm>>
      %dma_wait3A_21 = arith.constant 0 : i32
      %dma_wait3A_22 = tpu.memref_slice %arg4[%dma_wait3A_21, %mul3A_2] : memref<1024x512xf32, #tpu.memory_space<hbm>> -> memref<1024x16xf32, #tpu.memory_space<hbm>>
      tpu.wait_dma2 semaphore(%run_scoped3A : memref<!tpu.dma_semaphore, #tpu.memory_space<semaphore_mem>>) src(%arg7 : memref<1024x16xf32, #tpu.memory_space<vmem>>) dst(%dma_wait3A_22 : memref<1024x16xf32, #tpu.memory_space<hbm>>)
      tpu.yield
    }) : () -> ()
    return
  }
}

module attributes {stable_mosaic.version = 14 : i64} {
  func.func @_finish_body(%arg0: memref<1x1xf32, #tpu.memory_space<vmem>>, %arg1: memref<1024x1xf32, #tpu.memory_space<vmem>>, %arg2: memref<1000x512xf32, #tpu.memory_space<vmem>>, %arg3: memref<524288xf32, #tpu.memory_space<vmem>>, %arg4: memref<1x1xf32, #tpu.memory_space<vmem>>) attributes {dimension_semantics = [], scalar_prefetch = 0 : i64, scratch_operands = 0 : i64, tpu.core_type = #tpu.core_type<tc>} {
    %get3A = arith.constant 0 : index
    %get3A_0 = vector.load %arg3[%get3A] : memref<524288xf32, #tpu.memory_space<vmem>>, vector<65536xf32>
    %reshape3A = vector.shape_cast %get3A_0 : vector<65536xf32> to vector<128x512xf32>
    %get3A_1 = arith.constant 0 : index
    %get3A_2 = arith.constant 0 : index
    %get3A_3 = vector.load %arg1[%get3A_1, %get3A_2] : memref<1024x1xf32, #tpu.memory_space<vmem>>, vector<128x1xf32>
    %get3A_4 = arith.constant 0 : index
    %get3A_5 = arith.constant 0 : index
    %get3A_6 = vector.load %arg2[%get3A_4, %get3A_5] : memref<1000x512xf32, #tpu.memory_space<vmem>>, vector<128x512xf32>
    %add3A = arith.constant 1.000000e-16 : f32
    %add3A_7 = vector.broadcast %add3A : f32 to vector<128x1xf32>
    %add3A_8 = arith.addf %get3A_3, %add3A_7 : vector<128x1xf32>
    %div3A = vector.broadcast %add3A_8 : vector<128x1xf32> to vector<128x512xf32>
    %div3A_9 = arith.divf %reshape3A, %div3A : vector<128x512xf32>
    %gt3A = arith.constant 0.000000e+00 : f32
    %gt3A_10 = vector.broadcast %gt3A : f32 to vector<128x1xf32>
    %gt3A_11 = arith.cmpf ogt, %get3A_3, %gt3A_10 : vector<128x1xf32>
    %mul3A = arith.constant 0.899999976 : f32
    %mul3A_12 = vector.broadcast %mul3A : f32 to vector<128x512xf32>
    %mul3A_13 = arith.mulf %mul3A_12, %get3A_6 : vector<128x512xf32>
    %mul3A_14 = arith.constant 1.000000e-01 : f32
    %mul3A_15 = vector.broadcast %mul3A_14 : f32 to vector<128x512xf32>
    %mul3A_16 = arith.mulf %mul3A_15, %div3A_9 : vector<128x512xf32>
    %add3A_17 = arith.addf %mul3A_13, %mul3A_16 : vector<128x512xf32>
    %broadcast_in_dim3A = vector.shape_cast %gt3A_11 : vector<128x1xi1> to vector<128x1xi1>
    %broadcast_in_dim3A_18 = vector.broadcast %broadcast_in_dim3A : vector<128x1xi1> to vector<128x512xi1>
    %select_n3A = arith.select %broadcast_in_dim3A_18, %add3A_17, %get3A_6 : vector<128x512xi1>, vector<128x512xf32>
    %mul3A_19 = arith.mulf %select_n3A, %select_n3A : vector<128x512xf32>
    %reduce_sum3A = arith.constant dense<0.000000e+00> : vector<128xf32>
    %reduce_sum3A_20 = vector.multi_reduction <add>, %mul3A_19, %reduce_sum3A [1] : vector<128x512xf32> to vector<128xf32>
    %broadcast_in_dim3A_21 = vector.shape_cast %reduce_sum3A_20 : vector<128xf32> to vector<128x1xf32>
    %sqrt3A = math.sqrt %broadcast_in_dim3A_21 : vector<128x1xf32>
    %max3A = arith.constant 9.99999996E-13 : f32
    %max3A_22 = vector.broadcast %max3A : f32 to vector<128x1xf32>
    %max3A_23 = arith.maximumf %sqrt3A, %max3A_22 : vector<128x1xf32>
    %mul3A_24 = arith.mulf %select_n3A, %reshape3A : vector<128x512xf32>
    %reduce_sum3A_25 = arith.constant dense<0.000000e+00> : vector<128xf32>
    %reduce_sum3A_26 = vector.multi_reduction <add>, %mul3A_24, %reduce_sum3A_25 [1] : vector<128x512xf32> to vector<128xf32>
    %broadcast_in_dim3A_27 = vector.shape_cast %reduce_sum3A_26 : vector<128xf32> to vector<128x1xf32>
    %div3A_28 = arith.divf %broadcast_in_dim3A_27, %max3A_23 : vector<128x1xf32>
    %reduce_sum3A_29 = vector.shape_cast %div3A_28 : vector<128x1xf32> to vector<1x128x1xf32>
    %reduce_sum3A_30 = arith.constant dense<0.000000e+00> : vector<1xf32>
    %reduce_sum3A_31 = vector.multi_reduction <add>, %reduce_sum3A_29, %reduce_sum3A_30 [1, 2] : vector<1x128x1xf32> to vector<1xf32>
    %reduce_sum3A_32 = vector.shape_cast %reduce_sum3A_31 : vector<1xf32> to vector<1x1x1xf32>
    %reduce_sum3A_33 = vector.extract %reduce_sum3A_32[0, 0, 0] : f32 from vector<1x1x1xf32>
    %add3A_34 = arith.constant 0.000000e+00 : f32
    %add3A_35 = arith.addf %add3A_34, %reduce_sum3A_33 : f32
    %get3A_36 = arith.constant 65536 : index
    %get3A_37 = vector.load %arg3[%get3A_36] : memref<524288xf32, #tpu.memory_space<vmem>>, vector<65536xf32>
    %reshape3A_38 = vector.shape_cast %get3A_37 : vector<65536xf32> to vector<128x512xf32>
    %get3A_39 = arith.constant 128 : index
    %get3A_40 = arith.constant 0 : index
    %get3A_41 = vector.load %arg1[%get3A_39, %get3A_40] : memref<1024x1xf32, #tpu.memory_space<vmem>>, vector<128x1xf32>
    %get3A_42 = arith.constant 128 : index
    %get3A_43 = arith.constant 0 : index
    %get3A_44 = vector.load %arg2[%get3A_42, %get3A_43] : memref<1000x512xf32, #tpu.memory_space<vmem>>, vector<128x512xf32>
    %add3A_45 = arith.constant 1.000000e-16 : f32
    %add3A_46 = vector.broadcast %add3A_45 : f32 to vector<128x1xf32>
    %add3A_47 = arith.addf %get3A_41, %add3A_46 : vector<128x1xf32>
    %div3A_48 = vector.broadcast %add3A_47 : vector<128x1xf32> to vector<128x512xf32>
    %div3A_49 = arith.divf %reshape3A_38, %div3A_48 : vector<128x512xf32>
    %gt3A_50 = arith.constant 0.000000e+00 : f32
    %gt3A_51 = vector.broadcast %gt3A_50 : f32 to vector<128x1xf32>
    %gt3A_52 = arith.cmpf ogt, %get3A_41, %gt3A_51 : vector<128x1xf32>
    %mul3A_53 = arith.constant 0.899999976 : f32
    %mul3A_54 = vector.broadcast %mul3A_53 : f32 to vector<128x512xf32>
    %mul3A_55 = arith.mulf %mul3A_54, %get3A_44 : vector<128x512xf32>
    %mul3A_56 = arith.constant 1.000000e-01 : f32
    %mul3A_57 = vector.broadcast %mul3A_56 : f32 to vector<128x512xf32>
    %mul3A_58 = arith.mulf %mul3A_57, %div3A_49 : vector<128x512xf32>
    %add3A_59 = arith.addf %mul3A_55, %mul3A_58 : vector<128x512xf32>
    %broadcast_in_dim3A_60 = vector.shape_cast %gt3A_52 : vector<128x1xi1> to vector<128x1xi1>
    %broadcast_in_dim3A_61 = vector.broadcast %broadcast_in_dim3A_60 : vector<128x1xi1> to vector<128x512xi1>
    %select_n3A_62 = arith.select %broadcast_in_dim3A_61, %add3A_59, %get3A_44 : vector<128x512xi1>, vector<128x512xf32>
    %mul3A_63 = arith.mulf %select_n3A_62, %select_n3A_62 : vector<128x512xf32>
    %reduce_sum3A_64 = arith.constant dense<0.000000e+00> : vector<128xf32>
    %reduce_sum3A_65 = vector.multi_reduction <add>, %mul3A_63, %reduce_sum3A_64 [1] : vector<128x512xf32> to vector<128xf32>
    %broadcast_in_dim3A_66 = vector.shape_cast %reduce_sum3A_65 : vector<128xf32> to vector<128x1xf32>
    %sqrt3A_67 = math.sqrt %broadcast_in_dim3A_66 : vector<128x1xf32>
    %max3A_68 = arith.constant 9.99999996E-13 : f32
    %max3A_69 = vector.broadcast %max3A_68 : f32 to vector<128x1xf32>
    %max3A_70 = arith.maximumf %sqrt3A_67, %max3A_69 : vector<128x1xf32>
    %mul3A_71 = arith.mulf %select_n3A_62, %reshape3A_38 : vector<128x512xf32>
    %reduce_sum3A_72 = arith.constant dense<0.000000e+00> : vector<128xf32>
    %reduce_sum3A_73 = vector.multi_reduction <add>, %mul3A_71, %reduce_sum3A_72 [1] : vector<128x512xf32> to vector<128xf32>
    %broadcast_in_dim3A_74 = vector.shape_cast %reduce_sum3A_73 : vector<128xf32> to vector<128x1xf32>
    %div3A_75 = arith.divf %broadcast_in_dim3A_74, %max3A_70 : vector<128x1xf32>
    %reduce_sum3A_76 = vector.shape_cast %div3A_75 : vector<128x1xf32> to vector<1x128x1xf32>
    %reduce_sum3A_77 = arith.constant dense<0.000000e+00> : vector<1xf32>
    %reduce_sum3A_78 = vector.multi_reduction <add>, %reduce_sum3A_76, %reduce_sum3A_77 [1, 2] : vector<1x128x1xf32> to vector<1xf32>
    %reduce_sum3A_79 = vector.shape_cast %reduce_sum3A_78 : vector<1xf32> to vector<1x1x1xf32>
    %reduce_sum3A_80 = vector.extract %reduce_sum3A_79[0, 0, 0] : f32 from vector<1x1x1xf32>
    %add3A_81 = arith.addf %add3A_35, %reduce_sum3A_80 : f32
    %get3A_82 = arith.constant 131072 : index
    %get3A_83 = vector.load %arg3[%get3A_82] : memref<524288xf32, #tpu.memory_space<vmem>>, vector<65536xf32>
    %reshape3A_84 = vector.shape_cast %get3A_83 : vector<65536xf32> to vector<128x512xf32>
    %get3A_85 = arith.constant 256 : index
    %get3A_86 = arith.constant 0 : index
    %get3A_87 = vector.load %arg1[%get3A_85, %get3A_86] : memref<1024x1xf32, #tpu.memory_space<vmem>>, vector<128x1xf32>
    %get3A_88 = arith.constant 256 : index
    %get3A_89 = arith.constant 0 : index
    %get3A_90 = vector.load %arg2[%get3A_88, %get3A_89] : memref<1000x512xf32, #tpu.memory_space<vmem>>, vector<128x512xf32>
    %add3A_91 = arith.constant 1.000000e-16 : f32
    %add3A_92 = vector.broadcast %add3A_91 : f32 to vector<128x1xf32>
    %add3A_93 = arith.addf %get3A_87, %add3A_92 : vector<128x1xf32>
    %div3A_94 = vector.broadcast %add3A_93 : vector<128x1xf32> to vector<128x512xf32>
    %div3A_95 = arith.divf %reshape3A_84, %div3A_94 : vector<128x512xf32>
    %gt3A_96 = arith.constant 0.000000e+00 : f32
    %gt3A_97 = vector.broadcast %gt3A_96 : f32 to vector<128x1xf32>
    %gt3A_98 = arith.cmpf ogt, %get3A_87, %gt3A_97 : vector<128x1xf32>
    %mul3A_99 = arith.constant 0.899999976 : f32
    %mul3A_100 = vector.broadcast %mul3A_99 : f32 to vector<128x512xf32>
    %mul3A_101 = arith.mulf %mul3A_100, %get3A_90 : vector<128x512xf32>
    %mul3A_102 = arith.constant 1.000000e-01 : f32
    %mul3A_103 = vector.broadcast %mul3A_102 : f32 to vector<128x512xf32>
    %mul3A_104 = arith.mulf %mul3A_103, %div3A_95 : vector<128x512xf32>
    %add3A_105 = arith.addf %mul3A_101, %mul3A_104 : vector<128x512xf32>
    %broadcast_in_dim3A_106 = vector.shape_cast %gt3A_98 : vector<128x1xi1> to vector<128x1xi1>
    %broadcast_in_dim3A_107 = vector.broadcast %broadcast_in_dim3A_106 : vector<128x1xi1> to vector<128x512xi1>
    %select_n3A_108 = arith.select %broadcast_in_dim3A_107, %add3A_105, %get3A_90 : vector<128x512xi1>, vector<128x512xf32>
    %mul3A_109 = arith.mulf %select_n3A_108, %select_n3A_108 : vector<128x512xf32>
    %reduce_sum3A_110 = arith.constant dense<0.000000e+00> : vector<128xf32>
    %reduce_sum3A_111 = vector.multi_reduction <add>, %mul3A_109, %reduce_sum3A_110 [1] : vector<128x512xf32> to vector<128xf32>
    %broadcast_in_dim3A_112 = vector.shape_cast %reduce_sum3A_111 : vector<128xf32> to vector<128x1xf32>
    %sqrt3A_113 = math.sqrt %broadcast_in_dim3A_112 : vector<128x1xf32>
    %max3A_114 = arith.constant 9.99999996E-13 : f32
    %max3A_115 = vector.broadcast %max3A_114 : f32 to vector<128x1xf32>
    %max3A_116 = arith.maximumf %sqrt3A_113, %max3A_115 : vector<128x1xf32>
    %mul3A_117 = arith.mulf %select_n3A_108, %reshape3A_84 : vector<128x512xf32>
    %reduce_sum3A_118 = arith.constant dense<0.000000e+00> : vector<128xf32>
    %reduce_sum3A_119 = vector.multi_reduction <add>, %mul3A_117, %reduce_sum3A_118 [1] : vector<128x512xf32> to vector<128xf32>
    %broadcast_in_dim3A_120 = vector.shape_cast %reduce_sum3A_119 : vector<128xf32> to vector<128x1xf32>
    %div3A_121 = arith.divf %broadcast_in_dim3A_120, %max3A_116 : vector<128x1xf32>
    %reduce_sum3A_122 = vector.shape_cast %div3A_121 : vector<128x1xf32> to vector<1x128x1xf32>
    %reduce_sum3A_123 = arith.constant dense<0.000000e+00> : vector<1xf32>
    %reduce_sum3A_124 = vector.multi_reduction <add>, %reduce_sum3A_122, %reduce_sum3A_123 [1, 2] : vector<1x128x1xf32> to vector<1xf32>
    %reduce_sum3A_125 = vector.shape_cast %reduce_sum3A_124 : vector<1xf32> to vector<1x1x1xf32>
    %reduce_sum3A_126 = vector.extract %reduce_sum3A_125[0, 0, 0] : f32 from vector<1x1x1xf32>
    %add3A_127 = arith.addf %add3A_81, %reduce_sum3A_126 : f32
    %get3A_128 = arith.constant 196608 : index
    %get3A_129 = vector.load %arg3[%get3A_128] : memref<524288xf32, #tpu.memory_space<vmem>>, vector<65536xf32>
    %reshape3A_130 = vector.shape_cast %get3A_129 : vector<65536xf32> to vector<128x512xf32>
    %get3A_131 = arith.constant 384 : index
    %get3A_132 = arith.constant 0 : index
    %get3A_133 = vector.load %arg1[%get3A_131, %get3A_132] : memref<1024x1xf32, #tpu.memory_space<vmem>>, vector<128x1xf32>
    %get3A_134 = arith.constant 384 : index
    %get3A_135 = arith.constant 0 : index
    %get3A_136 = vector.load %arg2[%get3A_134, %get3A_135] : memref<1000x512xf32, #tpu.memory_space<vmem>>, vector<128x512xf32>
    %add3A_137 = arith.constant 1.000000e-16 : f32
    %add3A_138 = vector.broadcast %add3A_137 : f32 to vector<128x1xf32>
    %add3A_139 = arith.addf %get3A_133, %add3A_138 : vector<128x1xf32>
    %div3A_140 = vector.broadcast %add3A_139 : vector<128x1xf32> to vector<128x512xf32>
    %div3A_141 = arith.divf %reshape3A_130, %div3A_140 : vector<128x512xf32>
    %gt3A_142 = arith.constant 0.000000e+00 : f32
    %gt3A_143 = vector.broadcast %gt3A_142 : f32 to vector<128x1xf32>
    %gt3A_144 = arith.cmpf ogt, %get3A_133, %gt3A_143 : vector<128x1xf32>
    %mul3A_145 = arith.constant 0.899999976 : f32
    %mul3A_146 = vector.broadcast %mul3A_145 : f32 to vector<128x512xf32>
    %mul3A_147 = arith.mulf %mul3A_146, %get3A_136 : vector<128x512xf32>
    %mul3A_148 = arith.constant 1.000000e-01 : f32
    %mul3A_149 = vector.broadcast %mul3A_148 : f32 to vector<128x512xf32>
    %mul3A_150 = arith.mulf %mul3A_149, %div3A_141 : vector<128x512xf32>
    %add3A_151 = arith.addf %mul3A_147, %mul3A_150 : vector<128x512xf32>
    %broadcast_in_dim3A_152 = vector.shape_cast %gt3A_144 : vector<128x1xi1> to vector<128x1xi1>
    %broadcast_in_dim3A_153 = vector.broadcast %broadcast_in_dim3A_152 : vector<128x1xi1> to vector<128x512xi1>
    %select_n3A_154 = arith.select %broadcast_in_dim3A_153, %add3A_151, %get3A_136 : vector<128x512xi1>, vector<128x512xf32>
    %mul3A_155 = arith.mulf %select_n3A_154, %select_n3A_154 : vector<128x512xf32>
    %reduce_sum3A_156 = arith.constant dense<0.000000e+00> : vector<128xf32>
    %reduce_sum3A_157 = vector.multi_reduction <add>, %mul3A_155, %reduce_sum3A_156 [1] : vector<128x512xf32> to vector<128xf32>
    %broadcast_in_dim3A_158 = vector.shape_cast %reduce_sum3A_157 : vector<128xf32> to vector<128x1xf32>
    %sqrt3A_159 = math.sqrt %broadcast_in_dim3A_158 : vector<128x1xf32>
    %max3A_160 = arith.constant 9.99999996E-13 : f32
    %max3A_161 = vector.broadcast %max3A_160 : f32 to vector<128x1xf32>
    %max3A_162 = arith.maximumf %sqrt3A_159, %max3A_161 : vector<128x1xf32>
    %mul3A_163 = arith.mulf %select_n3A_154, %reshape3A_130 : vector<128x512xf32>
    %reduce_sum3A_164 = arith.constant dense<0.000000e+00> : vector<128xf32>
    %reduce_sum3A_165 = vector.multi_reduction <add>, %mul3A_163, %reduce_sum3A_164 [1] : vector<128x512xf32> to vector<128xf32>
    %broadcast_in_dim3A_166 = vector.shape_cast %reduce_sum3A_165 : vector<128xf32> to vector<128x1xf32>
    %div3A_167 = arith.divf %broadcast_in_dim3A_166, %max3A_162 : vector<128x1xf32>
    %reduce_sum3A_168 = vector.shape_cast %div3A_167 : vector<128x1xf32> to vector<1x128x1xf32>
    %reduce_sum3A_169 = arith.constant dense<0.000000e+00> : vector<1xf32>
    %reduce_sum3A_170 = vector.multi_reduction <add>, %reduce_sum3A_168, %reduce_sum3A_169 [1, 2] : vector<1x128x1xf32> to vector<1xf32>
    %reduce_sum3A_171 = vector.shape_cast %reduce_sum3A_170 : vector<1xf32> to vector<1x1x1xf32>
    %reduce_sum3A_172 = vector.extract %reduce_sum3A_171[0, 0, 0] : f32 from vector<1x1x1xf32>
    %add3A_173 = arith.addf %add3A_127, %reduce_sum3A_172 : f32
    %get3A_174 = arith.constant 262144 : index
    %get3A_175 = vector.load %arg3[%get3A_174] : memref<524288xf32, #tpu.memory_space<vmem>>, vector<65536xf32>
    %reshape3A_176 = vector.shape_cast %get3A_175 : vector<65536xf32> to vector<128x512xf32>
    %get3A_177 = arith.constant 512 : index
    %get3A_178 = arith.constant 0 : index
    %get3A_179 = vector.load %arg1[%get3A_177, %get3A_178] : memref<1024x1xf32, #tpu.memory_space<vmem>>, vector<128x1xf32>
    %get3A_180 = arith.constant 512 : index
    %get3A_181 = arith.constant 0 : index
    %get3A_182 = vector.load %arg2[%get3A_180, %get3A_181] : memref<1000x512xf32, #tpu.memory_space<vmem>>, vector<128x512xf32>
    %add3A_183 = arith.constant 1.000000e-16 : f32
    %add3A_184 = vector.broadcast %add3A_183 : f32 to vector<128x1xf32>
    %add3A_185 = arith.addf %get3A_179, %add3A_184 : vector<128x1xf32>
    %div3A_186 = vector.broadcast %add3A_185 : vector<128x1xf32> to vector<128x512xf32>
    %div3A_187 = arith.divf %reshape3A_176, %div3A_186 : vector<128x512xf32>
    %gt3A_188 = arith.constant 0.000000e+00 : f32
    %gt3A_189 = vector.broadcast %gt3A_188 : f32 to vector<128x1xf32>
    %gt3A_190 = arith.cmpf ogt, %get3A_179, %gt3A_189 : vector<128x1xf32>
    %mul3A_191 = arith.constant 0.899999976 : f32
    %mul3A_192 = vector.broadcast %mul3A_191 : f32 to vector<128x512xf32>
    %mul3A_193 = arith.mulf %mul3A_192, %get3A_182 : vector<128x512xf32>
    %mul3A_194 = arith.constant 1.000000e-01 : f32
    %mul3A_195 = vector.broadcast %mul3A_194 : f32 to vector<128x512xf32>
    %mul3A_196 = arith.mulf %mul3A_195, %div3A_187 : vector<128x512xf32>
    %add3A_197 = arith.addf %mul3A_193, %mul3A_196 : vector<128x512xf32>
    %broadcast_in_dim3A_198 = vector.shape_cast %gt3A_190 : vector<128x1xi1> to vector<128x1xi1>
    %broadcast_in_dim3A_199 = vector.broadcast %broadcast_in_dim3A_198 : vector<128x1xi1> to vector<128x512xi1>
    %select_n3A_200 = arith.select %broadcast_in_dim3A_199, %add3A_197, %get3A_182 : vector<128x512xi1>, vector<128x512xf32>
    %mul3A_201 = arith.mulf %select_n3A_200, %select_n3A_200 : vector<128x512xf32>
    %reduce_sum3A_202 = arith.constant dense<0.000000e+00> : vector<128xf32>
    %reduce_sum3A_203 = vector.multi_reduction <add>, %mul3A_201, %reduce_sum3A_202 [1] : vector<128x512xf32> to vector<128xf32>
    %broadcast_in_dim3A_204 = vector.shape_cast %reduce_sum3A_203 : vector<128xf32> to vector<128x1xf32>
    %sqrt3A_205 = math.sqrt %broadcast_in_dim3A_204 : vector<128x1xf32>
    %max3A_206 = arith.constant 9.99999996E-13 : f32
    %max3A_207 = vector.broadcast %max3A_206 : f32 to vector<128x1xf32>
    %max3A_208 = arith.maximumf %sqrt3A_205, %max3A_207 : vector<128x1xf32>
    %mul3A_209 = arith.mulf %select_n3A_200, %reshape3A_176 : vector<128x512xf32>
    %reduce_sum3A_210 = arith.constant dense<0.000000e+00> : vector<128xf32>
    %reduce_sum3A_211 = vector.multi_reduction <add>, %mul3A_209, %reduce_sum3A_210 [1] : vector<128x512xf32> to vector<128xf32>
    %broadcast_in_dim3A_212 = vector.shape_cast %reduce_sum3A_211 : vector<128xf32> to vector<128x1xf32>
    %div3A_213 = arith.divf %broadcast_in_dim3A_212, %max3A_208 : vector<128x1xf32>
    %reduce_sum3A_214 = vector.shape_cast %div3A_213 : vector<128x1xf32> to vector<1x128x1xf32>
    %reduce_sum3A_215 = arith.constant dense<0.000000e+00> : vector<1xf32>
    %reduce_sum3A_216 = vector.multi_reduction <add>, %reduce_sum3A_214, %reduce_sum3A_215 [1, 2] : vector<1x128x1xf32> to vector<1xf32>
    %reduce_sum3A_217 = vector.shape_cast %reduce_sum3A_216 : vector<1xf32> to vector<1x1x1xf32>
    %reduce_sum3A_218 = vector.extract %reduce_sum3A_217[0, 0, 0] : f32 from vector<1x1x1xf32>
    %add3A_219 = arith.addf %add3A_173, %reduce_sum3A_218 : f32
    %get3A_220 = arith.constant 327680 : index
    %get3A_221 = vector.load %arg3[%get3A_220] : memref<524288xf32, #tpu.memory_space<vmem>>, vector<65536xf32>
    %reshape3A_222 = vector.shape_cast %get3A_221 : vector<65536xf32> to vector<128x512xf32>
    %get3A_223 = arith.constant 640 : index
    %get3A_224 = arith.constant 0 : index
    %get3A_225 = vector.load %arg1[%get3A_223, %get3A_224] : memref<1024x1xf32, #tpu.memory_space<vmem>>, vector<128x1xf32>
    %get3A_226 = arith.constant 640 : index
    %get3A_227 = arith.constant 0 : index
    %get3A_228 = vector.load %arg2[%get3A_226, %get3A_227] : memref<1000x512xf32, #tpu.memory_space<vmem>>, vector<128x512xf32>
    %add3A_229 = arith.constant 1.000000e-16 : f32
    %add3A_230 = vector.broadcast %add3A_229 : f32 to vector<128x1xf32>
    %add3A_231 = arith.addf %get3A_225, %add3A_230 : vector<128x1xf32>
    %div3A_232 = vector.broadcast %add3A_231 : vector<128x1xf32> to vector<128x512xf32>
    %div3A_233 = arith.divf %reshape3A_222, %div3A_232 : vector<128x512xf32>
    %gt3A_234 = arith.constant 0.000000e+00 : f32
    %gt3A_235 = vector.broadcast %gt3A_234 : f32 to vector<128x1xf32>
    %gt3A_236 = arith.cmpf ogt, %get3A_225, %gt3A_235 : vector<128x1xf32>
    %mul3A_237 = arith.constant 0.899999976 : f32
    %mul3A_238 = vector.broadcast %mul3A_237 : f32 to vector<128x512xf32>
    %mul3A_239 = arith.mulf %mul3A_238, %get3A_228 : vector<128x512xf32>
    %mul3A_240 = arith.constant 1.000000e-01 : f32
    %mul3A_241 = vector.broadcast %mul3A_240 : f32 to vector<128x512xf32>
    %mul3A_242 = arith.mulf %mul3A_241, %div3A_233 : vector<128x512xf32>
    %add3A_243 = arith.addf %mul3A_239, %mul3A_242 : vector<128x512xf32>
    %broadcast_in_dim3A_244 = vector.shape_cast %gt3A_236 : vector<128x1xi1> to vector<128x1xi1>
    %broadcast_in_dim3A_245 = vector.broadcast %broadcast_in_dim3A_244 : vector<128x1xi1> to vector<128x512xi1>
    %select_n3A_246 = arith.select %broadcast_in_dim3A_245, %add3A_243, %get3A_228 : vector<128x512xi1>, vector<128x512xf32>
    %mul3A_247 = arith.mulf %select_n3A_246, %select_n3A_246 : vector<128x512xf32>
    %reduce_sum3A_248 = arith.constant dense<0.000000e+00> : vector<128xf32>
    %reduce_sum3A_249 = vector.multi_reduction <add>, %mul3A_247, %reduce_sum3A_248 [1] : vector<128x512xf32> to vector<128xf32>
    %broadcast_in_dim3A_250 = vector.shape_cast %reduce_sum3A_249 : vector<128xf32> to vector<128x1xf32>
    %sqrt3A_251 = math.sqrt %broadcast_in_dim3A_250 : vector<128x1xf32>
    %max3A_252 = arith.constant 9.99999996E-13 : f32
    %max3A_253 = vector.broadcast %max3A_252 : f32 to vector<128x1xf32>
    %max3A_254 = arith.maximumf %sqrt3A_251, %max3A_253 : vector<128x1xf32>
    %mul3A_255 = arith.mulf %select_n3A_246, %reshape3A_222 : vector<128x512xf32>
    %reduce_sum3A_256 = arith.constant dense<0.000000e+00> : vector<128xf32>
    %reduce_sum3A_257 = vector.multi_reduction <add>, %mul3A_255, %reduce_sum3A_256 [1] : vector<128x512xf32> to vector<128xf32>
    %broadcast_in_dim3A_258 = vector.shape_cast %reduce_sum3A_257 : vector<128xf32> to vector<128x1xf32>
    %div3A_259 = arith.divf %broadcast_in_dim3A_258, %max3A_254 : vector<128x1xf32>
    %reduce_sum3A_260 = vector.shape_cast %div3A_259 : vector<128x1xf32> to vector<1x128x1xf32>
    %reduce_sum3A_261 = arith.constant dense<0.000000e+00> : vector<1xf32>
    %reduce_sum3A_262 = vector.multi_reduction <add>, %reduce_sum3A_260, %reduce_sum3A_261 [1, 2] : vector<1x128x1xf32> to vector<1xf32>
    %reduce_sum3A_263 = vector.shape_cast %reduce_sum3A_262 : vector<1xf32> to vector<1x1x1xf32>
    %reduce_sum3A_264 = vector.extract %reduce_sum3A_263[0, 0, 0] : f32 from vector<1x1x1xf32>
    %add3A_265 = arith.addf %add3A_219, %reduce_sum3A_264 : f32
    %get3A_266 = arith.constant 393216 : index
    %get3A_267 = vector.load %arg3[%get3A_266] : memref<524288xf32, #tpu.memory_space<vmem>>, vector<65536xf32>
    %reshape3A_268 = vector.shape_cast %get3A_267 : vector<65536xf32> to vector<128x512xf32>
    %get3A_269 = arith.constant 768 : index
    %get3A_270 = arith.constant 0 : index
    %get3A_271 = vector.load %arg1[%get3A_269, %get3A_270] : memref<1024x1xf32, #tpu.memory_space<vmem>>, vector<128x1xf32>
    %get3A_272 = arith.constant 768 : index
    %get3A_273 = arith.constant 0 : index
    %get3A_274 = vector.load %arg2[%get3A_272, %get3A_273] : memref<1000x512xf32, #tpu.memory_space<vmem>>, vector<128x512xf32>
    %add3A_275 = arith.constant 1.000000e-16 : f32
    %add3A_276 = vector.broadcast %add3A_275 : f32 to vector<128x1xf32>
    %add3A_277 = arith.addf %get3A_271, %add3A_276 : vector<128x1xf32>
    %div3A_278 = vector.broadcast %add3A_277 : vector<128x1xf32> to vector<128x512xf32>
    %div3A_279 = arith.divf %reshape3A_268, %div3A_278 : vector<128x512xf32>
    %gt3A_280 = arith.constant 0.000000e+00 : f32
    %gt3A_281 = vector.broadcast %gt3A_280 : f32 to vector<128x1xf32>
    %gt3A_282 = arith.cmpf ogt, %get3A_271, %gt3A_281 : vector<128x1xf32>
    %mul3A_283 = arith.constant 0.899999976 : f32
    %mul3A_284 = vector.broadcast %mul3A_283 : f32 to vector<128x512xf32>
    %mul3A_285 = arith.mulf %mul3A_284, %get3A_274 : vector<128x512xf32>
    %mul3A_286 = arith.constant 1.000000e-01 : f32
    %mul3A_287 = vector.broadcast %mul3A_286 : f32 to vector<128x512xf32>
    %mul3A_288 = arith.mulf %mul3A_287, %div3A_279 : vector<128x512xf32>
    %add3A_289 = arith.addf %mul3A_285, %mul3A_288 : vector<128x512xf32>
    %broadcast_in_dim3A_290 = vector.shape_cast %gt3A_282 : vector<128x1xi1> to vector<128x1xi1>
    %broadcast_in_dim3A_291 = vector.broadcast %broadcast_in_dim3A_290 : vector<128x1xi1> to vector<128x512xi1>
    %select_n3A_292 = arith.select %broadcast_in_dim3A_291, %add3A_289, %get3A_274 : vector<128x512xi1>, vector<128x512xf32>
    %mul3A_293 = arith.mulf %select_n3A_292, %select_n3A_292 : vector<128x512xf32>
    %reduce_sum3A_294 = arith.constant dense<0.000000e+00> : vector<128xf32>
    %reduce_sum3A_295 = vector.multi_reduction <add>, %mul3A_293, %reduce_sum3A_294 [1] : vector<128x512xf32> to vector<128xf32>
    %broadcast_in_dim3A_296 = vector.shape_cast %reduce_sum3A_295 : vector<128xf32> to vector<128x1xf32>
    %sqrt3A_297 = math.sqrt %broadcast_in_dim3A_296 : vector<128x1xf32>
    %max3A_298 = arith.constant 9.99999996E-13 : f32
    %max3A_299 = vector.broadcast %max3A_298 : f32 to vector<128x1xf32>
    %max3A_300 = arith.maximumf %sqrt3A_297, %max3A_299 : vector<128x1xf32>
    %mul3A_301 = arith.mulf %select_n3A_292, %reshape3A_268 : vector<128x512xf32>
    %reduce_sum3A_302 = arith.constant dense<0.000000e+00> : vector<128xf32>
    %reduce_sum3A_303 = vector.multi_reduction <add>, %mul3A_301, %reduce_sum3A_302 [1] : vector<128x512xf32> to vector<128xf32>
    %broadcast_in_dim3A_304 = vector.shape_cast %reduce_sum3A_303 : vector<128xf32> to vector<128x1xf32>
    %div3A_305 = arith.divf %broadcast_in_dim3A_304, %max3A_300 : vector<128x1xf32>
    %reduce_sum3A_306 = vector.shape_cast %div3A_305 : vector<128x1xf32> to vector<1x128x1xf32>
    %reduce_sum3A_307 = arith.constant dense<0.000000e+00> : vector<1xf32>
    %reduce_sum3A_308 = vector.multi_reduction <add>, %reduce_sum3A_306, %reduce_sum3A_307 [1, 2] : vector<1x128x1xf32> to vector<1xf32>
    %reduce_sum3A_309 = vector.shape_cast %reduce_sum3A_308 : vector<1xf32> to vector<1x1x1xf32>
    %reduce_sum3A_310 = vector.extract %reduce_sum3A_309[0, 0, 0] : f32 from vector<1x1x1xf32>
    %add3A_311 = arith.addf %add3A_265, %reduce_sum3A_310 : f32
    %get3A_312 = arith.constant 458752 : index
    %get3A_313 = vector.load %arg3[%get3A_312] : memref<524288xf32, #tpu.memory_space<vmem>>, vector<53248xf32>
    %reshape3A_314 = vector.shape_cast %get3A_313 : vector<53248xf32> to vector<104x512xf32>
    %get3A_315 = arith.constant 896 : index
    %get3A_316 = arith.constant 0 : index
    %get3A_317 = vector.load %arg1[%get3A_315, %get3A_316] : memref<1024x1xf32, #tpu.memory_space<vmem>>, vector<104x1xf32>
    %get3A_318 = arith.constant 896 : index
    %get3A_319 = arith.constant 0 : index
    %get3A_320 = vector.load %arg2[%get3A_318, %get3A_319] : memref<1000x512xf32, #tpu.memory_space<vmem>>, vector<104x512xf32>
    %add3A_321 = arith.constant 1.000000e-16 : f32
    %add3A_322 = vector.broadcast %add3A_321 : f32 to vector<104x1xf32>
    %add3A_323 = arith.addf %get3A_317, %add3A_322 : vector<104x1xf32>
    %div3A_324 = vector.broadcast %add3A_323 : vector<104x1xf32> to vector<104x512xf32>
    %div3A_325 = arith.divf %reshape3A_314, %div3A_324 : vector<104x512xf32>
    %gt3A_326 = arith.constant 0.000000e+00 : f32
    %gt3A_327 = vector.broadcast %gt3A_326 : f32 to vector<104x1xf32>
    %gt3A_328 = arith.cmpf ogt, %get3A_317, %gt3A_327 : vector<104x1xf32>
    %mul3A_329 = arith.constant 0.899999976 : f32
    %mul3A_330 = vector.broadcast %mul3A_329 : f32 to vector<104x512xf32>
    %mul3A_331 = arith.mulf %mul3A_330, %get3A_320 : vector<104x512xf32>
    %mul3A_332 = arith.constant 1.000000e-01 : f32
    %mul3A_333 = vector.broadcast %mul3A_332 : f32 to vector<104x512xf32>
    %mul3A_334 = arith.mulf %mul3A_333, %div3A_325 : vector<104x512xf32>
    %add3A_335 = arith.addf %mul3A_331, %mul3A_334 : vector<104x512xf32>
    %broadcast_in_dim3A_336 = vector.shape_cast %gt3A_328 : vector<104x1xi1> to vector<104x1xi1>
    %broadcast_in_dim3A_337 = vector.broadcast %broadcast_in_dim3A_336 : vector<104x1xi1> to vector<104x512xi1>
    %select_n3A_338 = arith.select %broadcast_in_dim3A_337, %add3A_335, %get3A_320 : vector<104x512xi1>, vector<104x512xf32>
    %mul3A_339 = arith.mulf %select_n3A_338, %select_n3A_338 : vector<104x512xf32>
    %reduce_sum3A_340 = arith.constant dense<0.000000e+00> : vector<104xf32>
    %reduce_sum3A_341 = vector.multi_reduction <add>, %mul3A_339, %reduce_sum3A_340 [1] : vector<104x512xf32> to vector<104xf32>
    %broadcast_in_dim3A_342 = vector.shape_cast %reduce_sum3A_341 : vector<104xf32> to vector<104x1xf32>
    %sqrt3A_343 = math.sqrt %broadcast_in_dim3A_342 : vector<104x1xf32>
    %max3A_344 = arith.constant 9.99999996E-13 : f32
    %max3A_345 = vector.broadcast %max3A_344 : f32 to vector<104x1xf32>
    %max3A_346 = arith.maximumf %sqrt3A_343, %max3A_345 : vector<104x1xf32>
    %mul3A_347 = arith.mulf %select_n3A_338, %reshape3A_314 : vector<104x512xf32>
    %reduce_sum3A_348 = arith.constant dense<0.000000e+00> : vector<104xf32>
    %reduce_sum3A_349 = vector.multi_reduction <add>, %mul3A_347, %reduce_sum3A_348 [1] : vector<104x512xf32> to vector<104xf32>
    %broadcast_in_dim3A_350 = vector.shape_cast %reduce_sum3A_349 : vector<104xf32> to vector<104x1xf32>
    %div3A_351 = arith.divf %broadcast_in_dim3A_350, %max3A_346 : vector<104x1xf32>
    %reduce_sum3A_352 = vector.shape_cast %div3A_351 : vector<104x1xf32> to vector<1x104x1xf32>
    %reduce_sum3A_353 = arith.constant dense<0.000000e+00> : vector<1xf32>
    %reduce_sum3A_354 = vector.multi_reduction <add>, %reduce_sum3A_352, %reduce_sum3A_353 [1, 2] : vector<1x104x1xf32> to vector<1xf32>
    %reduce_sum3A_355 = vector.shape_cast %reduce_sum3A_354 : vector<1xf32> to vector<1x1x1xf32>
    %reduce_sum3A_356 = vector.extract %reduce_sum3A_355[0, 0, 0] : f32 from vector<1x1x1xf32>
    %add3A_357 = arith.addf %add3A_311, %reduce_sum3A_356 : f32
    %div3A_358 = arith.constant 1.024000e+02 : f32
    %div3A_359 = arith.divf %add3A_357, %div3A_358 : f32
    %sub3A = arith.constant 1.000000e+00 : f32
    %sub3A_360 = arith.subf %sub3A, %div3A_359 : f32
    %max3A_361 = arith.constant 1.000000e-16 : f32
    %max3A_362 = arith.maximumf %sub3A_360, %max3A_361 : f32
    %get3A_363 = arith.constant 0 : index
    %get3A_364 = arith.constant 0 : index
    %get3A_365 = vector.load %arg0[%get3A_363, %get3A_364] : memref<1x1xf32, #tpu.memory_space<vmem>>, vector<1x1xf32>
    %mul3A_366 = arith.constant 0.00999999977 : f32
    %mul3A_367 = arith.mulf %mul3A_366, %max3A_362 : f32
    %add3A_368 = vector.broadcast %mul3A_367 : f32 to vector<1x1xf32>
    %add3A_369 = arith.addf %get3A_365, %add3A_368 : vector<1x1xf32>
    %swap3A = arith.constant 0 : index
    %swap3A_370 = arith.constant 0 : index
    %swap3A_371 = vector.load %arg4[%swap3A, %swap3A_370] : memref<1x1xf32, #tpu.memory_space<vmem>>, vector<1x1xf32>
    tpu.vector_store %arg4[%swap3A, %swap3A_370], %add3A_369 {strides = array<i32>} : memref<1x1xf32, #tpu.memory_space<vmem>>, vector<1x1xf32>,
    return
  }
}

module attributes {stable_mosaic.version = 14 : i64} {
  func.func @_l2norm_body(%arg0: i32, %arg1: memref<512x512xf32, #tpu.memory_space<vmem>>, %arg2: memref<262144xf32, #tpu.memory_space<vmem>>) attributes {dimension_semantics = [#tpu.dimension_semantics<arbitrary>], iteration_bounds = array<i64: 2>, scalar_prefetch = 0 : i64, scratch_operands = 0 : i64, tpu.core_type = #tpu.core_type<tc>, window_params = [{transform_indices = @transform_0, window_bounds = array<i64: 512, 512>}, {transform_indices = @transform_1, window_bounds = array<i64: 262144>}]} {
    %get3A = arith.constant 0 : index
    %get3A_0 = arith.constant 0 : index
    %get3A_1 = vector.load %arg1[%get3A, %get3A_0] : memref<512x512xf32, #tpu.memory_space<vmem>>, vector<512x512xf32>
    %mul3A = arith.mulf %get3A_1, %get3A_1 : vector<512x512xf32>
    %reduce_sum3A = arith.constant dense<0.000000e+00> : vector<512xf32>
    %reduce_sum3A_2 = vector.multi_reduction <add>, %mul3A, %reduce_sum3A [1] : vector<512x512xf32> to vector<512xf32>
    %broadcast_in_dim3A = vector.shape_cast %reduce_sum3A_2 : vector<512xf32> to vector<512x1xf32>
    %sqrt3A = math.sqrt %broadcast_in_dim3A : vector<512x1xf32>
    %max3A = arith.constant 9.99999996E-13 : f32
    %max3A_3 = vector.broadcast %max3A : f32 to vector<512x1xf32>
    %max3A_4 = arith.maximumf %sqrt3A, %max3A_3 : vector<512x1xf32>
    %div3A = vector.broadcast %max3A_4 : vector<512x1xf32> to vector<512x512xf32>
    %div3A_5 = arith.divf %get3A_1, %div3A : vector<512x512xf32>
    %reshape3A = vector.shape_cast %div3A_5 : vector<512x512xf32> to vector<262144xf32>
    %swap3A = arith.constant 0 : index
    %swap3A_6 = vector.load %arg2[%swap3A] : memref<262144xf32, #tpu.memory_space<vmem>>, vector<262144xf32>
    tpu.vector_store %arg2[%swap3A], %reshape3A {strides = array<i32>} : memref<262144xf32, #tpu.memory_space<vmem>>, vector<262144xf32>,
    return
  }
  func.func @transform_0(%arg0: i32) -> (i32, i32) {
    %c0_i32 = arith.constant 0 : i32
    %c0_i32_0 = arith.constant 0 : i32
    return %arg0, %c0_i32 : i32, i32
  }
  func.func @transform_1(%arg0: i32) -> i32 {
    %c0_i32 = arith.constant 0 : i32
    return %arg0 : i32
  }
}

module attributes {stable_mosaic.version = 14 : i64} {
  func.func @_main_body(%arg0: i32, %arg1: memref<1024x512xf32, #tpu.memory_space<vmem>>, %arg2: memref<1000x128xf32, #tpu.memory_space<vmem>>, %arg3: memref<1x1024xi32, #tpu.memory_space<vmem>>, %arg4: memref<1x1xf32, #tpu.memory_space<vmem>>, %arg5: memref<1024x1xf32, #tpu.memory_space<vmem>>, %arg6: memref<1024x512xf32, #tpu.memory_space<vmem>>, %arg7: memref<1024x1024xf32, #tpu.memory_space<vmem>>, %arg8: memref<8xf32, #tpu.memory_space<smem>>) attributes {dimension_semantics = [#tpu.dimension_semantics<arbitrary>], iteration_bounds = array<i64: 8>, scalar_prefetch = 0 : i64, scratch_operands = 3 : i64, tpu.core_type = #tpu.core_type<tc>, window_params = [{pipeline_mode = #tpu.pipeline_mode<synchronous>, transform_indices = @transform_0, window_bounds = array<i64: 1024, 512>}, {transform_indices = @transform_1, window_bounds = array<i64: 1000, 128>}, {pipeline_mode = #tpu.pipeline_mode<synchronous>, transform_indices = @transform_2, window_bounds = array<i64: 1, 1024>}, {pipeline_mode = #tpu.pipeline_mode<synchronous>, transform_indices = @transform_3, window_bounds = array<i64: 1, 1>}, {pipeline_mode = #tpu.pipeline_mode<synchronous>, transform_indices = @transform_4, window_bounds = array<i64: 1024, 1>}]} {
    %eq3A = arith.constant 0 : i32
    %eq3A_0 = arith.cmpi eq, %arg0, %eq3A : i32
    %convert_element_type3A = arith.extui %eq3A_0 : i1 to i32
    %cond3A = arith.constant 0 : i32
    %cond3A_1 = arith.cmpi ne, %convert_element_type3A, %cond3A : i32
    scf.if %cond3A_1 {
      %swap3A_100 = arith.constant 0.000000e+00 : f32
      %swap3A_101 = arith.constant 0 : index
      %swap3A_102 = memref.load %arg8[%swap3A_101] : memref<8xf32, #tpu.memory_space<smem>>
      memref.store %swap3A_100, %arg8[%swap3A_101] : memref<8xf32, #tpu.memory_space<smem>>
      %swap3A_103 = arith.constant 0.000000e+00 : f32
      %swap3A_104 = arith.constant 1 : index
      %swap3A_105 = memref.load %arg8[%swap3A_104] : memref<8xf32, #tpu.memory_space<smem>>
      memref.store %swap3A_103, %arg8[%swap3A_104] : memref<8xf32, #tpu.memory_space<smem>>
      %swap3A_106 = arith.constant 0.000000e+00 : f32
      %swap3A_107 = arith.constant 2 : index
      %swap3A_108 = memref.load %arg8[%swap3A_107] : memref<8xf32, #tpu.memory_space<smem>>
      memref.store %swap3A_106, %arg8[%swap3A_107] : memref<8xf32, #tpu.memory_space<smem>>
      %swap3A_109 = arith.constant 0.000000e+00 : f32
      %swap3A_110 = arith.constant 3 : index
      %swap3A_111 = memref.load %arg8[%swap3A_110] : memref<8xf32, #tpu.memory_space<smem>>
      memref.store %swap3A_109, %arg8[%swap3A_110] : memref<8xf32, #tpu.memory_space<smem>>
      %swap3A_112 = arith.constant 0.000000e+00 : f32
      %swap3A_113 = arith.constant 4 : index
      %swap3A_114 = memref.load %arg8[%swap3A_113] : memref<8xf32, #tpu.memory_space<smem>>
      memref.store %swap3A_112, %arg8[%swap3A_113] : memref<8xf32, #tpu.memory_space<smem>>
      %swap3A_115 = arith.constant 0.000000e+00 : f32
      %swap3A_116 = arith.constant 5 : index
      %swap3A_117 = memref.load %arg8[%swap3A_116] : memref<8xf32, #tpu.memory_space<smem>>
      memref.store %swap3A_115, %arg8[%swap3A_116] : memref<8xf32, #tpu.memory_space<smem>>
      %get3A_118 = arith.constant 0 : index
      %get3A_119 = arith.constant 0 : index
      %get3A_120 = vector.load %arg1[%get3A_118, %get3A_119] : memref<1024x512xf32, #tpu.memory_space<vmem>>, vector<128x512xf32>
      %mul3A_121 = arith.mulf %get3A_120, %get3A_120 : vector<128x512xf32>
      %reduce_sum3A_122 = arith.constant dense<0.000000e+00> : vector<128xf32>
      %reduce_sum3A_123 = vector.multi_reduction <add>, %mul3A_121, %reduce_sum3A_122 [1] : vector<128x512xf32> to vector<128xf32>
      %broadcast_in_dim3A_124 = vector.shape_cast %reduce_sum3A_123 : vector<128xf32> to vector<128x1xf32>
      %sqrt3A = math.sqrt %broadcast_in_dim3A_124 : vector<128x1xf32>
      %max3A_125 = arith.constant 9.99999996E-13 : f32
      %max3A_126 = vector.broadcast %max3A_125 : f32 to vector<128x1xf32>
      %max3A_127 = arith.maximumf %sqrt3A, %max3A_126 : vector<128x1xf32>
      %div3A = vector.broadcast %max3A_127 : vector<128x1xf32> to vector<128x512xf32>
      %div3A_128 = arith.divf %get3A_120, %div3A : vector<128x512xf32>
      %swap3A_129 = arith.constant 0 : index
      %swap3A_130 = arith.constant 0 : index
      %swap3A_131 = vector.load %arg6[%swap3A_129, %swap3A_130] : memref<1024x512xf32, #tpu.memory_space<vmem>>, vector<128x512xf32>
      tpu.vector_store %arg6[%swap3A_129, %swap3A_130], %div3A_128 {strides = array<i32>} : memref<1024x512xf32, #tpu.memory_space<vmem>>, vector<128x512xf32>,
      %get3A_132 = arith.constant 128 : index
      %get3A_133 = arith.constant 0 : index
      %get3A_134 = vector.load %arg1[%get3A_132, %get3A_133] : memref<1024x512xf32, #tpu.memory_space<vmem>>, vector<128x512xf32>
      %mul3A_135 = arith.mulf %get3A_134, %get3A_134 : vector<128x512xf32>
      %reduce_sum3A_136 = arith.constant dense<0.000000e+00> : vector<128xf32>
      %reduce_sum3A_137 = vector.multi_reduction <add>, %mul3A_135, %reduce_sum3A_136 [1] : vector<128x512xf32> to vector<128xf32>
      %broadcast_in_dim3A_138 = vector.shape_cast %reduce_sum3A_137 : vector<128xf32> to vector<128x1xf32>
      %sqrt3A_139 = math.sqrt %broadcast_in_dim3A_138 : vector<128x1xf32>
      %max3A_140 = arith.constant 9.99999996E-13 : f32
      %max3A_141 = vector.broadcast %max3A_140 : f32 to vector<128x1xf32>
      %max3A_142 = arith.maximumf %sqrt3A_139, %max3A_141 : vector<128x1xf32>
      %div3A_143 = vector.broadcast %max3A_142 : vector<128x1xf32> to vector<128x512xf32>
      %div3A_144 = arith.divf %get3A_134, %div3A_143 : vector<128x512xf32>
      %swap3A_145 = arith.constant 128 : index
      %swap3A_146 = arith.constant 0 : index
      %swap3A_147 = vector.load %arg6[%swap3A_145, %swap3A_146] : memref<1024x512xf32, #tpu.memory_space<vmem>>, vector<128x512xf32>
      tpu.vector_store %arg6[%swap3A_145, %swap3A_146], %div3A_144 {strides = array<i32>} : memref<1024x512xf32, #tpu.memory_space<vmem>>, vector<128x512xf32>,
      %get3A_148 = arith.constant 256 : index
      %get3A_149 = arith.constant 0 : index
      %get3A_150 = vector.load %arg1[%get3A_148, %get3A_149] : memref<1024x512xf32, #tpu.memory_space<vmem>>, vector<128x512xf32>
      %mul3A_151 = arith.mulf %get3A_150, %get3A_150 : vector<128x512xf32>
      %reduce_sum3A_152 = arith.constant dense<0.000000e+00> : vector<128xf32>
      %reduce_sum3A_153 = vector.multi_reduction <add>, %mul3A_151, %reduce_sum3A_152 [1] : vector<128x512xf32> to vector<128xf32>
      %broadcast_in_dim3A_154 = vector.shape_cast %reduce_sum3A_153 : vector<128xf32> to vector<128x1xf32>
      %sqrt3A_155 = math.sqrt %broadcast_in_dim3A_154 : vector<128x1xf32>
      %max3A_156 = arith.constant 9.99999996E-13 : f32
      %max3A_157 = vector.broadcast %max3A_156 : f32 to vector<128x1xf32>
      %max3A_158 = arith.maximumf %sqrt3A_155, %max3A_157 : vector<128x1xf32>
      %div3A_159 = vector.broadcast %max3A_158 : vector<128x1xf32> to vector<128x512xf32>
      %div3A_160 = arith.divf %get3A_150, %div3A_159 : vector<128x512xf32>
      %swap3A_161 = arith.constant 256 : index
      %swap3A_162 = arith.constant 0 : index
      %swap3A_163 = vector.load %arg6[%swap3A_161, %swap3A_162] : memref<1024x512xf32, #tpu.memory_space<vmem>>, vector<128x512xf32>
      tpu.vector_store %arg6[%swap3A_161, %swap3A_162], %div3A_160 {strides = array<i32>} : memref<1024x512xf32, #tpu.memory_space<vmem>>, vector<128x512xf32>,
      %get3A_164 = arith.constant 384 : index
      %get3A_165 = arith.constant 0 : index
      %get3A_166 = vector.load %arg1[%get3A_164, %get3A_165] : memref<1024x512xf32, #tpu.memory_space<vmem>>, vector<128x512xf32>
      %mul3A_167 = arith.mulf %get3A_166, %get3A_166 : vector<128x512xf32>
      %reduce_sum3A_168 = arith.constant dense<0.000000e+00> : vector<128xf32>
      %reduce_sum3A_169 = vector.multi_reduction <add>, %mul3A_167, %reduce_sum3A_168 [1] : vector<128x512xf32> to vector<128xf32>
      %broadcast_in_dim3A_170 = vector.shape_cast %reduce_sum3A_169 : vector<128xf32> to vector<128x1xf32>
      %sqrt3A_171 = math.sqrt %broadcast_in_dim3A_170 : vector<128x1xf32>
      %max3A_172 = arith.constant 9.99999996E-13 : f32
      %max3A_173 = vector.broadcast %max3A_172 : f32 to vector<128x1xf32>
      %max3A_174 = arith.maximumf %sqrt3A_171, %max3A_173 : vector<128x1xf32>
      %div3A_175 = vector.broadcast %max3A_174 : vector<128x1xf32> to vector<128x512xf32>
      %div3A_176 = arith.divf %get3A_166, %div3A_175 : vector<128x512xf32>
      %swap3A_177 = arith.constant 384 : index
      %swap3A_178 = arith.constant 0 : index
      %swap3A_179 = vector.load %arg6[%swap3A_177, %swap3A_178] : memref<1024x512xf32, #tpu.memory_space<vmem>>, vector<128x512xf32>
      tpu.vector_store %arg6[%swap3A_177, %swap3A_178], %div3A_176 {strides = array<i32>} : memref<1024x512xf32, #tpu.memory_space<vmem>>, vector<128x512xf32>,
      %get3A_180 = arith.constant 512 : index
      %get3A_181 = arith.constant 0 : index
      %get3A_182 = vector.load %arg1[%get3A_180, %get3A_181] : memref<1024x512xf32, #tpu.memory_space<vmem>>, vector<128x512xf32>
      %mul3A_183 = arith.mulf %get3A_182, %get3A_182 : vector<128x512xf32>
      %reduce_sum3A_184 = arith.constant dense<0.000000e+00> : vector<128xf32>
      %reduce_sum3A_185 = vector.multi_reduction <add>, %mul3A_183, %reduce_sum3A_184 [1] : vector<128x512xf32> to vector<128xf32>
      %broadcast_in_dim3A_186 = vector.shape_cast %reduce_sum3A_185 : vector<128xf32> to vector<128x1xf32>
      %sqrt3A_187 = math.sqrt %broadcast_in_dim3A_186 : vector<128x1xf32>
      %max3A_188 = arith.constant 9.99999996E-13 : f32
      %max3A_189 = vector.broadcast %max3A_188 : f32 to vector<128x1xf32>
      %max3A_190 = arith.maximumf %sqrt3A_187, %max3A_189 : vector<128x1xf32>
      %div3A_191 = vector.broadcast %max3A_190 : vector<128x1xf32> to vector<128x512xf32>
      %div3A_192 = arith.divf %get3A_182, %div3A_191 : vector<128x512xf32>
      %swap3A_193 = arith.constant 512 : index
      %swap3A_194 = arith.constant 0 : index
      %swap3A_195 = vector.load %arg6[%swap3A_193, %swap3A_194] : memref<1024x512xf32, #tpu.memory_space<vmem>>, vector<128x512xf32>
      tpu.vector_store %arg6[%swap3A_193, %swap3A_194], %div3A_192 {strides = array<i32>} : memref<1024x512xf32, #tpu.memory_space<vmem>>, vector<128x512xf32>,
      %get3A_196 = arith.constant 640 : index
      %get3A_197 = arith.constant 0 : index
      %get3A_198 = vector.load %arg1[%get3A_196, %get3A_197] : memref<1024x512xf32, #tpu.memory_space<vmem>>, vector<128x512xf32>
      %mul3A_199 = arith.mulf %get3A_198, %get3A_198 : vector<128x512xf32>
      %reduce_sum3A_200 = arith.constant dense<0.000000e+00> : vector<128xf32>
      %reduce_sum3A_201 = vector.multi_reduction <add>, %mul3A_199, %reduce_sum3A_200 [1] : vector<128x512xf32> to vector<128xf32>
      %broadcast_in_dim3A_202 = vector.shape_cast %reduce_sum3A_201 : vector<128xf32> to vector<128x1xf32>
      %sqrt3A_203 = math.sqrt %broadcast_in_dim3A_202 : vector<128x1xf32>
      %max3A_204 = arith.constant 9.99999996E-13 : f32
      %max3A_205 = vector.broadcast %max3A_204 : f32 to vector<128x1xf32>
      %max3A_206 = arith.maximumf %sqrt3A_203, %max3A_205 : vector<128x1xf32>
      %div3A_207 = vector.broadcast %max3A_206 : vector<128x1xf32> to vector<128x512xf32>
      %div3A_208 = arith.divf %get3A_198, %div3A_207 : vector<128x512xf32>
      %swap3A_209 = arith.constant 640 : index
      %swap3A_210 = arith.constant 0 : index
      %swap3A_211 = vector.load %arg6[%swap3A_209, %swap3A_210] : memref<1024x512xf32, #tpu.memory_space<vmem>>, vector<128x512xf32>
      tpu.vector_store %arg6[%swap3A_209, %swap3A_210], %div3A_208 {strides = array<i32>} : memref<1024x512xf32, #tpu.memory_space<vmem>>, vector<128x512xf32>,
      %get3A_212 = arith.constant 768 : index
      %get3A_213 = arith.constant 0 : index
      %get3A_214 = vector.load %arg1[%get3A_212, %get3A_213] : memref<1024x512xf32, #tpu.memory_space<vmem>>, vector<128x512xf32>
      %mul3A_215 = arith.mulf %get3A_214, %get3A_214 : vector<128x512xf32>
      %reduce_sum3A_216 = arith.constant dense<0.000000e+00> : vector<128xf32>
      %reduce_sum3A_217 = vector.multi_reduction <add>, %mul3A_215, %reduce_sum3A_216 [1] : vector<128x512xf32> to vector<128xf32>
      %broadcast_in_dim3A_218 = vector.shape_cast %reduce_sum3A_217 : vector<128xf32> to vector<128x1xf32>
      %sqrt3A_219 = math.sqrt %broadcast_in_dim3A_218 : vector<128x1xf32>
      %max3A_220 = arith.constant 9.99999996E-13 : f32
      %max3A_221 = vector.broadcast %max3A_220 : f32 to vector<128x1xf32>
      %max3A_222 = arith.maximumf %sqrt3A_219, %max3A_221 : vector<128x1xf32>
      %div3A_223 = vector.broadcast %max3A_222 : vector<128x1xf32> to vector<128x512xf32>
      %div3A_224 = arith.divf %get3A_214, %div3A_223 : vector<128x512xf32>
      %swap3A_225 = arith.constant 768 : index
      %swap3A_226 = arith.constant 0 : index
      %swap3A_227 = vector.load %arg6[%swap3A_225, %swap3A_226] : memref<1024x512xf32, #tpu.memory_space<vmem>>, vector<128x512xf32>
      tpu.vector_store %arg6[%swap3A_225, %swap3A_226], %div3A_224 {strides = array<i32>} : memref<1024x512xf32, #tpu.memory_space<vmem>>, vector<128x512xf32>,
      %get3A_228 = arith.constant 896 : index
      %get3A_229 = arith.constant 0 : index
      %get3A_230 = vector.load %arg1[%get3A_228, %get3A_229] : memref<1024x512xf32, #tpu.memory_space<vmem>>, vector<128x512xf32>
      %mul3A_231 = arith.mulf %get3A_230, %get3A_230 : vector<128x512xf32>
      %reduce_sum3A_232 = arith.constant dense<0.000000e+00> : vector<128xf32>
      %reduce_sum3A_233 = vector.multi_reduction <add>, %mul3A_231, %reduce_sum3A_232 [1] : vector<128x512xf32> to vector<128xf32>
      %broadcast_in_dim3A_234 = vector.shape_cast %reduce_sum3A_233 : vector<128xf32> to vector<128x1xf32>
      %sqrt3A_235 = math.sqrt %broadcast_in_dim3A_234 : vector<128x1xf32>
      %max3A_236 = arith.constant 9.99999996E-13 : f32
      %max3A_237 = vector.broadcast %max3A_236 : f32 to vector<128x1xf32>
      %max3A_238 = arith.maximumf %sqrt3A_235, %max3A_237 : vector<128x1xf32>
      %div3A_239 = vector.broadcast %max3A_238 : vector<128x1xf32> to vector<128x512xf32>
      %div3A_240 = arith.divf %get3A_230, %div3A_239 : vector<128x512xf32>
      %swap3A_241 = arith.constant 896 : index
      %swap3A_242 = arith.constant 0 : index
      %swap3A_243 = vector.load %arg6[%swap3A_241, %swap3A_242] : memref<1024x512xf32, #tpu.memory_space<vmem>>, vector<128x512xf32>
      tpu.vector_store %arg6[%swap3A_241, %swap3A_242], %div3A_240 {strides = array<i32>} : memref<1024x512xf32, #tpu.memory_space<vmem>>, vector<128x512xf32>,
    } else {
    }
    %get3A = arith.constant 0 : index
    %get3A_2 = arith.constant 0 : index
    %get3A_3 = vector.load %arg3[%get3A, %get3A_2] : memref<1x1024xi32, #tpu.memory_space<vmem>>, vector<1x1024xi32>
    %mul3A = arith.constant 128 : i32
    %mul3A_4 = arith.muli %arg0, %mul3A : i32
    %get3A_5 = arith.constant 0 : index
    %get3A_6 = arith.index_cast %mul3A_4 : i32 to index
    %get3A_7 = vector.load %arg3[%get3A_5, %get3A_6] : memref<1x1024xi32, #tpu.memory_space<vmem>>, vector<1x128xi32>
    %transpose3A = tpu.transpose %get3A_7, [1, 0] : vector<1x128xi32> -> vector<128x1xi32>
    %mul3A_8 = arith.constant 128 : i32
    %mul3A_9 = arith.muli %arg0, %mul3A_8 : i32
    %get3A_10 = arith.index_cast %mul3A_9 : i32 to index
    %get3A_11 = arith.constant 0 : index
    %get3A_12 = vector.load %arg6[%get3A_10, %get3A_11] : memref<1024x512xf32, #tpu.memory_space<vmem>>, vector<128x512xf32>
    %get3A_13 = arith.constant 0 : index
    %get3A_14 = arith.constant 0 : index
    %get3A_15 = vector.load %arg6[%get3A_13, %get3A_14] : memref<1024x512xf32, #tpu.memory_space<vmem>>, vector<1024x512xf32>
    %dot_general3A = arith.constant dense<0.000000e+00> : vector<128x1024xf32>
    %dot_general3A_16 = tpu.matmul %get3A_12, %get3A_15, %dot_general3A {dimension_numbers = #tpu.dot_dimension_numbers<[1], [1], [0], [0], [0, 0, 1, 0], [], []>, transpose_lhs_hint = false} : vector<128x512xf32>, vector<1024x512xf32>, vector<128x1024xf32> -> vector<128x1024xf32>
    %mul3A_17 = arith.constant 1.000000e+01 : f32
    %mul3A_18 = vector.broadcast %mul3A_17 : f32 to vector<128x1024xf32>
    %mul3A_19 = arith.mulf %dot_general3A_16, %mul3A_18 : vector<128x1024xf32>
    %eq3A_20 = vector.broadcast %transpose3A : vector<128x1xi32> to vector<128x1024xi32>
    %eq3A_21 = vector.broadcast %get3A_3 : vector<1x1024xi32> to vector<128x1024xi32>
    %eq3A_22 = arith.cmpi eq, %eq3A_20, %eq3A_21 : vector<128x1024xi32>
    %mul3A_23 = arith.constant 128 : i32
    %mul3A_24 = arith.muli %arg0, %mul3A_23 : i32
    %iota3A = tpu.iota {dimensions = array<i32: 0>} : vector<128x1024xi32>
    %add3A = vector.broadcast %mul3A_24 : i32 to vector<128x1024xi32>
    %add3A_25 = arith.addi %add3A, %iota3A : vector<128x1024xi32>
    %iota3A_26 = tpu.iota {dimensions = array<i32: 1>} : vector<128x1024xi32>
    %gt3A = arith.cmpi sgt, %iota3A_26, %add3A_25 : vector<128x1024xi32>
    %and3A = arith.andi %eq3A_22, %gt3A : vector<128x1024xi1>
    %get3A_27 = arith.constant 0 : index
    %get3A_28 = memref.load %arg8[%get3A_27] : memref<8xf32, #tpu.memory_space<smem>>
    %convert_element_type3A_29 = arith.extui %and3A : vector<128x1024xi1> to vector<128x1024xi32>
    %convert_element_type3A_30 = arith.sitofp %convert_element_type3A_29 : vector<128x1024xi32> to vector<128x1024xf32>
    %reduce_sum3A = vector.shape_cast %convert_element_type3A_30 : vector<128x1024xf32> to vector<1x128x1024xf32>
    %reduce_sum3A_31 = arith.constant dense<0.000000e+00> : vector<1xf32>
    %reduce_sum3A_32 = vector.multi_reduction <add>, %reduce_sum3A, %reduce_sum3A_31 [1, 2] : vector<1x128x1024xf32> to vector<1xf32>
    %reduce_sum3A_33 = vector.shape_cast %reduce_sum3A_32 : vector<1xf32> to vector<1x1x1xf32>
    %reduce_sum3A_34 = vector.extract %reduce_sum3A_33[0, 0, 0] : f32 from vector<1x1x1xf32>
    %add3A_35 = arith.addf %get3A_28, %reduce_sum3A_34 : f32
    %swap3A = arith.constant 0 : index
    %swap3A_36 = memref.load %arg8[%swap3A] : memref<8xf32, #tpu.memory_space<smem>>
    memref.store %add3A_35, %arg8[%swap3A] : memref<8xf32, #tpu.memory_space<smem>>
    %get3A_37 = arith.constant 1 : index
    %get3A_38 = memref.load %arg8[%get3A_37] : memref<8xf32, #tpu.memory_space<smem>>
    %sub3A = arith.constant 1.000000e+00 : f32
    %sub3A_39 = vector.broadcast %sub3A : f32 to vector<128x1024xf32>
    %sub3A_40 = arith.subf %sub3A_39, %mul3A_19 : vector<128x1024xf32>
    %max3A = arith.constant 0.000000e+00 : f32
    %max3A_41 = vector.broadcast %max3A : f32 to vector<128x1024xf32>
    %max3A_42 = arith.maximumf %sub3A_40, %max3A_41 : vector<128x1024xf32>
    %jit3A = arith.constant 0.000000e+00 : f32
    %broadcast_in_dim3A = vector.broadcast %jit3A : f32 to vector<128x1024xf32>
    %select_n3A = arith.select %and3A, %max3A_42, %broadcast_in_dim3A : vector<128x1024xi1>, vector<128x1024xf32>
    %reduce_sum3A_43 = vector.shape_cast %select_n3A : vector<128x1024xf32> to vector<1x128x1024xf32>
    %reduce_sum3A_44 = arith.constant dense<0.000000e+00> : vector<1xf32>
    %reduce_sum3A_45 = vector.multi_reduction <add>, %reduce_sum3A_43, %reduce_sum3A_44 [1, 2] : vector<1x128x1024xf32> to vector<1xf32>
    %reduce_sum3A_46 = vector.shape_cast %reduce_sum3A_45 : vector<1xf32> to vector<1x1x1xf32>
    %reduce_sum3A_47 = vector.extract %reduce_sum3A_46[0, 0, 0] : f32 from vector<1x1x1xf32>
    %add3A_48 = arith.addf %get3A_38, %reduce_sum3A_47 : f32
    %swap3A_49 = arith.constant 1 : index
    %swap3A_50 = memref.load %arg8[%swap3A_49] : memref<8xf32, #tpu.memory_space<smem>>
    memref.store %add3A_48, %arg8[%swap3A_49] : memref<8xf32, #tpu.memory_space<smem>>
    %not3A = arith.constant dense<true> : vector<128x1024xi1>
    %not3A_51 = arith.xori %eq3A_22, %not3A : vector<128x1024xi1>
    %and3A_52 = arith.andi %gt3A, %not3A_51 : vector<128x1024xi1>
    %jit3A_53 = arith.constant -1.000000e+30 : f32
    %broadcast_in_dim3A_54 = vector.broadcast %jit3A_53 : f32 to vector<128x1024xf32>
    %select_n3A_55 = arith.select %and3A_52, %mul3A_19, %broadcast_in_dim3A_54 : vector<128x1024xi1>, vector<128x1024xf32>
    %mul3A_56 = arith.constant 128 : i32
    %mul3A_57 = arith.muli %arg0, %mul3A_56 : i32
    %swap3A_58 = arith.index_cast %mul3A_57 : i32 to index
    %swap3A_59 = arith.constant 0 : index
    %swap3A_60 = vector.load %arg7[%swap3A_58, %swap3A_59] : memref<1024x1024xf32, #tpu.memory_space<vmem>>, vector<128x1024xf32>
    tpu.vector_store %arg7[%swap3A_58, %swap3A_59], %select_n3A_55 {strides = array<i32>} : memref<1024x1024xf32, #tpu.memory_space<vmem>>, vector<128x1024xf32>,
    %get3A_61 = arith.constant 0 : index
    %get3A_62 = arith.constant 0 : index
    %get3A_63 = vector.load %arg2[%get3A_61, %get3A_62] : memref<1000x128xf32, #tpu.memory_space<vmem>>, vector<1000x128xf32>
    %mul3A_64 = arith.constant 1.000000e+01 : f32
    %mul3A_65 = vector.broadcast %mul3A_64 : f32 to vector<1000x128xf32>
    %mul3A_66 = arith.mulf %get3A_63, %mul3A_65 : vector<1000x128xf32>
    %reduce_max3A = arith.constant dense<0xFF800000> : vector<128xf32>
    %reduce_max3A_67 = vector.multi_reduction <maximumf>, %mul3A_66, %reduce_max3A [0] : vector<1000x128xf32> to vector<128xf32>
    %broadcast_in_dim3A_68 = vector.shape_cast %reduce_max3A_67 : vector<128xf32> to vector<1x128xf32>
    %sub3A_69 = vector.broadcast %broadcast_in_dim3A_68 : vector<1x128xf32> to vector<1000x128xf32>
    %sub3A_70 = arith.subf %mul3A_66, %sub3A_69 : vector<1000x128xf32>
    %exp3A = math.exp %sub3A_70 : vector<1000x128xf32>
    %reduce_sum3A_71 = arith.constant dense<0.000000e+00> : vector<128xf32>
    %reduce_sum3A_72 = vector.multi_reduction <add>, %exp3A, %reduce_sum3A_71 [0] : vector<1000x128xf32> to vector<128xf32>
    %broadcast_in_dim3A_73 = vector.shape_cast %reduce_sum3A_72 : vector<128xf32> to vector<1x128xf32>
    %log3A = math.log %broadcast_in_dim3A_73 : vector<1x128xf32>
    %add3A_74 = arith.addf %log3A, %broadcast_in_dim3A_68 : vector<1x128xf32>
    %iota3A_75 = tpu.iota {dimensions = array<i32: 0>} : vector<1000x128xi32>
    %eq3A_76 = vector.broadcast %get3A_7 : vector<1x128xi32> to vector<1000x128xi32>
    %eq3A_77 = arith.cmpi eq, %iota3A_75, %eq3A_76 : vector<1000x128xi32>
    %jit3A_78 = arith.constant 0.000000e+00 : f32
    %broadcast_in_dim3A_79 = vector.broadcast %jit3A_78 : f32 to vector<1000x128xf32>
    %select_n3A_80 = arith.select %eq3A_77, %mul3A_66, %broadcast_in_dim3A_79 : vector<1000x128xi1>, vector<1000x128xf32>
    %reduce_sum3A_81 = arith.constant dense<0.000000e+00> : vector<128xf32>
    %reduce_sum3A_82 = vector.multi_reduction <add>, %select_n3A_80, %reduce_sum3A_81 [0] : vector<1000x128xf32> to vector<128xf32>
    %broadcast_in_dim3A_83 = vector.shape_cast %reduce_sum3A_82 : vector<128xf32> to vector<1x128xf32>
    %get3A_84 = arith.constant 4 : index
    %get3A_85 = memref.load %arg8[%get3A_84] : memref<8xf32, #tpu.memory_space<smem>>
    %sub3A_86 = arith.subf %add3A_74, %broadcast_in_dim3A_83 : vector<1x128xf32>
    %reduce_sum3A_87 = vector.shape_cast %sub3A_86 : vector<1x128xf32> to vector<1x1x128xf32>
    %reduce_sum3A_88 = arith.constant dense<0.000000e+00> : vector<1xf32>
    %reduce_sum3A_89 = vector.multi_reduction <add>, %reduce_sum3A_87, %reduce_sum3A_88 [1, 2] : vector<1x1x128xf32> to vector<1xf32>
    %reduce_sum3A_90 = vector.shape_cast %reduce_sum3A_89 : vector<1xf32> to vector<1x1x1xf32>
    %reduce_sum3A_91 = vector.extract %reduce_sum3A_90[0, 0, 0] : f32 from vector<1x1x1xf32>
    %add3A_92 = arith.addf %get3A_85, %reduce_sum3A_91 : f32
    %swap3A_93 = arith.constant 4 : index
    %swap3A_94 = memref.load %arg8[%swap3A_93] : memref<8xf32, #tpu.memory_space<smem>>
    memref.store %add3A_92, %arg8[%swap3A_93] : memref<8xf32, #tpu.memory_space<smem>>
    %eq3A_95 = arith.constant 7 : i32
    %eq3A_96 = arith.cmpi eq, %arg0, %eq3A_95 : i32
    %convert_element_type3A_97 = arith.extui %eq3A_96 : i1 to i32
    %cond3A_98 = arith.constant 0 : i32
    %cond3A_99 = arith.cmpi ne, %convert_element_type3A_97, %cond3A_98 : i32
    scf.if %cond3A_99 {
      %broadcast_in_dim3A_100 = arith.constant 0.000000e+00 : f32
      %broadcast_in_dim3A_101 = vector.broadcast %broadcast_in_dim3A_100 : f32 to vector<128x128xf32>
      %broadcast_in_dim3A_102 = arith.constant 0.000000e+00 : f32
      %broadcast_in_dim3A_103 = vector.broadcast %broadcast_in_dim3A_102 : f32 to vector<128x128xf32>
      %get3A_104 = arith.constant 0 : index
      %get3A_105 = arith.constant 0 : index
      %get3A_106 = vector.load %arg7[%get3A_104, %get3A_105] : memref<1024x1024xf32, #tpu.memory_space<vmem>>, vector<128x128xf32>
      %gt3A_107 = arith.constant 1.000000e-01 : f32
      %gt3A_108 = vector.broadcast %gt3A_107 : f32 to vector<128x128xf32>
      %gt3A_109 = arith.cmpf ogt, %get3A_106, %gt3A_108 : vector<128x128xf32>
      %convert_element_type3A_110 = arith.extui %gt3A_109 : vector<128x128xi1> to vector<128x128xi32>
      %convert_element_type3A_111 = arith.sitofp %convert_element_type3A_110 : vector<128x128xi32> to vector<128x128xf32>
      %add3A_112 = arith.addf %broadcast_in_dim3A_101, %convert_element_type3A_111 : vector<128x128xf32>
      %jit3A_113 = arith.constant 0.000000e+00 : f32
      %broadcast_in_dim3A_114 = vector.broadcast %jit3A_113 : f32 to vector<128x128xf32>
      %select_n3A_115 = arith.select %gt3A_109, %get3A_106, %broadcast_in_dim3A_114 : vector<128x128xi1>, vector<128x128xf32>
      %add3A_116 = arith.addf %broadcast_in_dim3A_103, %select_n3A_115 : vector<128x128xf32>
      %get3A_117 = arith.constant 0 : index
      %get3A_118 = arith.constant 128 : index
      %get3A_119 = vector.load %arg7[%get3A_117, %get3A_118] : memref<1024x1024xf32, #tpu.memory_space<vmem>>, vector<128x128xf32>
      %gt3A_120 = arith.constant 1.000000e-01 : f32
      %gt3A_121 = vector.broadcast %gt3A_120 : f32 to vector<128x128xf32>
      %gt3A_122 = arith.cmpf ogt, %get3A_119, %gt3A_121 : vector<128x128xf32>
      %convert_element_type3A_123 = arith.extui %gt3A_122 : vector<128x128xi1> to vector<128x128xi32>
      %convert_element_type3A_124 = arith.sitofp %convert_element_type3A_123 : vector<128x128xi32> to vector<128x128xf32>
      %add3A_125 = arith.addf %add3A_112, %convert_element_type3A_124 : vector<128x128xf32>
      %jit3A_126 = arith.constant 0.000000e+00 : f32
      %broadcast_in_dim3A_127 = vector.broadcast %jit3A_126 : f32 to vector<128x128xf32>
      %select_n3A_128 = arith.select %gt3A_122, %get3A_119, %broadcast_in_dim3A_127 : vector<128x128xi1>, vector<128x128xf32>
      %add3A_129 = arith.addf %add3A_116, %select_n3A_128 : vector<128x128xf32>
      %get3A_130 = arith.constant 0 : index
      %get3A_131 = arith.constant 256 : index
      %get3A_132 = vector.load %arg7[%get3A_130, %get3A_131] : memref<1024x1024xf32, #tpu.memory_space<vmem>>, vector<128x128xf32>
      %gt3A_133 = arith.constant 1.000000e-01 : f32
      %gt3A_134 = vector.broadcast %gt3A_133 : f32 to vector<128x128xf32>
      %gt3A_135 = arith.cmpf ogt, %get3A_132, %gt3A_134 : vector<128x128xf32>
      %convert_element_type3A_136 = arith.extui %gt3A_135 : vector<128x128xi1> to vector<128x128xi32>
      %convert_element_type3A_137 = arith.sitofp %convert_element_type3A_136 : vector<128x128xi32> to vector<128x128xf32>
      %add3A_138 = arith.addf %add3A_125, %convert_element_type3A_137 : vector<128x128xf32>
      %jit3A_139 = arith.constant 0.000000e+00 : f32
      %broadcast_in_dim3A_140 = vector.broadcast %jit3A_139 : f32 to vector<128x128xf32>
      %select_n3A_141 = arith.select %gt3A_135, %get3A_132, %broadcast_in_dim3A_140 : vector<128x128xi1>, vector<128x128xf32>
      %add3A_142 = arith.addf %add3A_129, %select_n3A_141 : vector<128x128xf32>
      %get3A_143 = arith.constant 0 : index
      %get3A_144 = arith.constant 384 : index
      %get3A_145 = vector.load %arg7[%get3A_143, %get3A_144] : memref<1024x1024xf32, #tpu.memory_space<vmem>>, vector<128x128xf32>
      %gt3A_146 = arith.constant 1.000000e-01 : f32
      %gt3A_147 = vector.broadcast %gt3A_146 : f32 to vector<128x128xf32>
      %gt3A_148 = arith.cmpf ogt, %get3A_145, %gt3A_147 : vector<128x128xf32>
      %convert_element_type3A_149 = arith.extui %gt3A_148 : vector<128x128xi1> to vector<128x128xi32>
      %convert_element_type3A_150 = arith.sitofp %convert_element_type3A_149 : vector<128x128xi32> to vector<128x128xf32>
      %add3A_151 = arith.addf %add3A_138, %convert_element_type3A_150 : vector<128x128xf32>
      %jit3A_152 = arith.constant 0.000000e+00 : f32
      %broadcast_in_dim3A_153 = vector.broadcast %jit3A_152 : f32 to vector<128x128xf32>
      %select_n3A_154 = arith.select %gt3A_148, %get3A_145, %broadcast_in_dim3A_153 : vector<128x128xi1>, vector<128x128xf32>
      %add3A_155 = arith.addf %add3A_142, %select_n3A_154 : vector<128x128xf32>
      %get3A_156 = arith.constant 0 : index
      %get3A_157 = arith.constant 512 : index
      %get3A_158 = vector.load %arg7[%get3A_156, %get3A_157] : memref<1024x1024xf32, #tpu.memory_space<vmem>>, vector<128x128xf32>
      %gt3A_159 = arith.constant 1.000000e-01 : f32
      %gt3A_160 = vector.broadcast %gt3A_159 : f32 to vector<128x128xf32>
      %gt3A_161 = arith.cmpf ogt, %get3A_158, %gt3A_160 : vector<128x128xf32>
      %convert_element_type3A_162 = arith.extui %gt3A_161 : vector<128x128xi1> to vector<128x128xi32>
      %convert_element_type3A_163 = arith.sitofp %convert_element_type3A_162 : vector<128x128xi32> to vector<128x128xf32>
      %add3A_164 = arith.addf %add3A_151, %convert_element_type3A_163 : vector<128x128xf32>
      %jit3A_165 = arith.constant 0.000000e+00 : f32
      %broadcast_in_dim3A_166 = vector.broadcast %jit3A_165 : f32 to vector<128x128xf32>
      %select_n3A_167 = arith.select %gt3A_161, %get3A_158, %broadcast_in_dim3A_166 : vector<128x128xi1>, vector<128x128xf32>
      %add3A_168 = arith.addf %add3A_155, %select_n3A_167 : vector<128x128xf32>
      %get3A_169 = arith.constant 0 : index
      %get3A_170 = arith.constant 640 : index
      %get3A_171 = vector.load %arg7[%get3A_169, %get3A_170] : memref<1024x1024xf32, #tpu.memory_space<vmem>>, vector<128x128xf32>
      %gt3A_172 = arith.constant 1.000000e-01 : f32
      %gt3A_173 = vector.broadcast %gt3A_172 : f32 to vector<128x128xf32>
      %gt3A_174 = arith.cmpf ogt, %get3A_171, %gt3A_173 : vector<128x128xf32>
      %convert_element_type3A_175 = arith.extui %gt3A_174 : vector<128x128xi1> to vector<128x128xi32>
      %convert_element_type3A_176 = arith.sitofp %convert_element_type3A_175 : vector<128x128xi32> to vector<128x128xf32>
      %add3A_177 = arith.addf %add3A_164, %convert_element_type3A_176 : vector<128x128xf32>
      %jit3A_178 = arith.constant 0.000000e+00 : f32
      %broadcast_in_dim3A_179 = vector.broadcast %jit3A_178 : f32 to vector<128x128xf32>
      %select_n3A_180 = arith.select %gt3A_174, %get3A_171, %broadcast_in_dim3A_179 : vector<128x128xi1>, vector<128x128xf32>
      %add3A_181 = arith.addf %add3A_168, %select_n3A_180 : vector<128x128xf32>
      %get3A_182 = arith.constant 0 : index
      %get3A_183 = arith.constant 768 : index
      %get3A_184 = vector.load %arg7[%get3A_182, %get3A_183] : memref<1024x1024xf32, #tpu.memory_space<vmem>>, vector<128x128xf32>
      %gt3A_185 = arith.constant 1.000000e-01 : f32
      %gt3A_186 = vector.broadcast %gt3A_185 : f32 to vector<128x128xf32>
      %gt3A_187 = arith.cmpf ogt, %get3A_184, %gt3A_186 : vector<128x128xf32>
      %convert_element_type3A_188 = arith.extui %gt3A_187 : vector<128x128xi1> to vector<128x128xi32>
      %convert_element_type3A_189 = arith.sitofp %convert_element_type3A_188 : vector<128x128xi32> to vector<128x128xf32>
      %add3A_190 = arith.addf %add3A_177, %convert_element_type3A_189 : vector<128x128xf32>
      %jit3A_191 = arith.constant 0.000000e+00 : f32
      %broadcast_in_dim3A_192 = vector.broadcast %jit3A_191 : f32 to vector<128x128xf32>
      %select_n3A_193 = arith.select %gt3A_187, %get3A_184, %broadcast_in_dim3A_192 : vector<128x128xi1>, vector<128x128xf32>
      %add3A_194 = arith.addf %add3A_181, %select_n3A_193 : vector<128x128xf32>
      %get3A_195 = arith.constant 0 : index
      %get3A_196 = arith.constant 896 : index
      %get3A_197 = vector.load %arg7[%get3A_195, %get3A_196] : memref<1024x1024xf32, #tpu.memory_space<vmem>>, vector<128x128xf32>
      %gt3A_198 = arith.constant 1.000000e-01 : f32
      %gt3A_199 = vector.broadcast %gt3A_198 : f32 to vector<128x128xf32>
      %gt3A_200 = arith.cmpf ogt, %get3A_197, %gt3A_199 : vector<128x128xf32>
      %convert_element_type3A_201 = arith.extui %gt3A_200 : vector<128x128xi1> to vector<128x128xi32>
      %convert_element_type3A_202 = arith.sitofp %convert_element_type3A_201 : vector<128x128xi32> to vector<128x128xf32>
      %add3A_203 = arith.addf %add3A_190, %convert_element_type3A_202 : vector<128x128xf32>
      %jit3A_204 = arith.constant 0.000000e+00 : f32
      %broadcast_in_dim3A_205 = vector.broadcast %jit3A_204 : f32 to vector<128x128xf32>
      %select_n3A_206 = arith.select %gt3A_200, %get3A_197, %broadcast_in_dim3A_205 : vector<128x128xi1>, vector<128x128xf32>
      %add3A_207 = arith.addf %add3A_194, %select_n3A_206 : vector<128x128xf32>
      %get3A_208 = arith.constant 128 : index
      %get3A_209 = arith.constant 128 : index
      %get3A_210 = vector.load %arg7[%get3A_208, %get3A_209] : memref<1024x1024xf32, #tpu.memory_space<vmem>>, vector<128x128xf32>
      %gt3A_211 = arith.constant 1.000000e-01 : f32
      %gt3A_212 = vector.broadcast %gt3A_211 : f32 to vector<128x128xf32>
      %gt3A_213 = arith.cmpf ogt, %get3A_210, %gt3A_212 : vector<128x128xf32>
      %convert_element_type3A_214 = arith.extui %gt3A_213 : vector<128x128xi1> to vector<128x128xi32>
      %convert_element_type3A_215 = arith.sitofp %convert_element_type3A_214 : vector<128x128xi32> to vector<128x128xf32>
      %add3A_216 = arith.addf %add3A_203, %convert_element_type3A_215 : vector<128x128xf32>
      %jit3A_217 = arith.constant 0.000000e+00 : f32
      %broadcast_in_dim3A_218 = vector.broadcast %jit3A_217 : f32 to vector<128x128xf32>
      %select_n3A_219 = arith.select %gt3A_213, %get3A_210, %broadcast_in_dim3A_218 : vector<128x128xi1>, vector<128x128xf32>
      %add3A_220 = arith.addf %add3A_207, %select_n3A_219 : vector<128x128xf32>
      %get3A_221 = arith.constant 128 : index
      %get3A_222 = arith.constant 256 : index
      %get3A_223 = vector.load %arg7[%get3A_221, %get3A_222] : memref<1024x1024xf32, #tpu.memory_space<vmem>>, vector<128x128xf32>
      %gt3A_224 = arith.constant 1.000000e-01 : f32
      %gt3A_225 = vector.broadcast %gt3A_224 : f32 to vector<128x128xf32>
      %gt3A_226 = arith.cmpf ogt, %get3A_223, %gt3A_225 : vector<128x128xf32>
      %convert_element_type3A_227 = arith.extui %gt3A_226 : vector<128x128xi1> to vector<128x128xi32>
      %convert_element_type3A_228 = arith.sitofp %convert_element_type3A_227 : vector<128x128xi32> to vector<128x128xf32>
      %add3A_229 = arith.addf %add3A_216, %convert_element_type3A_228 : vector<128x128xf32>
      %jit3A_230 = arith.constant 0.000000e+00 : f32
      %broadcast_in_dim3A_231 = vector.broadcast %jit3A_230 : f32 to vector<128x128xf32>
      %select_n3A_232 = arith.select %gt3A_226, %get3A_223, %broadcast_in_dim3A_231 : vector<128x128xi1>, vector<128x128xf32>
      %add3A_233 = arith.addf %add3A_220, %select_n3A_232 : vector<128x128xf32>
      %get3A_234 = arith.constant 128 : index
      %get3A_235 = arith.constant 384 : index
      %get3A_236 = vector.load %arg7[%get3A_234, %get3A_235] : memref<1024x1024xf32, #tpu.memory_space<vmem>>, vector<128x128xf32>
      %gt3A_237 = arith.constant 1.000000e-01 : f32
      %gt3A_238 = vector.broadcast %gt3A_237 : f32 to vector<128x128xf32>
      %gt3A_239 = arith.cmpf ogt, %get3A_236, %gt3A_238 : vector<128x128xf32>
      %convert_element_type3A_240 = arith.extui %gt3A_239 : vector<128x128xi1> to vector<128x128xi32>
      %convert_element_type3A_241 = arith.sitofp %convert_element_type3A_240 : vector<128x128xi32> to vector<128x128xf32>
      %add3A_242 = arith.addf %add3A_229, %convert_element_type3A_241 : vector<128x128xf32>
      %jit3A_243 = arith.constant 0.000000e+00 : f32
      %broadcast_in_dim3A_244 = vector.broadcast %jit3A_243 : f32 to vector<128x128xf32>
      %select_n3A_245 = arith.select %gt3A_239, %get3A_236, %broadcast_in_dim3A_244 : vector<128x128xi1>, vector<128x128xf32>
      %add3A_246 = arith.addf %add3A_233, %select_n3A_245 : vector<128x128xf32>
      %get3A_247 = arith.constant 128 : index
      %get3A_248 = arith.constant 512 : index
      %get3A_249 = vector.load %arg7[%get3A_247, %get3A_248] : memref<1024x1024xf32, #tpu.memory_space<vmem>>, vector<128x128xf32>
      %gt3A_250 = arith.constant 1.000000e-01 : f32
      %gt3A_251 = vector.broadcast %gt3A_250 : f32 to vector<128x128xf32>
      %gt3A_252 = arith.cmpf ogt, %get3A_249, %gt3A_251 : vector<128x128xf32>
      %convert_element_type3A_253 = arith.extui %gt3A_252 : vector<128x128xi1> to vector<128x128xi32>
      %convert_element_type3A_254 = arith.sitofp %convert_element_type3A_253 : vector<128x128xi32> to vector<128x128xf32>
      %add3A_255 = arith.addf %add3A_242, %convert_element_type3A_254 : vector<128x128xf32>
      %jit3A_256 = arith.constant 0.000000e+00 : f32
      %broadcast_in_dim3A_257 = vector.broadcast %jit3A_256 : f32 to vector<128x128xf32>
      %select_n3A_258 = arith.select %gt3A_252, %get3A_249, %broadcast_in_dim3A_257 : vector<128x128xi1>, vector<128x128xf32>
      %add3A_259 = arith.addf %add3A_246, %select_n3A_258 : vector<128x128xf32>
      %get3A_260 = arith.constant 128 : index
      %get3A_261 = arith.constant 640 : index
      %get3A_262 = vector.load %arg7[%get3A_260, %get3A_261] : memref<1024x1024xf32, #tpu.memory_space<vmem>>, vector<128x128xf32>
      %gt3A_263 = arith.constant 1.000000e-01 : f32
      %gt3A_264 = vector.broadcast %gt3A_263 : f32 to vector<128x128xf32>
      %gt3A_265 = arith.cmpf ogt, %get3A_262, %gt3A_264 : vector<128x128xf32>
      %convert_element_type3A_266 = arith.extui %gt3A_265 : vector<128x128xi1> to vector<128x128xi32>
      %convert_element_type3A_267 = arith.sitofp %convert_element_type3A_266 : vector<128x128xi32> to vector<128x128xf32>
      %add3A_268 = arith.addf %add3A_255, %convert_element_type3A_267 : vector<128x128xf32>
      %jit3A_269 = arith.constant 0.000000e+00 : f32
      %broadcast_in_dim3A_270 = vector.broadcast %jit3A_269 : f32 to vector<128x128xf32>
      %select_n3A_271 = arith.select %gt3A_265, %get3A_262, %broadcast_in_dim3A_270 : vector<128x128xi1>, vector<128x128xf32>
      %add3A_272 = arith.addf %add3A_259, %select_n3A_271 : vector<128x128xf32>
      %get3A_273 = arith.constant 128 : index
      %get3A_274 = arith.constant 768 : index
      %get3A_275 = vector.load %arg7[%get3A_273, %get3A_274] : memref<1024x1024xf32, #tpu.memory_space<vmem>>, vector<128x128xf32>
      %gt3A_276 = arith.constant 1.000000e-01 : f32
      %gt3A_277 = vector.broadcast %gt3A_276 : f32 to vector<128x128xf32>
      %gt3A_278 = arith.cmpf ogt, %get3A_275, %gt3A_277 : vector<128x128xf32>
      %convert_element_type3A_279 = arith.extui %gt3A_278 : vector<128x128xi1> to vector<128x128xi32>
      %convert_element_type3A_280 = arith.sitofp %convert_element_type3A_279 : vector<128x128xi32> to vector<128x128xf32>
      %add3A_281 = arith.addf %add3A_268, %convert_element_type3A_280 : vector<128x128xf32>
      %jit3A_282 = arith.constant 0.000000e+00 : f32
      %broadcast_in_dim3A_283 = vector.broadcast %jit3A_282 : f32 to vector<128x128xf32>
      %select_n3A_284 = arith.select %gt3A_278, %get3A_275, %broadcast_in_dim3A_283 : vector<128x128xi1>, vector<128x128xf32>
      %add3A_285 = arith.addf %add3A_272, %select_n3A_284 : vector<128x128xf32>
      %get3A_286 = arith.constant 128 : index
      %get3A_287 = arith.constant 896 : index
      %get3A_288 = vector.load %arg7[%get3A_286, %get3A_287] : memref<1024x1024xf32, #tpu.memory_space<vmem>>, vector<128x128xf32>
      %gt3A_289 = arith.constant 1.000000e-01 : f32
      %gt3A_290 = vector.broadcast %gt3A_289 : f32 to vector<128x128xf32>
      %gt3A_291 = arith.cmpf ogt, %get3A_288, %gt3A_290 : vector<128x128xf32>
      %convert_element_type3A_292 = arith.extui %gt3A_291 : vector<128x128xi1> to vector<128x128xi32>
      %convert_element_type3A_293 = arith.sitofp %convert_element_type3A_292 : vector<128x128xi32> to vector<128x128xf32>
      %add3A_294 = arith.addf %add3A_281, %convert_element_type3A_293 : vector<128x128xf32>
      %jit3A_295 = arith.constant 0.000000e+00 : f32
      %broadcast_in_dim3A_296 = vector.broadcast %jit3A_295 : f32 to vector<128x128xf32>
      %select_n3A_297 = arith.select %gt3A_291, %get3A_288, %broadcast_in_dim3A_296 : vector<128x128xi1>, vector<128x128xf32>
      %add3A_298 = arith.addf %add3A_285, %select_n3A_297 : vector<128x128xf32>
      %get3A_299 = arith.constant 256 : index
      %get3A_300 = arith.constant 256 : index
      %get3A_301 = vector.load %arg7[%get3A_299, %get3A_300] : memref<1024x1024xf32, #tpu.memory_space<vmem>>, vector<128x128xf32>
      %gt3A_302 = arith.constant 1.000000e-01 : f32
      %gt3A_303 = vector.broadcast %gt3A_302 : f32 to vector<128x128xf32>
      %gt3A_304 = arith.cmpf ogt, %get3A_301, %gt3A_303 : vector<128x128xf32>
      %convert_element_type3A_305 = arith.extui %gt3A_304 : vector<128x128xi1> to vector<128x128xi32>
      %convert_element_type3A_306 = arith.sitofp %convert_element_type3A_305 : vector<128x128xi32> to vector<128x128xf32>
      %add3A_307 = arith.addf %add3A_294, %convert_element_type3A_306 : vector<128x128xf32>
      %jit3A_308 = arith.constant 0.000000e+00 : f32
      %broadcast_in_dim3A_309 = vector.broadcast %jit3A_308 : f32 to vector<128x128xf32>
      %select_n3A_310 = arith.select %gt3A_304, %get3A_301, %broadcast_in_dim3A_309 : vector<128x128xi1>, vector<128x128xf32>
      %add3A_311 = arith.addf %add3A_298, %select_n3A_310 : vector<128x128xf32>
      %get3A_312 = arith.constant 256 : index
      %get3A_313 = arith.constant 384 : index
      %get3A_314 = vector.load %arg7[%get3A_312, %get3A_313] : memref<1024x1024xf32, #tpu.memory_space<vmem>>, vector<128x128xf32>
      %gt3A_315 = arith.constant 1.000000e-01 : f32
      %gt3A_316 = vector.broadcast %gt3A_315 : f32 to vector<128x128xf32>
      %gt3A_317 = arith.cmpf ogt, %get3A_314, %gt3A_316 : vector<128x128xf32>
      %convert_element_type3A_318 = arith.extui %gt3A_317 : vector<128x128xi1> to vector<128x128xi32>
      %convert_element_type3A_319 = arith.sitofp %convert_element_type3A_318 : vector<128x128xi32> to vector<128x128xf32>
      %add3A_320 = arith.addf %add3A_307, %convert_element_type3A_319 : vector<128x128xf32>
      %jit3A_321 = arith.constant 0.000000e+00 : f32
      %broadcast_in_dim3A_322 = vector.broadcast %jit3A_321 : f32 to vector<128x128xf32>
      %select_n3A_323 = arith.select %gt3A_317, %get3A_314, %broadcast_in_dim3A_322 : vector<128x128xi1>, vector<128x128xf32>
      %add3A_324 = arith.addf %add3A_311, %select_n3A_323 : vector<128x128xf32>
      %get3A_325 = arith.constant 256 : index
      %get3A_326 = arith.constant 512 : index
      %get3A_327 = vector.load %arg7[%get3A_325, %get3A_326] : memref<1024x1024xf32, #tpu.memory_space<vmem>>, vector<128x128xf32>
      %gt3A_328 = arith.constant 1.000000e-01 : f32
      %gt3A_329 = vector.broadcast %gt3A_328 : f32 to vector<128x128xf32>
      %gt3A_330 = arith.cmpf ogt, %get3A_327, %gt3A_329 : vector<128x128xf32>
      %convert_element_type3A_331 = arith.extui %gt3A_330 : vector<128x128xi1> to vector<128x128xi32>
      %convert_element_type3A_332 = arith.sitofp %convert_element_type3A_331 : vector<128x128xi32> to vector<128x128xf32>
      %add3A_333 = arith.addf %add3A_320, %convert_element_type3A_332 : vector<128x128xf32>
      %jit3A_334 = arith.constant 0.000000e+00 : f32
      %broadcast_in_dim3A_335 = vector.broadcast %jit3A_334 : f32 to vector<128x128xf32>
      %select_n3A_336 = arith.select %gt3A_330, %get3A_327, %broadcast_in_dim3A_335 : vector<128x128xi1>, vector<128x128xf32>
      %add3A_337 = arith.addf %add3A_324, %select_n3A_336 : vector<128x128xf32>
      %get3A_338 = arith.constant 256 : index
      %get3A_339 = arith.constant 640 : index
      %get3A_340 = vector.load %arg7[%get3A_338, %get3A_339] : memref<1024x1024xf32, #tpu.memory_space<vmem>>, vector<128x128xf32>
      %gt3A_341 = arith.constant 1.000000e-01 : f32
      %gt3A_342 = vector.broadcast %gt3A_341 : f32 to vector<128x128xf32>
      %gt3A_343 = arith.cmpf ogt, %get3A_340, %gt3A_342 : vector<128x128xf32>
      %convert_element_type3A_344 = arith.extui %gt3A_343 : vector<128x128xi1> to vector<128x128xi32>
      %convert_element_type3A_345 = arith.sitofp %convert_element_type3A_344 : vector<128x128xi32> to vector<128x128xf32>
      %add3A_346 = arith.addf %add3A_333, %convert_element_type3A_345 : vector<128x128xf32>
      %jit3A_347 = arith.constant 0.000000e+00 : f32
      %broadcast_in_dim3A_348 = vector.broadcast %jit3A_347 : f32 to vector<128x128xf32>
      %select_n3A_349 = arith.select %gt3A_343, %get3A_340, %broadcast_in_dim3A_348 : vector<128x128xi1>, vector<128x128xf32>
      %add3A_350 = arith.addf %add3A_337, %select_n3A_349 : vector<128x128xf32>
      %get3A_351 = arith.constant 256 : index
      %get3A_352 = arith.constant 768 : index
      %get3A_353 = vector.load %arg7[%get3A_351, %get3A_352] : memref<1024x1024xf32, #tpu.memory_space<vmem>>, vector<128x128xf32>
      %gt3A_354 = arith.constant 1.000000e-01 : f32
      %gt3A_355 = vector.broadcast %gt3A_354 : f32 to vector<128x128xf32>
      %gt3A_356 = arith.cmpf ogt, %get3A_353, %gt3A_355 : vector<128x128xf32>
      %convert_element_type3A_357 = arith.extui %gt3A_356 : vector<128x128xi1> to vector<128x128xi32>
      %convert_element_type3A_358 = arith.sitofp %convert_element_type3A_357 : vector<128x128xi32> to vector<128x128xf32>
      %add3A_359 = arith.addf %add3A_346, %convert_element_type3A_358 : vector<128x128xf32>
      %jit3A_360 = arith.constant 0.000000e+00 : f32
      %broadcast_in_dim3A_361 = vector.broadcast %jit3A_360 : f32 to vector<128x128xf32>
      %select_n3A_362 = arith.select %gt3A_356, %get3A_353, %broadcast_in_dim3A_361 : vector<128x128xi1>, vector<128x128xf32>
      %add3A_363 = arith.addf %add3A_350, %select_n3A_362 : vector<128x128xf32>
      %get3A_364 = arith.constant 256 : index
      %get3A_365 = arith.constant 896 : index
      %get3A_366 = vector.load %arg7[%get3A_364, %get3A_365] : memref<1024x1024xf32, #tpu.memory_space<vmem>>, vector<128x128xf32>
      %gt3A_367 = arith.constant 1.000000e-01 : f32
      %gt3A_368 = vector.broadcast %gt3A_367 : f32 to vector<128x128xf32>
      %gt3A_369 = arith.cmpf ogt, %get3A_366, %gt3A_368 : vector<128x128xf32>
      %convert_element_type3A_370 = arith.extui %gt3A_369 : vector<128x128xi1> to vector<128x128xi32>
      %convert_element_type3A_371 = arith.sitofp %convert_element_type3A_370 : vector<128x128xi32> to vector<128x128xf32>
      %add3A_372 = arith.addf %add3A_359, %convert_element_type3A_371 : vector<128x128xf32>
      %jit3A_373 = arith.constant 0.000000e+00 : f32
      %broadcast_in_dim3A_374 = vector.broadcast %jit3A_373 : f32 to vector<128x128xf32>
      %select_n3A_375 = arith.select %gt3A_369, %get3A_366, %broadcast_in_dim3A_374 : vector<128x128xi1>, vector<128x128xf32>
      %add3A_376 = arith.addf %add3A_363, %select_n3A_375 : vector<128x128xf32>
      %get3A_377 = arith.constant 384 : index
      %get3A_378 = arith.constant 384 : index
      %get3A_379 = vector.load %arg7[%get3A_377, %get3A_378] : memref<1024x1024xf32, #tpu.memory_space<vmem>>, vector<128x128xf32>
      %gt3A_380 = arith.constant 1.000000e-01 : f32
      %gt3A_381 = vector.broadcast %gt3A_380 : f32 to vector<128x128xf32>
      %gt3A_382 = arith.cmpf ogt, %get3A_379, %gt3A_381 : vector<128x128xf32>
      %convert_element_type3A_383 = arith.extui %gt3A_382 : vector<128x128xi1> to vector<128x128xi32>
      %convert_element_type3A_384 = arith.sitofp %convert_element_type3A_383 : vector<128x128xi32> to vector<128x128xf32>
      %add3A_385 = arith.addf %add3A_372, %convert_element_type3A_384 : vector<128x128xf32>
      %jit3A_386 = arith.constant 0.000000e+00 : f32
      %broadcast_in_dim3A_387 = vector.broadcast %jit3A_386 : f32 to vector<128x128xf32>
      %select_n3A_388 = arith.select %gt3A_382, %get3A_379, %broadcast_in_dim3A_387 : vector<128x128xi1>, vector<128x128xf32>
      %add3A_389 = arith.addf %add3A_376, %select_n3A_388 : vector<128x128xf32>
      %get3A_390 = arith.constant 384 : index
      %get3A_391 = arith.constant 512 : index
      %get3A_392 = vector.load %arg7[%get3A_390, %get3A_391] : memref<1024x1024xf32, #tpu.memory_space<vmem>>, vector<128x128xf32>
      %gt3A_393 = arith.constant 1.000000e-01 : f32
      %gt3A_394 = vector.broadcast %gt3A_393 : f32 to vector<128x128xf32>
      %gt3A_395 = arith.cmpf ogt, %get3A_392, %gt3A_394 : vector<128x128xf32>
      %convert_element_type3A_396 = arith.extui %gt3A_395 : vector<128x128xi1> to vector<128x128xi32>
      %convert_element_type3A_397 = arith.sitofp %convert_element_type3A_396 : vector<128x128xi32> to vector<128x128xf32>
      %add3A_398 = arith.addf %add3A_385, %convert_element_type3A_397 : vector<128x128xf32>
      %jit3A_399 = arith.constant 0.000000e+00 : f32
      %broadcast_in_dim3A_400 = vector.broadcast %jit3A_399 : f32 to vector<128x128xf32>
      %select_n3A_401 = arith.select %gt3A_395, %get3A_392, %broadcast_in_dim3A_400 : vector<128x128xi1>, vector<128x128xf32>
      %add3A_402 = arith.addf %add3A_389, %select_n3A_401 : vector<128x128xf32>
      %get3A_403 = arith.constant 384 : index
      %get3A_404 = arith.constant 640 : index
      %get3A_405 = vector.load %arg7[%get3A_403, %get3A_404] : memref<1024x1024xf32, #tpu.memory_space<vmem>>, vector<128x128xf32>
      %gt3A_406 = arith.constant 1.000000e-01 : f32
      %gt3A_407 = vector.broadcast %gt3A_406 : f32 to vector<128x128xf32>
      %gt3A_408 = arith.cmpf ogt, %get3A_405, %gt3A_407 : vector<128x128xf32>
      %convert_element_type3A_409 = arith.extui %gt3A_408 : vector<128x128xi1> to vector<128x128xi32>
      %convert_element_type3A_410 = arith.sitofp %convert_element_type3A_409 : vector<128x128xi32> to vector<128x128xf32>
      %add3A_411 = arith.addf %add3A_398, %convert_element_type3A_410 : vector<128x128xf32>
      %jit3A_412 = arith.constant 0.000000e+00 : f32
      %broadcast_in_dim3A_413 = vector.broadcast %jit3A_412 : f32 to vector<128x128xf32>
      %select_n3A_414 = arith.select %gt3A_408, %get3A_405, %broadcast_in_dim3A_413 : vector<128x128xi1>, vector<128x128xf32>
      %add3A_415 = arith.addf %add3A_402, %select_n3A_414 : vector<128x128xf32>
      %get3A_416 = arith.constant 384 : index
      %get3A_417 = arith.constant 768 : index
      %get3A_418 = vector.load %arg7[%get3A_416, %get3A_417] : memref<1024x1024xf32, #tpu.memory_space<vmem>>, vector<128x128xf32>
      %gt3A_419 = arith.constant 1.000000e-01 : f32
      %gt3A_420 = vector.broadcast %gt3A_419 : f32 to vector<128x128xf32>
      %gt3A_421 = arith.cmpf ogt, %get3A_418, %gt3A_420 : vector<128x128xf32>
      %convert_element_type3A_422 = arith.extui %gt3A_421 : vector<128x128xi1> to vector<128x128xi32>
      %convert_element_type3A_423 = arith.sitofp %convert_element_type3A_422 : vector<128x128xi32> to vector<128x128xf32>
      %add3A_424 = arith.addf %add3A_411, %convert_element_type3A_423 : vector<128x128xf32>
      %jit3A_425 = arith.constant 0.000000e+00 : f32
      %broadcast_in_dim3A_426 = vector.broadcast %jit3A_425 : f32 to vector<128x128xf32>
      %select_n3A_427 = arith.select %gt3A_421, %get3A_418, %broadcast_in_dim3A_426 : vector<128x128xi1>, vector<128x128xf32>
      %add3A_428 = arith.addf %add3A_415, %select_n3A_427 : vector<128x128xf32>
      %get3A_429 = arith.constant 384 : index
      %get3A_430 = arith.constant 896 : index
      %get3A_431 = vector.load %arg7[%get3A_429, %get3A_430] : memref<1024x1024xf32, #tpu.memory_space<vmem>>, vector<128x128xf32>
      %gt3A_432 = arith.constant 1.000000e-01 : f32
      %gt3A_433 = vector.broadcast %gt3A_432 : f32 to vector<128x128xf32>
      %gt3A_434 = arith.cmpf ogt, %get3A_431, %gt3A_433 : vector<128x128xf32>
      %convert_element_type3A_435 = arith.extui %gt3A_434 : vector<128x128xi1> to vector<128x128xi32>
      %convert_element_type3A_436 = arith.sitofp %convert_element_type3A_435 : vector<128x128xi32> to vector<128x128xf32>
      %add3A_437 = arith.addf %add3A_424, %convert_element_type3A_436 : vector<128x128xf32>
      %jit3A_438 = arith.constant 0.000000e+00 : f32
      %broadcast_in_dim3A_439 = vector.broadcast %jit3A_438 : f32 to vector<128x128xf32>
      %select_n3A_440 = arith.select %gt3A_434, %get3A_431, %broadcast_in_dim3A_439 : vector<128x128xi1>, vector<128x128xf32>
      %add3A_441 = arith.addf %add3A_428, %select_n3A_440 : vector<128x128xf32>
      %get3A_442 = arith.constant 512 : index
      %get3A_443 = arith.constant 512 : index
      %get3A_444 = vector.load %arg7[%get3A_442, %get3A_443] : memref<1024x1024xf32, #tpu.memory_space<vmem>>, vector<128x128xf32>
      %gt3A_445 = arith.constant 1.000000e-01 : f32
      %gt3A_446 = vector.broadcast %gt3A_445 : f32 to vector<128x128xf32>
      %gt3A_447 = arith.cmpf ogt, %get3A_444, %gt3A_446 : vector<128x128xf32>
      %convert_element_type3A_448 = arith.extui %gt3A_447 : vector<128x128xi1> to vector<128x128xi32>
      %convert_element_type3A_449 = arith.sitofp %convert_element_type3A_448 : vector<128x128xi32> to vector<128x128xf32>
      %add3A_450 = arith.addf %add3A_437, %convert_element_type3A_449 : vector<128x128xf32>
      %jit3A_451 = arith.constant 0.000000e+00 : f32
      %broadcast_in_dim3A_452 = vector.broadcast %jit3A_451 : f32 to vector<128x128xf32>
      %select_n3A_453 = arith.select %gt3A_447, %get3A_444, %broadcast_in_dim3A_452 : vector<128x128xi1>, vector<128x128xf32>
      %add3A_454 = arith.addf %add3A_441, %select_n3A_453 : vector<128x128xf32>
      %get3A_455 = arith.constant 512 : index
      %get3A_456 = arith.constant 640 : index
      %get3A_457 = vector.load %arg7[%get3A_455, %get3A_456] : memref<1024x1024xf32, #tpu.memory_space<vmem>>, vector<128x128xf32>
      %gt3A_458 = arith.constant 1.000000e-01 : f32
      %gt3A_459 = vector.broadcast %gt3A_458 : f32 to vector<128x128xf32>
      %gt3A_460 = arith.cmpf ogt, %get3A_457, %gt3A_459 : vector<128x128xf32>
      %convert_element_type3A_461 = arith.extui %gt3A_460 : vector<128x128xi1> to vector<128x128xi32>
      %convert_element_type3A_462 = arith.sitofp %convert_element_type3A_461 : vector<128x128xi32> to vector<128x128xf32>
      %add3A_463 = arith.addf %add3A_450, %convert_element_type3A_462 : vector<128x128xf32>
      %jit3A_464 = arith.constant 0.000000e+00 : f32
      %broadcast_in_dim3A_465 = vector.broadcast %jit3A_464 : f32 to vector<128x128xf32>
      %select_n3A_466 = arith.select %gt3A_460, %get3A_457, %broadcast_in_dim3A_465 : vector<128x128xi1>, vector<128x128xf32>
      %add3A_467 = arith.addf %add3A_454, %select_n3A_466 : vector<128x128xf32>
      %get3A_468 = arith.constant 512 : index
      %get3A_469 = arith.constant 768 : index
      %get3A_470 = vector.load %arg7[%get3A_468, %get3A_469] : memref<1024x1024xf32, #tpu.memory_space<vmem>>, vector<128x128xf32>
      %gt3A_471 = arith.constant 1.000000e-01 : f32
      %gt3A_472 = vector.broadcast %gt3A_471 : f32 to vector<128x128xf32>
      %gt3A_473 = arith.cmpf ogt, %get3A_470, %gt3A_472 : vector<128x128xf32>
      %convert_element_type3A_474 = arith.extui %gt3A_473 : vector<128x128xi1> to vector<128x128xi32>
      %convert_element_type3A_475 = arith.sitofp %convert_element_type3A_474 : vector<128x128xi32> to vector<128x128xf32>
      %add3A_476 = arith.addf %add3A_463, %convert_element_type3A_475 : vector<128x128xf32>
      %jit3A_477 = arith.constant 0.000000e+00 : f32
      %broadcast_in_dim3A_478 = vector.broadcast %jit3A_477 : f32 to vector<128x128xf32>
      %select_n3A_479 = arith.select %gt3A_473, %get3A_470, %broadcast_in_dim3A_478 : vector<128x128xi1>, vector<128x128xf32>
      %add3A_480 = arith.addf %add3A_467, %select_n3A_479 : vector<128x128xf32>
      %get3A_481 = arith.constant 512 : index
      %get3A_482 = arith.constant 896 : index
      %get3A_483 = vector.load %arg7[%get3A_481, %get3A_482] : memref<1024x1024xf32, #tpu.memory_space<vmem>>, vector<128x128xf32>
      %gt3A_484 = arith.constant 1.000000e-01 : f32
      %gt3A_485 = vector.broadcast %gt3A_484 : f32 to vector<128x128xf32>
      %gt3A_486 = arith.cmpf ogt, %get3A_483, %gt3A_485 : vector<128x128xf32>
      %convert_element_type3A_487 = arith.extui %gt3A_486 : vector<128x128xi1> to vector<128x128xi32>
      %convert_element_type3A_488 = arith.sitofp %convert_element_type3A_487 : vector<128x128xi32> to vector<128x128xf32>
      %add3A_489 = arith.addf %add3A_476, %convert_element_type3A_488 : vector<128x128xf32>
      %jit3A_490 = arith.constant 0.000000e+00 : f32
      %broadcast_in_dim3A_491 = vector.broadcast %jit3A_490 : f32 to vector<128x128xf32>
      %select_n3A_492 = arith.select %gt3A_486, %get3A_483, %broadcast_in_dim3A_491 : vector<128x128xi1>, vector<128x128xf32>
      %add3A_493 = arith.addf %add3A_480, %select_n3A_492 : vector<128x128xf32>
      %get3A_494 = arith.constant 640 : index
      %get3A_495 = arith.constant 640 : index
      %get3A_496 = vector.load %arg7[%get3A_494, %get3A_495] : memref<1024x1024xf32, #tpu.memory_space<vmem>>, vector<128x128xf32>
      %gt3A_497 = arith.constant 1.000000e-01 : f32
      %gt3A_498 = vector.broadcast %gt3A_497 : f32 to vector<128x128xf32>
      %gt3A_499 = arith.cmpf ogt, %get3A_496, %gt3A_498 : vector<128x128xf32>
      %convert_element_type3A_500 = arith.extui %gt3A_499 : vector<128x128xi1> to vector<128x128xi32>
      %convert_element_type3A_501 = arith.sitofp %convert_element_type3A_500 : vector<128x128xi32> to vector<128x128xf32>
      %add3A_502 = arith.addf %add3A_489, %convert_element_type3A_501 : vector<128x128xf32>
      %jit3A_503 = arith.constant 0.000000e+00 : f32
      %broadcast_in_dim3A_504 = vector.broadcast %jit3A_503 : f32 to vector<128x128xf32>
      %select_n3A_505 = arith.select %gt3A_499, %get3A_496, %broadcast_in_dim3A_504 : vector<128x128xi1>, vector<128x128xf32>
      %add3A_506 = arith.addf %add3A_493, %select_n3A_505 : vector<128x128xf32>
      %get3A_507 = arith.constant 640 : index
      %get3A_508 = arith.constant 768 : index
      %get3A_509 = vector.load %arg7[%get3A_507, %get3A_508] : memref<1024x1024xf32, #tpu.memory_space<vmem>>, vector<128x128xf32>
      %gt3A_510 = arith.constant 1.000000e-01 : f32
      %gt3A_511 = vector.broadcast %gt3A_510 : f32 to vector<128x128xf32>
      %gt3A_512 = arith.cmpf ogt, %get3A_509, %gt3A_511 : vector<128x128xf32>
      %convert_element_type3A_513 = arith.extui %gt3A_512 : vector<128x128xi1> to vector<128x128xi32>
      %convert_element_type3A_514 = arith.sitofp %convert_element_type3A_513 : vector<128x128xi32> to vector<128x128xf32>
      %add3A_515 = arith.addf %add3A_502, %convert_element_type3A_514 : vector<128x128xf32>
      %jit3A_516 = arith.constant 0.000000e+00 : f32
      %broadcast_in_dim3A_517 = vector.broadcast %jit3A_516 : f32 to vector<128x128xf32>
      %select_n3A_518 = arith.select %gt3A_512, %get3A_509, %broadcast_in_dim3A_517 : vector<128x128xi1>, vector<128x128xf32>
      %add3A_519 = arith.addf %add3A_506, %select_n3A_518 : vector<128x128xf32>
      %get3A_520 = arith.constant 640 : index
      %get3A_521 = arith.constant 896 : index
      %get3A_522 = vector.load %arg7[%get3A_520, %get3A_521] : memref<1024x1024xf32, #tpu.memory_space<vmem>>, vector<128x128xf32>
      %gt3A_523 = arith.constant 1.000000e-01 : f32
      %gt3A_524 = vector.broadcast %gt3A_523 : f32 to vector<128x128xf32>
      %gt3A_525 = arith.cmpf ogt, %get3A_522, %gt3A_524 : vector<128x128xf32>
      %convert_element_type3A_526 = arith.extui %gt3A_525 : vector<128x128xi1> to vector<128x128xi32>
      %convert_element_type3A_527 = arith.sitofp %convert_element_type3A_526 : vector<128x128xi32> to vector<128x128xf32>
      %add3A_528 = arith.addf %add3A_515, %convert_element_type3A_527 : vector<128x128xf32>
      %jit3A_529 = arith.constant 0.000000e+00 : f32
      %broadcast_in_dim3A_530 = vector.broadcast %jit3A_529 : f32 to vector<128x128xf32>
      %select_n3A_531 = arith.select %gt3A_525, %get3A_522, %broadcast_in_dim3A_530 : vector<128x128xi1>, vector<128x128xf32>
      %add3A_532 = arith.addf %add3A_519, %select_n3A_531 : vector<128x128xf32>
      %get3A_533 = arith.constant 768 : index
      %get3A_534 = arith.constant 768 : index
      %get3A_535 = vector.load %arg7[%get3A_533, %get3A_534] : memref<1024x1024xf32, #tpu.memory_space<vmem>>, vector<128x128xf32>
      %gt3A_536 = arith.constant 1.000000e-01 : f32
      %gt3A_537 = vector.broadcast %gt3A_536 : f32 to vector<128x128xf32>
      %gt3A_538 = arith.cmpf ogt, %get3A_535, %gt3A_537 : vector<128x128xf32>
      %convert_element_type3A_539 = arith.extui %gt3A_538 : vector<128x128xi1> to vector<128x128xi32>
      %convert_element_type3A_540 = arith.sitofp %convert_element_type3A_539 : vector<128x128xi32> to vector<128x128xf32>
      %add3A_541 = arith.addf %add3A_528, %convert_element_type3A_540 : vector<128x128xf32>
      %jit3A_542 = arith.constant 0.000000e+00 : f32
      %broadcast_in_dim3A_543 = vector.broadcast %jit3A_542 : f32 to vector<128x128xf32>
      %select_n3A_544 = arith.select %gt3A_538, %get3A_535, %broadcast_in_dim3A_543 : vector<128x128xi1>, vector<128x128xf32>
      %add3A_545 = arith.addf %add3A_532, %select_n3A_544 : vector<128x128xf32>
      %get3A_546 = arith.constant 768 : index
      %get3A_547 = arith.constant 896 : index
      %get3A_548 = vector.load %arg7[%get3A_546, %get3A_547] : memref<1024x1024xf32, #tpu.memory_space<vmem>>, vector<128x128xf32>
      %gt3A_549 = arith.constant 1.000000e-01 : f32
      %gt3A_550 = vector.broadcast %gt3A_549 : f32 to vector<128x128xf32>
      %gt3A_551 = arith.cmpf ogt, %get3A_548, %gt3A_550 : vector<128x128xf32>
      %convert_element_type3A_552 = arith.extui %gt3A_551 : vector<128x128xi1> to vector<128x128xi32>
      %convert_element_type3A_553 = arith.sitofp %convert_element_type3A_552 : vector<128x128xi32> to vector<128x128xf32>
      %add3A_554 = arith.addf %add3A_541, %convert_element_type3A_553 : vector<128x128xf32>
      %jit3A_555 = arith.constant 0.000000e+00 : f32
      %broadcast_in_dim3A_556 = vector.broadcast %jit3A_555 : f32 to vector<128x128xf32>
      %select_n3A_557 = arith.select %gt3A_551, %get3A_548, %broadcast_in_dim3A_556 : vector<128x128xi1>, vector<128x128xf32>
      %add3A_558 = arith.addf %add3A_545, %select_n3A_557 : vector<128x128xf32>
      %get3A_559 = arith.constant 896 : index
      %get3A_560 = arith.constant 896 : index
      %get3A_561 = vector.load %arg7[%get3A_559, %get3A_560] : memref<1024x1024xf32, #tpu.memory_space<vmem>>, vector<128x128xf32>
      %gt3A_562 = arith.constant 1.000000e-01 : f32
      %gt3A_563 = vector.broadcast %gt3A_562 : f32 to vector<128x128xf32>
      %gt3A_564 = arith.cmpf ogt, %get3A_561, %gt3A_563 : vector<128x128xf32>
      %convert_element_type3A_565 = arith.extui %gt3A_564 : vector<128x128xi1> to vector<128x128xi32>
      %convert_element_type3A_566 = arith.sitofp %convert_element_type3A_565 : vector<128x128xi32> to vector<128x128xf32>
      %add3A_567 = arith.addf %add3A_554, %convert_element_type3A_566 : vector<128x128xf32>
      %jit3A_568 = arith.constant 0.000000e+00 : f32
      %broadcast_in_dim3A_569 = vector.broadcast %jit3A_568 : f32 to vector<128x128xf32>
      %select_n3A_570 = arith.select %gt3A_564, %get3A_561, %broadcast_in_dim3A_569 : vector<128x128xi1>, vector<128x128xf32>
      %add3A_571 = arith.addf %add3A_558, %select_n3A_570 : vector<128x128xf32>
      %reduce_sum3A_572 = vector.shape_cast %add3A_567 : vector<128x128xf32> to vector<1x128x128xf32>
      %reduce_sum3A_573 = arith.constant dense<0.000000e+00> : vector<1xf32>
      %reduce_sum3A_574 = vector.multi_reduction <add>, %reduce_sum3A_572, %reduce_sum3A_573 [1, 2] : vector<1x128x128xf32> to vector<1xf32>
      %reduce_sum3A_575 = vector.shape_cast %reduce_sum3A_574 : vector<1xf32> to vector<1x1x1xf32>
      %reduce_sum3A_576 = vector.extract %reduce_sum3A_575[0, 0, 0] : f32 from vector<1x1x1xf32>
      %reduce_sum3A_577 = vector.shape_cast %add3A_571 : vector<128x128xf32> to vector<1x128x128xf32>
      %reduce_sum3A_578 = arith.constant dense<0.000000e+00> : vector<1xf32>
      %reduce_sum3A_579 = vector.multi_reduction <add>, %reduce_sum3A_577, %reduce_sum3A_578 [1, 2] : vector<1x128x128xf32> to vector<1xf32>
      %reduce_sum3A_580 = vector.shape_cast %reduce_sum3A_579 : vector<1xf32> to vector<1x1x1xf32>
      %reduce_sum3A_581 = vector.extract %reduce_sum3A_580[0, 0, 0] : f32 from vector<1x1x1xf32>
      %mul3A_582 = arith.constant 2.000000e+00 : f32
      %mul3A_583 = arith.mulf %mul3A_582, %reduce_sum3A_576 : f32
      %mul3A_584 = arith.constant 4.000000e-01 : f32
      %mul3A_585 = arith.mulf %mul3A_584, %mul3A_583 : f32
      %floor3A = math.floor %mul3A_585 : f32
      %max3A_586 = arith.constant 1.000000e+00 : f32
      %max3A_587 = arith.maximumf %max3A_586, %floor3A : f32
      %scan3A = arith.constant 1.000000e-01 : f32
      %scan3A_588 = arith.constant 1.050000e+01 : f32
      %scan3A_589 = arith.constant 0 : i32
      %scan3A_590 = arith.constant 10 : i32
      %scan3A_591 = arith.addi %scan3A_589, %scan3A_590 : i32
      %scan3A_592 = arith.constant 1 : i32
      %scan3A_593:2 = scf.for %scan3A_1191 = %scan3A_589 to %scan3A_591 step %scan3A_592 iter_args(%scan3A_1192 = %scan3A, %scan3A_1193 = %scan3A_588) -> (f32, f32)  : i32 {
        %add3A_1194 = arith.addf %scan3A_1192, %scan3A_1193 : f32
        %mul3A_1195 = arith.constant 5.000000e-01 : f32
        %mul3A_1196 = arith.mulf %mul3A_1195, %add3A_1194 : f32
        %broadcast_in_dim3A_1197 = arith.constant 0.000000e+00 : f32
        %broadcast_in_dim3A_1198 = vector.broadcast %broadcast_in_dim3A_1197 : f32 to vector<128x128xf32>
        %get3A_1199 = arith.constant 0 : index
        %get3A_1200 = arith.constant 0 : index
        %get3A_1201 = vector.load %arg7[%get3A_1199, %get3A_1200] : memref<1024x1024xf32, #tpu.memory_space<vmem>>, vector<128x128xf32>
        %gt3A_1202 = vector.broadcast %mul3A_1196 : f32 to vector<128x128xf32>
        %gt3A_1203 = arith.cmpf ogt, %get3A_1201, %gt3A_1202 : vector<128x128xf32>
        %convert_element_type3A_1204 = arith.extui %gt3A_1203 : vector<128x128xi1> to vector<128x128xi32>
        %convert_element_type3A_1205 = arith.sitofp %convert_element_type3A_1204 : vector<128x128xi32> to vector<128x128xf32>
        %add3A_1206 = arith.addf %broadcast_in_dim3A_1198, %convert_element_type3A_1205 : vector<128x128xf32>
        %get3A_1207 = arith.constant 0 : index
        %get3A_1208 = arith.constant 128 : index
        %get3A_1209 = vector.load %arg7[%get3A_1207, %get3A_1208] : memref<1024x1024xf32, #tpu.memory_space<vmem>>, vector<128x128xf32>
        %gt3A_1210 = vector.broadcast %mul3A_1196 : f32 to vector<128x128xf32>
        %gt3A_1211 = arith.cmpf ogt, %get3A_1209, %gt3A_1210 : vector<128x128xf32>
        %convert_element_type3A_1212 = arith.extui %gt3A_1211 : vector<128x128xi1> to vector<128x128xi32>
        %convert_element_type3A_1213 = arith.sitofp %convert_element_type3A_1212 : vector<128x128xi32> to vector<128x128xf32>
        %add3A_1214 = arith.addf %add3A_1206, %convert_element_type3A_1213 : vector<128x128xf32>
        %get3A_1215 = arith.constant 0 : index
        %get3A_1216 = arith.constant 256 : index
        %get3A_1217 = vector.load %arg7[%get3A_1215, %get3A_1216] : memref<1024x1024xf32, #tpu.memory_space<vmem>>, vector<128x128xf32>
        %gt3A_1218 = vector.broadcast %mul3A_1196 : f32 to vector<128x128xf32>
        %gt3A_1219 = arith.cmpf ogt, %get3A_1217, %gt3A_1218 : vector<128x128xf32>
        %convert_element_type3A_1220 = arith.extui %gt3A_1219 : vector<128x128xi1> to vector<128x128xi32>
        %convert_element_type3A_1221 = arith.sitofp %convert_element_type3A_1220 : vector<128x128xi32> to vector<128x128xf32>
        %add3A_1222 = arith.addf %add3A_1214, %convert_element_type3A_1221 : vector<128x128xf32>
        %get3A_1223 = arith.constant 0 : index
        %get3A_1224 = arith.constant 384 : index
        %get3A_1225 = vector.load %arg7[%get3A_1223, %get3A_1224] : memref<1024x1024xf32, #tpu.memory_space<vmem>>, vector<128x128xf32>
        %gt3A_1226 = vector.broadcast %mul3A_1196 : f32 to vector<128x128xf32>
        %gt3A_1227 = arith.cmpf ogt, %get3A_1225, %gt3A_1226 : vector<128x128xf32>
        %convert_element_type3A_1228 = arith.extui %gt3A_1227 : vector<128x128xi1> to vector<128x128xi32>
        %convert_element_type3A_1229 = arith.sitofp %convert_element_type3A_1228 : vector<128x128xi32> to vector<128x128xf32>
        %add3A_1230 = arith.addf %add3A_1222, %convert_element_type3A_1229 : vector<128x128xf32>
        %get3A_1231 = arith.constant 0 : index
        %get3A_1232 = arith.constant 512 : index
        %get3A_1233 = vector.load %arg7[%get3A_1231, %get3A_1232] : memref<1024x1024xf32, #tpu.memory_space<vmem>>, vector<128x128xf32>
        %gt3A_1234 = vector.broadcast %mul3A_1196 : f32 to vector<128x128xf32>
        %gt3A_1235 = arith.cmpf ogt, %get3A_1233, %gt3A_1234 : vector<128x128xf32>
        %convert_element_type3A_1236 = arith.extui %gt3A_1235 : vector<128x128xi1> to vector<128x128xi32>
        %convert_element_type3A_1237 = arith.sitofp %convert_element_type3A_1236 : vector<128x128xi32> to vector<128x128xf32>
        %add3A_1238 = arith.addf %add3A_1230, %convert_element_type3A_1237 : vector<128x128xf32>
        %get3A_1239 = arith.constant 0 : index
        %get3A_1240 = arith.constant 640 : index
        %get3A_1241 = vector.load %arg7[%get3A_1239, %get3A_1240] : memref<1024x1024xf32, #tpu.memory_space<vmem>>, vector<128x128xf32>
        %gt3A_1242 = vector.broadcast %mul3A_1196 : f32 to vector<128x128xf32>
        %gt3A_1243 = arith.cmpf ogt, %get3A_1241, %gt3A_1242 : vector<128x128xf32>
        %convert_element_type3A_1244 = arith.extui %gt3A_1243 : vector<128x128xi1> to vector<128x128xi32>
        %convert_element_type3A_1245 = arith.sitofp %convert_element_type3A_1244 : vector<128x128xi32> to vector<128x128xf32>
        %add3A_1246 = arith.addf %add3A_1238, %convert_element_type3A_1245 : vector<128x128xf32>
        %get3A_1247 = arith.constant 0 : index
        %get3A_1248 = arith.constant 768 : index
        %get3A_1249 = vector.load %arg7[%get3A_1247, %get3A_1248] : memref<1024x1024xf32, #tpu.memory_space<vmem>>, vector<128x128xf32>
        %gt3A_1250 = vector.broadcast %mul3A_1196 : f32 to vector<128x128xf32>
        %gt3A_1251 = arith.cmpf ogt, %get3A_1249, %gt3A_1250 : vector<128x128xf32>
        %convert_element_type3A_1252 = arith.extui %gt3A_1251 : vector<128x128xi1> to vector<128x128xi32>
        %convert_element_type3A_1253 = arith.sitofp %convert_element_type3A_1252 : vector<128x128xi32> to vector<128x128xf32>
        %add3A_1254 = arith.addf %add3A_1246, %convert_element_type3A_1253 : vector<128x128xf32>
        %get3A_1255 = arith.constant 0 : index
        %get3A_1256 = arith.constant 896 : index
        %get3A_1257 = vector.load %arg7[%get3A_1255, %get3A_1256] : memref<1024x1024xf32, #tpu.memory_space<vmem>>, vector<128x128xf32>
        %gt3A_1258 = vector.broadcast %mul3A_1196 : f32 to vector<128x128xf32>
        %gt3A_1259 = arith.cmpf ogt, %get3A_1257, %gt3A_1258 : vector<128x128xf32>
        %convert_element_type3A_1260 = arith.extui %gt3A_1259 : vector<128x128xi1> to vector<128x128xi32>
        %convert_element_type3A_1261 = arith.sitofp %convert_element_type3A_1260 : vector<128x128xi32> to vector<128x128xf32>
        %add3A_1262 = arith.addf %add3A_1254, %convert_element_type3A_1261 : vector<128x128xf32>
        %get3A_1263 = arith.constant 128 : index
        %get3A_1264 = arith.constant 128 : index
        %get3A_1265 = vector.load %arg7[%get3A_1263, %get3A_1264] : memref<1024x1024xf32, #tpu.memory_space<vmem>>, vector<128x128xf32>
        %gt3A_1266 = vector.broadcast %mul3A_1196 : f32 to vector<128x128xf32>
        %gt3A_1267 = arith.cmpf ogt, %get3A_1265, %gt3A_1266 : vector<128x128xf32>
        %convert_element_type3A_1268 = arith.extui %gt3A_1267 : vector<128x128xi1> to vector<128x128xi32>
        %convert_element_type3A_1269 = arith.sitofp %convert_element_type3A_1268 : vector<128x128xi32> to vector<128x128xf32>
        %add3A_1270 = arith.addf %add3A_1262, %convert_element_type3A_1269 : vector<128x128xf32>
        %get3A_1271 = arith.constant 128 : index
        %get3A_1272 = arith.constant 256 : index
        %get3A_1273 = vector.load %arg7[%get3A_1271, %get3A_1272] : memref<1024x1024xf32, #tpu.memory_space<vmem>>, vector<128x128xf32>
        %gt3A_1274 = vector.broadcast %mul3A_1196 : f32 to vector<128x128xf32>
        %gt3A_1275 = arith.cmpf ogt, %get3A_1273, %gt3A_1274 : vector<128x128xf32>
        %convert_element_type3A_1276 = arith.extui %gt3A_1275 : vector<128x128xi1> to vector<128x128xi32>
        %convert_element_type3A_1277 = arith.sitofp %convert_element_type3A_1276 : vector<128x128xi32> to vector<128x128xf32>
        %add3A_1278 = arith.addf %add3A_1270, %convert_element_type3A_1277 : vector<128x128xf32>
        %get3A_1279 = arith.constant 128 : index
        %get3A_1280 = arith.constant 384 : index
        %get3A_1281 = vector.load %arg7[%get3A_1279, %get3A_1280] : memref<1024x1024xf32, #tpu.memory_space<vmem>>, vector<128x128xf32>
        %gt3A_1282 = vector.broadcast %mul3A_1196 : f32 to vector<128x128xf32>
        %gt3A_1283 = arith.cmpf ogt, %get3A_1281, %gt3A_1282 : vector<128x128xf32>
        %convert_element_type3A_1284 = arith.extui %gt3A_1283 : vector<128x128xi1> to vector<128x128xi32>
        %convert_element_type3A_1285 = arith.sitofp %convert_element_type3A_1284 : vector<128x128xi32> to vector<128x128xf32>
        %add3A_1286 = arith.addf %add3A_1278, %convert_element_type3A_1285 : vector<128x128xf32>
        %get3A_1287 = arith.constant 128 : index
        %get3A_1288 = arith.constant 512 : index
        %get3A_1289 = vector.load %arg7[%get3A_1287, %get3A_1288] : memref<1024x1024xf32, #tpu.memory_space<vmem>>, vector<128x128xf32>
        %gt3A_1290 = vector.broadcast %mul3A_1196 : f32 to vector<128x128xf32>
        %gt3A_1291 = arith.cmpf ogt, %get3A_1289, %gt3A_1290 : vector<128x128xf32>
        %convert_element_type3A_1292 = arith.extui %gt3A_1291 : vector<128x128xi1> to vector<128x128xi32>
        %convert_element_type3A_1293 = arith.sitofp %convert_element_type3A_1292 : vector<128x128xi32> to vector<128x128xf32>
        %add3A_1294 = arith.addf %add3A_1286, %convert_element_type3A_1293 : vector<128x128xf32>
        %get3A_1295 = arith.constant 128 : index
        %get3A_1296 = arith.constant 640 : index
        %get3A_1297 = vector.load %arg7[%get3A_1295, %get3A_1296] : memref<1024x1024xf32, #tpu.memory_space<vmem>>, vector<128x128xf32>
        %gt3A_1298 = vector.broadcast %mul3A_1196 : f32 to vector<128x128xf32>
        %gt3A_1299 = arith.cmpf ogt, %get3A_1297, %gt3A_1298 : vector<128x128xf32>
        %convert_element_type3A_1300 = arith.extui %gt3A_1299 : vector<128x128xi1> to vector<128x128xi32>
        %convert_element_type3A_1301 = arith.sitofp %convert_element_type3A_1300 : vector<128x128xi32> to vector<128x128xf32>
        %add3A_1302 = arith.addf %add3A_1294, %convert_element_type3A_1301 : vector<128x128xf32>
        %get3A_1303 = arith.constant 128 : index
        %get3A_1304 = arith.constant 768 : index
        %get3A_1305 = vector.load %arg7[%get3A_1303, %get3A_1304] : memref<1024x1024xf32, #tpu.memory_space<vmem>>, vector<128x128xf32>
        %gt3A_1306 = vector.broadcast %mul3A_1196 : f32 to vector<128x128xf32>
        %gt3A_1307 = arith.cmpf ogt, %get3A_1305, %gt3A_1306 : vector<128x128xf32>
        %convert_element_type3A_1308 = arith.extui %gt3A_1307 : vector<128x128xi1> to vector<128x128xi32>
        %convert_element_type3A_1309 = arith.sitofp %convert_element_type3A_1308 : vector<128x128xi32> to vector<128x128xf32>
        %add3A_1310 = arith.addf %add3A_1302, %convert_element_type3A_1309 : vector<128x128xf32>
        %get3A_1311 = arith.constant 128 : index
        %get3A_1312 = arith.constant 896 : index
        %get3A_1313 = vector.load %arg7[%get3A_1311, %get3A_1312] : memref<1024x1024xf32, #tpu.memory_space<vmem>>, vector<128x128xf32>
        %gt3A_1314 = vector.broadcast %mul3A_1196 : f32 to vector<128x128xf32>
        %gt3A_1315 = arith.cmpf ogt, %get3A_1313, %gt3A_1314 : vector<128x128xf32>
        %convert_element_type3A_1316 = arith.extui %gt3A_1315 : vector<128x128xi1> to vector<128x128xi32>
        %convert_element_type3A_1317 = arith.sitofp %convert_element_type3A_1316 : vector<128x128xi32> to vector<128x128xf32>
        %add3A_1318 = arith.addf %add3A_1310, %convert_element_type3A_1317 : vector<128x128xf32>
        %get3A_1319 = arith.constant 256 : index
        %get3A_1320 = arith.constant 256 : index
        %get3A_1321 = vector.load %arg7[%get3A_1319, %get3A_1320] : memref<1024x1024xf32, #tpu.memory_space<vmem>>, vector<128x128xf32>
        %gt3A_1322 = vector.broadcast %mul3A_1196 : f32 to vector<128x128xf32>
        %gt3A_1323 = arith.cmpf ogt, %get3A_1321, %gt3A_1322 : vector<128x128xf32>
        %convert_element_type3A_1324 = arith.extui %gt3A_1323 : vector<128x128xi1> to vector<128x128xi32>
        %convert_element_type3A_1325 = arith.sitofp %convert_element_type3A_1324 : vector<128x128xi32> to vector<128x128xf32>
        %add3A_1326 = arith.addf %add3A_1318, %convert_element_type3A_1325 : vector<128x128xf32>
        %get3A_1327 = arith.constant 256 : index
        %get3A_1328 = arith.constant 384 : index
        %get3A_1329 = vector.load %arg7[%get3A_1327, %get3A_1328] : memref<1024x1024xf32, #tpu.memory_space<vmem>>, vector<128x128xf32>
        %gt3A_1330 = vector.broadcast %mul3A_1196 : f32 to vector<128x128xf32>
        %gt3A_1331 = arith.cmpf ogt, %get3A_1329, %gt3A_1330 : vector<128x128xf32>
        %convert_element_type3A_1332 = arith.extui %gt3A_1331 : vector<128x128xi1> to vector<128x128xi32>
        %convert_element_type3A_1333 = arith.sitofp %convert_element_type3A_1332 : vector<128x128xi32> to vector<128x128xf32>
        %add3A_1334 = arith.addf %add3A_1326, %convert_element_type3A_1333 : vector<128x128xf32>
        %get3A_1335 = arith.constant 256 : index
        %get3A_1336 = arith.constant 512 : index
        %get3A_1337 = vector.load %arg7[%get3A_1335, %get3A_1336] : memref<1024x1024xf32, #tpu.memory_space<vmem>>, vector<128x128xf32>
        %gt3A_1338 = vector.broadcast %mul3A_1196 : f32 to vector<128x128xf32>
        %gt3A_1339 = arith.cmpf ogt, %get3A_1337, %gt3A_1338 : vector<128x128xf32>
        %convert_element_type3A_1340 = arith.extui %gt3A_1339 : vector<128x128xi1> to vector<128x128xi32>
        %convert_element_type3A_1341 = arith.sitofp %convert_element_type3A_1340 : vector<128x128xi32> to vector<128x128xf32>
        %add3A_1342 = arith.addf %add3A_1334, %convert_element_type3A_1341 : vector<128x128xf32>
        %get3A_1343 = arith.constant 256 : index
        %get3A_1344 = arith.constant 640 : index
        %get3A_1345 = vector.load %arg7[%get3A_1343, %get3A_1344] : memref<1024x1024xf32, #tpu.memory_space<vmem>>, vector<128x128xf32>
        %gt3A_1346 = vector.broadcast %mul3A_1196 : f32 to vector<128x128xf32>
        %gt3A_1347 = arith.cmpf ogt, %get3A_1345, %gt3A_1346 : vector<128x128xf32>
        %convert_element_type3A_1348 = arith.extui %gt3A_1347 : vector<128x128xi1> to vector<128x128xi32>
        %convert_element_type3A_1349 = arith.sitofp %convert_element_type3A_1348 : vector<128x128xi32> to vector<128x128xf32>
        %add3A_1350 = arith.addf %add3A_1342, %convert_element_type3A_1349 : vector<128x128xf32>
        %get3A_1351 = arith.constant 256 : index
        %get3A_1352 = arith.constant 768 : index
        %get3A_1353 = vector.load %arg7[%get3A_1351, %get3A_1352] : memref<1024x1024xf32, #tpu.memory_space<vmem>>, vector<128x128xf32>
        %gt3A_1354 = vector.broadcast %mul3A_1196 : f32 to vector<128x128xf32>
        %gt3A_1355 = arith.cmpf ogt, %get3A_1353, %gt3A_1354 : vector<128x128xf32>
        %convert_element_type3A_1356 = arith.extui %gt3A_1355 : vector<128x128xi1> to vector<128x128xi32>
        %convert_element_type3A_1357 = arith.sitofp %convert_element_type3A_1356 : vector<128x128xi32> to vector<128x128xf32>
        %add3A_1358 = arith.addf %add3A_1350, %convert_element_type3A_1357 : vector<128x128xf32>
        %get3A_1359 = arith.constant 256 : index
        %get3A_1360 = arith.constant 896 : index
        %get3A_1361 = vector.load %arg7[%get3A_1359, %get3A_1360] : memref<1024x1024xf32, #tpu.memory_space<vmem>>, vector<128x128xf32>
        %gt3A_1362 = vector.broadcast %mul3A_1196 : f32 to vector<128x128xf32>
        %gt3A_1363 = arith.cmpf ogt, %get3A_1361, %gt3A_1362 : vector<128x128xf32>
        %convert_element_type3A_1364 = arith.extui %gt3A_1363 : vector<128x128xi1> to vector<128x128xi32>
        %convert_element_type3A_1365 = arith.sitofp %convert_element_type3A_1364 : vector<128x128xi32> to vector<128x128xf32>
        %add3A_1366 = arith.addf %add3A_1358, %convert_element_type3A_1365 : vector<128x128xf32>
        %get3A_1367 = arith.constant 384 : index
        %get3A_1368 = arith.constant 384 : index
        %get3A_1369 = vector.load %arg7[%get3A_1367, %get3A_1368] : memref<1024x1024xf32, #tpu.memory_space<vmem>>, vector<128x128xf32>
        %gt3A_1370 = vector.broadcast %mul3A_1196 : f32 to vector<128x128xf32>
        %gt3A_1371 = arith.cmpf ogt, %get3A_1369, %gt3A_1370 : vector<128x128xf32>
        %convert_element_type3A_1372 = arith.extui %gt3A_1371 : vector<128x128xi1> to vector<128x128xi32>
        %convert_element_type3A_1373 = arith.sitofp %convert_element_type3A_1372 : vector<128x128xi32> to vector<128x128xf32>
        %add3A_1374 = arith.addf %add3A_1366, %convert_element_type3A_1373 : vector<128x128xf32>
        %get3A_1375 = arith.constant 384 : index
        %get3A_1376 = arith.constant 512 : index
        %get3A_1377 = vector.load %arg7[%get3A_1375, %get3A_1376] : memref<1024x1024xf32, #tpu.memory_space<vmem>>, vector<128x128xf32>
        %gt3A_1378 = vector.broadcast %mul3A_1196 : f32 to vector<128x128xf32>
        %gt3A_1379 = arith.cmpf ogt, %get3A_1377, %gt3A_1378 : vector<128x128xf32>
        %convert_element_type3A_1380 = arith.extui %gt3A_1379 : vector<128x128xi1> to vector<128x128xi32>
        %convert_element_type3A_1381 = arith.sitofp %convert_element_type3A_1380 : vector<128x128xi32> to vector<128x128xf32>
        %add3A_1382 = arith.addf %add3A_1374, %convert_element_type3A_1381 : vector<128x128xf32>
        %get3A_1383 = arith.constant 384 : index
        %get3A_1384 = arith.constant 640 : index
        %get3A_1385 = vector.load %arg7[%get3A_1383, %get3A_1384] : memref<1024x1024xf32, #tpu.memory_space<vmem>>, vector<128x128xf32>
        %gt3A_1386 = vector.broadcast %mul3A_1196 : f32 to vector<128x128xf32>
        %gt3A_1387 = arith.cmpf ogt, %get3A_1385, %gt3A_1386 : vector<128x128xf32>
        %convert_element_type3A_1388 = arith.extui %gt3A_1387 : vector<128x128xi1> to vector<128x128xi32>
        %convert_element_type3A_1389 = arith.sitofp %convert_element_type3A_1388 : vector<128x128xi32> to vector<128x128xf32>
        %add3A_1390 = arith.addf %add3A_1382, %convert_element_type3A_1389 : vector<128x128xf32>
        %get3A_1391 = arith.constant 384 : index
        %get3A_1392 = arith.constant 768 : index
        %get3A_1393 = vector.load %arg7[%get3A_1391, %get3A_1392] : memref<1024x1024xf32, #tpu.memory_space<vmem>>, vector<128x128xf32>
        %gt3A_1394 = vector.broadcast %mul3A_1196 : f32 to vector<128x128xf32>
        %gt3A_1395 = arith.cmpf ogt, %get3A_1393, %gt3A_1394 : vector<128x128xf32>
        %convert_element_type3A_1396 = arith.extui %gt3A_1395 : vector<128x128xi1> to vector<128x128xi32>
        %convert_element_type3A_1397 = arith.sitofp %convert_element_type3A_1396 : vector<128x128xi32> to vector<128x128xf32>
        %add3A_1398 = arith.addf %add3A_1390, %convert_element_type3A_1397 : vector<128x128xf32>
        %get3A_1399 = arith.constant 384 : index
        %get3A_1400 = arith.constant 896 : index
        %get3A_1401 = vector.load %arg7[%get3A_1399, %get3A_1400] : memref<1024x1024xf32, #tpu.memory_space<vmem>>, vector<128x128xf32>
        %gt3A_1402 = vector.broadcast %mul3A_1196 : f32 to vector<128x128xf32>
        %gt3A_1403 = arith.cmpf ogt, %get3A_1401, %gt3A_1402 : vector<128x128xf32>
        %convert_element_type3A_1404 = arith.extui %gt3A_1403 : vector<128x128xi1> to vector<128x128xi32>
        %convert_element_type3A_1405 = arith.sitofp %convert_element_type3A_1404 : vector<128x128xi32> to vector<128x128xf32>
        %add3A_1406 = arith.addf %add3A_1398, %convert_element_type3A_1405 : vector<128x128xf32>
        %get3A_1407 = arith.constant 512 : index
        %get3A_1408 = arith.constant 512 : index
        %get3A_1409 = vector.load %arg7[%get3A_1407, %get3A_1408] : memref<1024x1024xf32, #tpu.memory_space<vmem>>, vector<128x128xf32>
        %gt3A_1410 = vector.broadcast %mul3A_1196 : f32 to vector<128x128xf32>
        %gt3A_1411 = arith.cmpf ogt, %get3A_1409, %gt3A_1410 : vector<128x128xf32>
        %convert_element_type3A_1412 = arith.extui %gt3A_1411 : vector<128x128xi1> to vector<128x128xi32>
        %convert_element_type3A_1413 = arith.sitofp %convert_element_type3A_1412 : vector<128x128xi32> to vector<128x128xf32>
        %add3A_1414 = arith.addf %add3A_1406, %convert_element_type3A_1413 : vector<128x128xf32>
        %get3A_1415 = arith.constant 512 : index
        %get3A_1416 = arith.constant 640 : index
        %get3A_1417 = vector.load %arg7[%get3A_1415, %get3A_1416] : memref<1024x1024xf32, #tpu.memory_space<vmem>>, vector<128x128xf32>
        %gt3A_1418 = vector.broadcast %mul3A_1196 : f32 to vector<128x128xf32>
        %gt3A_1419 = arith.cmpf ogt, %get3A_1417, %gt3A_1418 : vector<128x128xf32>
        %convert_element_type3A_1420 = arith.extui %gt3A_1419 : vector<128x128xi1> to vector<128x128xi32>
        %convert_element_type3A_1421 = arith.sitofp %convert_element_type3A_1420 : vector<128x128xi32> to vector<128x128xf32>
        %add3A_1422 = arith.addf %add3A_1414, %convert_element_type3A_1421 : vector<128x128xf32>
        %get3A_1423 = arith.constant 512 : index
        %get3A_1424 = arith.constant 768 : index
        %get3A_1425 = vector.load %arg7[%get3A_1423, %get3A_1424] : memref<1024x1024xf32, #tpu.memory_space<vmem>>, vector<128x128xf32>
        %gt3A_1426 = vector.broadcast %mul3A_1196 : f32 to vector<128x128xf32>
        %gt3A_1427 = arith.cmpf ogt, %get3A_1425, %gt3A_1426 : vector<128x128xf32>
        %convert_element_type3A_1428 = arith.extui %gt3A_1427 : vector<128x128xi1> to vector<128x128xi32>
        %convert_element_type3A_1429 = arith.sitofp %convert_element_type3A_1428 : vector<128x128xi32> to vector<128x128xf32>
        %add3A_1430 = arith.addf %add3A_1422, %convert_element_type3A_1429 : vector<128x128xf32>
        %get3A_1431 = arith.constant 512 : index
        %get3A_1432 = arith.constant 896 : index
        %get3A_1433 = vector.load %arg7[%get3A_1431, %get3A_1432] : memref<1024x1024xf32, #tpu.memory_space<vmem>>, vector<128x128xf32>
        %gt3A_1434 = vector.broadcast %mul3A_1196 : f32 to vector<128x128xf32>
        %gt3A_1435 = arith.cmpf ogt, %get3A_1433, %gt3A_1434 : vector<128x128xf32>
        %convert_element_type3A_1436 = arith.extui %gt3A_1435 : vector<128x128xi1> to vector<128x128xi32>
        %convert_element_type3A_1437 = arith.sitofp %convert_element_type3A_1436 : vector<128x128xi32> to vector<128x128xf32>
        %add3A_1438 = arith.addf %add3A_1430, %convert_element_type3A_1437 : vector<128x128xf32>
        %get3A_1439 = arith.constant 640 : index
        %get3A_1440 = arith.constant 640 : index
        %get3A_1441 = vector.load %arg7[%get3A_1439, %get3A_1440] : memref<1024x1024xf32, #tpu.memory_space<vmem>>, vector<128x128xf32>
        %gt3A_1442 = vector.broadcast %mul3A_1196 : f32 to vector<128x128xf32>
        %gt3A_1443 = arith.cmpf ogt, %get3A_1441, %gt3A_1442 : vector<128x128xf32>
        %convert_element_type3A_1444 = arith.extui %gt3A_1443 : vector<128x128xi1> to vector<128x128xi32>
        %convert_element_type3A_1445 = arith.sitofp %convert_element_type3A_1444 : vector<128x128xi32> to vector<128x128xf32>
        %add3A_1446 = arith.addf %add3A_1438, %convert_element_type3A_1445 : vector<128x128xf32>
        %get3A_1447 = arith.constant 640 : index
        %get3A_1448 = arith.constant 768 : index
        %get3A_1449 = vector.load %arg7[%get3A_1447, %get3A_1448] : memref<1024x1024xf32, #tpu.memory_space<vmem>>, vector<128x128xf32>
        %gt3A_1450 = vector.broadcast %mul3A_1196 : f32 to vector<128x128xf32>
        %gt3A_1451 = arith.cmpf ogt, %get3A_1449, %gt3A_1450 : vector<128x128xf32>
        %convert_element_type3A_1452 = arith.extui %gt3A_1451 : vector<128x128xi1> to vector<128x128xi32>
        %convert_element_type3A_1453 = arith.sitofp %convert_element_type3A_1452 : vector<128x128xi32> to vector<128x128xf32>
        %add3A_1454 = arith.addf %add3A_1446, %convert_element_type3A_1453 : vector<128x128xf32>
        %get3A_1455 = arith.constant 640 : index
        %get3A_1456 = arith.constant 896 : index
        %get3A_1457 = vector.load %arg7[%get3A_1455, %get3A_1456] : memref<1024x1024xf32, #tpu.memory_space<vmem>>, vector<128x128xf32>
        %gt3A_1458 = vector.broadcast %mul3A_1196 : f32 to vector<128x128xf32>
        %gt3A_1459 = arith.cmpf ogt, %get3A_1457, %gt3A_1458 : vector<128x128xf32>
        %convert_element_type3A_1460 = arith.extui %gt3A_1459 : vector<128x128xi1> to vector<128x128xi32>
        %convert_element_type3A_1461 = arith.sitofp %convert_element_type3A_1460 : vector<128x128xi32> to vector<128x128xf32>
        %add3A_1462 = arith.addf %add3A_1454, %convert_element_type3A_1461 : vector<128x128xf32>
        %get3A_1463 = arith.constant 768 : index
        %get3A_1464 = arith.constant 768 : index
        %get3A_1465 = vector.load %arg7[%get3A_1463, %get3A_1464] : memref<1024x1024xf32, #tpu.memory_space<vmem>>, vector<128x128xf32>
        %gt3A_1466 = vector.broadcast %mul3A_1196 : f32 to vector<128x128xf32>
        %gt3A_1467 = arith.cmpf ogt, %get3A_1465, %gt3A_1466 : vector<128x128xf32>
        %convert_element_type3A_1468 = arith.extui %gt3A_1467 : vector<128x128xi1> to vector<128x128xi32>
        %convert_element_type3A_1469 = arith.sitofp %convert_element_type3A_1468 : vector<128x128xi32> to vector<128x128xf32>
        %add3A_1470 = arith.addf %add3A_1462, %convert_element_type3A_1469 : vector<128x128xf32>
        %get3A_1471 = arith.constant 768 : index
        %get3A_1472 = arith.constant 896 : index
        %get3A_1473 = vector.load %arg7[%get3A_1471, %get3A_1472] : memref<1024x1024xf32, #tpu.memory_space<vmem>>, vector<128x128xf32>
        %gt3A_1474 = vector.broadcast %mul3A_1196 : f32 to vector<128x128xf32>
        %gt3A_1475 = arith.cmpf ogt, %get3A_1473, %gt3A_1474 : vector<128x128xf32>
        %convert_element_type3A_1476 = arith.extui %gt3A_1475 : vector<128x128xi1> to vector<128x128xi32>
        %convert_element_type3A_1477 = arith.sitofp %convert_element_type3A_1476 : vector<128x128xi32> to vector<128x128xf32>
        %add3A_1478 = arith.addf %add3A_1470, %convert_element_type3A_1477 : vector<128x128xf32>
        %get3A_1479 = arith.constant 896 : index
        %get3A_1480 = arith.constant 896 : index
        %get3A_1481 = vector.load %arg7[%get3A_1479, %get3A_1480] : memref<1024x1024xf32, #tpu.memory_space<vmem>>, vector<128x128xf32>
        %gt3A_1482 = vector.broadcast %mul3A_1196 : f32 to vector<128x128xf32>
        %gt3A_1483 = arith.cmpf ogt, %get3A_1481, %gt3A_1482 : vector<128x128xf32>
        %convert_element_type3A_1484 = arith.extui %gt3A_1483 : vector<128x128xi1> to vector<128x128xi32>
        %convert_element_type3A_1485 = arith.sitofp %convert_element_type3A_1484 : vector<128x128xi32> to vector<128x128xf32>
        %add3A_1486 = arith.addf %add3A_1478, %convert_element_type3A_1485 : vector<128x128xf32>
        %reduce_sum3A_1487 = vector.shape_cast %add3A_1486 : vector<128x128xf32> to vector<1x128x128xf32>
        %reduce_sum3A_1488 = arith.constant dense<0.000000e+00> : vector<1xf32>
        %reduce_sum3A_1489 = vector.multi_reduction <add>, %reduce_sum3A_1487, %reduce_sum3A_1488 [1, 2] : vector<1x128x128xf32> to vector<1xf32>
        %reduce_sum3A_1490 = vector.shape_cast %reduce_sum3A_1489 : vector<1xf32> to vector<1x1x1xf32>
        %reduce_sum3A_1491 = vector.extract %reduce_sum3A_1490[0, 0, 0] : f32 from vector<1x1x1xf32>
        %mul3A_1492 = arith.constant 2.000000e+00 : f32
        %mul3A_1493 = arith.mulf %mul3A_1492, %reduce_sum3A_1491 : f32
        %ge3A = arith.cmpf oge, %mul3A_1493, %max3A_587 : f32
        %select_n3A_1494 = arith.select %ge3A, %mul3A_1196, %scan3A_1192 : f32
        %select_n3A_1495 = arith.select %ge3A, %scan3A_1193, %mul3A_1196 : f32
        scf.yield %select_n3A_1494, %select_n3A_1495 : f32, f32
      }
      %broadcast_in_dim3A_594 = arith.constant 0.000000e+00 : f32
      %broadcast_in_dim3A_595 = vector.broadcast %broadcast_in_dim3A_594 : f32 to vector<128x128xf32>
      %broadcast_in_dim3A_596 = arith.constant 0.000000e+00 : f32
      %broadcast_in_dim3A_597 = vector.broadcast %broadcast_in_dim3A_596 : f32 to vector<128x128xf32>
      %get3A_598 = arith.constant 0 : index
      %get3A_599 = arith.constant 0 : index
      %get3A_600 = vector.load %arg7[%get3A_598, %get3A_599] : memref<1024x1024xf32, #tpu.memory_space<vmem>>, vector<128x128xf32>
      %gt3A_601 = vector.broadcast %scan3A_593#0 : f32 to vector<128x128xf32>
      %gt3A_602 = arith.cmpf ogt, %get3A_600, %gt3A_601 : vector<128x128xf32>
      %convert_element_type3A_603 = arith.extui %gt3A_602 : vector<128x128xi1> to vector<128x128xi32>
      %convert_element_type3A_604 = arith.sitofp %convert_element_type3A_603 : vector<128x128xi32> to vector<128x128xf32>
      %add3A_605 = arith.addf %broadcast_in_dim3A_595, %convert_element_type3A_604 : vector<128x128xf32>
      %jit3A_606 = arith.constant 0.000000e+00 : f32
      %broadcast_in_dim3A_607 = vector.broadcast %jit3A_606 : f32 to vector<128x128xf32>
      %select_n3A_608 = arith.select %gt3A_602, %get3A_600, %broadcast_in_dim3A_607 : vector<128x128xi1>, vector<128x128xf32>
      %add3A_609 = arith.addf %broadcast_in_dim3A_597, %select_n3A_608 : vector<128x128xf32>
      %get3A_610 = arith.constant 0 : index
      %get3A_611 = arith.constant 128 : index
      %get3A_612 = vector.load %arg7[%get3A_610, %get3A_611] : memref<1024x1024xf32, #tpu.memory_space<vmem>>, vector<128x128xf32>
      %gt3A_613 = vector.broadcast %scan3A_593#0 : f32 to vector<128x128xf32>
      %gt3A_614 = arith.cmpf ogt, %get3A_612, %gt3A_613 : vector<128x128xf32>
      %convert_element_type3A_615 = arith.extui %gt3A_614 : vector<128x128xi1> to vector<128x128xi32>
      %convert_element_type3A_616 = arith.sitofp %convert_element_type3A_615 : vector<128x128xi32> to vector<128x128xf32>
      %add3A_617 = arith.addf %add3A_605, %convert_element_type3A_616 : vector<128x128xf32>
      %jit3A_618 = arith.constant 0.000000e+00 : f32
      %broadcast_in_dim3A_619 = vector.broadcast %jit3A_618 : f32 to vector<128x128xf32>
      %select_n3A_620 = arith.select %gt3A_614, %get3A_612, %broadcast_in_dim3A_619 : vector<128x128xi1>, vector<128x128xf32>
      %add3A_621 = arith.addf %add3A_609, %select_n3A_620 : vector<128x128xf32>
      %get3A_622 = arith.constant 0 : index
      %get3A_623 = arith.constant 256 : index
      %get3A_624 = vector.load %arg7[%get3A_622, %get3A_623] : memref<1024x1024xf32, #tpu.memory_space<vmem>>, vector<128x128xf32>
      %gt3A_625 = vector.broadcast %scan3A_593#0 : f32 to vector<128x128xf32>
      %gt3A_626 = arith.cmpf ogt, %get3A_624, %gt3A_625 : vector<128x128xf32>
      %convert_element_type3A_627 = arith.extui %gt3A_626 : vector<128x128xi1> to vector<128x128xi32>
      %convert_element_type3A_628 = arith.sitofp %convert_element_type3A_627 : vector<128x128xi32> to vector<128x128xf32>
      %add3A_629 = arith.addf %add3A_617, %convert_element_type3A_628 : vector<128x128xf32>
      %jit3A_630 = arith.constant 0.000000e+00 : f32
      %broadcast_in_dim3A_631 = vector.broadcast %jit3A_630 : f32 to vector<128x128xf32>
      %select_n3A_632 = arith.select %gt3A_626, %get3A_624, %broadcast_in_dim3A_631 : vector<128x128xi1>, vector<128x128xf32>
      %add3A_633 = arith.addf %add3A_621, %select_n3A_632 : vector<128x128xf32>
      %get3A_634 = arith.constant 0 : index
      %get3A_635 = arith.constant 384 : index
      %get3A_636 = vector.load %arg7[%get3A_634, %get3A_635] : memref<1024x1024xf32, #tpu.memory_space<vmem>>, vector<128x128xf32>
      %gt3A_637 = vector.broadcast %scan3A_593#0 : f32 to vector<128x128xf32>
      %gt3A_638 = arith.cmpf ogt, %get3A_636, %gt3A_637 : vector<128x128xf32>
      %convert_element_type3A_639 = arith.extui %gt3A_638 : vector<128x128xi1> to vector<128x128xi32>
      %convert_element_type3A_640 = arith.sitofp %convert_element_type3A_639 : vector<128x128xi32> to vector<128x128xf32>
      %add3A_641 = arith.addf %add3A_629, %convert_element_type3A_640 : vector<128x128xf32>
      %jit3A_642 = arith.constant 0.000000e+00 : f32
      %broadcast_in_dim3A_643 = vector.broadcast %jit3A_642 : f32 to vector<128x128xf32>
      %select_n3A_644 = arith.select %gt3A_638, %get3A_636, %broadcast_in_dim3A_643 : vector<128x128xi1>, vector<128x128xf32>
      %add3A_645 = arith.addf %add3A_633, %select_n3A_644 : vector<128x128xf32>
      %get3A_646 = arith.constant 0 : index
      %get3A_647 = arith.constant 512 : index
      %get3A_648 = vector.load %arg7[%get3A_646, %get3A_647] : memref<1024x1024xf32, #tpu.memory_space<vmem>>, vector<128x128xf32>
      %gt3A_649 = vector.broadcast %scan3A_593#0 : f32 to vector<128x128xf32>
      %gt3A_650 = arith.cmpf ogt, %get3A_648, %gt3A_649 : vector<128x128xf32>
      %convert_element_type3A_651 = arith.extui %gt3A_650 : vector<128x128xi1> to vector<128x128xi32>
      %convert_element_type3A_652 = arith.sitofp %convert_element_type3A_651 : vector<128x128xi32> to vector<128x128xf32>
      %add3A_653 = arith.addf %add3A_641, %convert_element_type3A_652 : vector<128x128xf32>
      %jit3A_654 = arith.constant 0.000000e+00 : f32
      %broadcast_in_dim3A_655 = vector.broadcast %jit3A_654 : f32 to vector<128x128xf32>
      %select_n3A_656 = arith.select %gt3A_650, %get3A_648, %broadcast_in_dim3A_655 : vector<128x128xi1>, vector<128x128xf32>
      %add3A_657 = arith.addf %add3A_645, %select_n3A_656 : vector<128x128xf32>
      %get3A_658 = arith.constant 0 : index
      %get3A_659 = arith.constant 640 : index
      %get3A_660 = vector.load %arg7[%get3A_658, %get3A_659] : memref<1024x1024xf32, #tpu.memory_space<vmem>>, vector<128x128xf32>
      %gt3A_661 = vector.broadcast %scan3A_593#0 : f32 to vector<128x128xf32>
      %gt3A_662 = arith.cmpf ogt, %get3A_660, %gt3A_661 : vector<128x128xf32>
      %convert_element_type3A_663 = arith.extui %gt3A_662 : vector<128x128xi1> to vector<128x128xi32>
      %convert_element_type3A_664 = arith.sitofp %convert_element_type3A_663 : vector<128x128xi32> to vector<128x128xf32>
      %add3A_665 = arith.addf %add3A_653, %convert_element_type3A_664 : vector<128x128xf32>
      %jit3A_666 = arith.constant 0.000000e+00 : f32
      %broadcast_in_dim3A_667 = vector.broadcast %jit3A_666 : f32 to vector<128x128xf32>
      %select_n3A_668 = arith.select %gt3A_662, %get3A_660, %broadcast_in_dim3A_667 : vector<128x128xi1>, vector<128x128xf32>
      %add3A_669 = arith.addf %add3A_657, %select_n3A_668 : vector<128x128xf32>
      %get3A_670 = arith.constant 0 : index
      %get3A_671 = arith.constant 768 : index
      %get3A_672 = vector.load %arg7[%get3A_670, %get3A_671] : memref<1024x1024xf32, #tpu.memory_space<vmem>>, vector<128x128xf32>
      %gt3A_673 = vector.broadcast %scan3A_593#0 : f32 to vector<128x128xf32>
      %gt3A_674 = arith.cmpf ogt, %get3A_672, %gt3A_673 : vector<128x128xf32>
      %convert_element_type3A_675 = arith.extui %gt3A_674 : vector<128x128xi1> to vector<128x128xi32>
      %convert_element_type3A_676 = arith.sitofp %convert_element_type3A_675 : vector<128x128xi32> to vector<128x128xf32>
      %add3A_677 = arith.addf %add3A_665, %convert_element_type3A_676 : vector<128x128xf32>
      %jit3A_678 = arith.constant 0.000000e+00 : f32
      %broadcast_in_dim3A_679 = vector.broadcast %jit3A_678 : f32 to vector<128x128xf32>
      %select_n3A_680 = arith.select %gt3A_674, %get3A_672, %broadcast_in_dim3A_679 : vector<128x128xi1>, vector<128x128xf32>
      %add3A_681 = arith.addf %add3A_669, %select_n3A_680 : vector<128x128xf32>
      %get3A_682 = arith.constant 0 : index
      %get3A_683 = arith.constant 896 : index
      %get3A_684 = vector.load %arg7[%get3A_682, %get3A_683] : memref<1024x1024xf32, #tpu.memory_space<vmem>>, vector<128x128xf32>
      %gt3A_685 = vector.broadcast %scan3A_593#0 : f32 to vector<128x128xf32>
      %gt3A_686 = arith.cmpf ogt, %get3A_684, %gt3A_685 : vector<128x128xf32>
      %convert_element_type3A_687 = arith.extui %gt3A_686 : vector<128x128xi1> to vector<128x128xi32>
      %convert_element_type3A_688 = arith.sitofp %convert_element_type3A_687 : vector<128x128xi32> to vector<128x128xf32>
      %add3A_689 = arith.addf %add3A_677, %convert_element_type3A_688 : vector<128x128xf32>
      %jit3A_690 = arith.constant 0.000000e+00 : f32
      %broadcast_in_dim3A_691 = vector.broadcast %jit3A_690 : f32 to vector<128x128xf32>
      %select_n3A_692 = arith.select %gt3A_686, %get3A_684, %broadcast_in_dim3A_691 : vector<128x128xi1>, vector<128x128xf32>
      %add3A_693 = arith.addf %add3A_681, %select_n3A_692 : vector<128x128xf32>
      %get3A_694 = arith.constant 128 : index
      %get3A_695 = arith.constant 128 : index
      %get3A_696 = vector.load %arg7[%get3A_694, %get3A_695] : memref<1024x1024xf32, #tpu.memory_space<vmem>>, vector<128x128xf32>
      %gt3A_697 = vector.broadcast %scan3A_593#0 : f32 to vector<128x128xf32>
      %gt3A_698 = arith.cmpf ogt, %get3A_696, %gt3A_697 : vector<128x128xf32>
      %convert_element_type3A_699 = arith.extui %gt3A_698 : vector<128x128xi1> to vector<128x128xi32>
      %convert_element_type3A_700 = arith.sitofp %convert_element_type3A_699 : vector<128x128xi32> to vector<128x128xf32>
      %add3A_701 = arith.addf %add3A_689, %convert_element_type3A_700 : vector<128x128xf32>
      %jit3A_702 = arith.constant 0.000000e+00 : f32
      %broadcast_in_dim3A_703 = vector.broadcast %jit3A_702 : f32 to vector<128x128xf32>
      %select_n3A_704 = arith.select %gt3A_698, %get3A_696, %broadcast_in_dim3A_703 : vector<128x128xi1>, vector<128x128xf32>
      %add3A_705 = arith.addf %add3A_693, %select_n3A_704 : vector<128x128xf32>
      %get3A_706 = arith.constant 128 : index
      %get3A_707 = arith.constant 256 : index
      %get3A_708 = vector.load %arg7[%get3A_706, %get3A_707] : memref<1024x1024xf32, #tpu.memory_space<vmem>>, vector<128x128xf32>
      %gt3A_709 = vector.broadcast %scan3A_593#0 : f32 to vector<128x128xf32>
      %gt3A_710 = arith.cmpf ogt, %get3A_708, %gt3A_709 : vector<128x128xf32>
      %convert_element_type3A_711 = arith.extui %gt3A_710 : vector<128x128xi1> to vector<128x128xi32>
      %convert_element_type3A_712 = arith.sitofp %convert_element_type3A_711 : vector<128x128xi32> to vector<128x128xf32>
      %add3A_713 = arith.addf %add3A_701, %convert_element_type3A_712 : vector<128x128xf32>
      %jit3A_714 = arith.constant 0.000000e+00 : f32
      %broadcast_in_dim3A_715 = vector.broadcast %jit3A_714 : f32 to vector<128x128xf32>
      %select_n3A_716 = arith.select %gt3A_710, %get3A_708, %broadcast_in_dim3A_715 : vector<128x128xi1>, vector<128x128xf32>
      %add3A_717 = arith.addf %add3A_705, %select_n3A_716 : vector<128x128xf32>
      %get3A_718 = arith.constant 128 : index
      %get3A_719 = arith.constant 384 : index
      %get3A_720 = vector.load %arg7[%get3A_718, %get3A_719] : memref<1024x1024xf32, #tpu.memory_space<vmem>>, vector<128x128xf32>
      %gt3A_721 = vector.broadcast %scan3A_593#0 : f32 to vector<128x128xf32>
      %gt3A_722 = arith.cmpf ogt, %get3A_720, %gt3A_721 : vector<128x128xf32>
      %convert_element_type3A_723 = arith.extui %gt3A_722 : vector<128x128xi1> to vector<128x128xi32>
      %convert_element_type3A_724 = arith.sitofp %convert_element_type3A_723 : vector<128x128xi32> to vector<128x128xf32>
      %add3A_725 = arith.addf %add3A_713, %convert_element_type3A_724 : vector<128x128xf32>
      %jit3A_726 = arith.constant 0.000000e+00 : f32
      %broadcast_in_dim3A_727 = vector.broadcast %jit3A_726 : f32 to vector<128x128xf32>
      %select_n3A_728 = arith.select %gt3A_722, %get3A_720, %broadcast_in_dim3A_727 : vector<128x128xi1>, vector<128x128xf32>
      %add3A_729 = arith.addf %add3A_717, %select_n3A_728 : vector<128x128xf32>
      %get3A_730 = arith.constant 128 : index
      %get3A_731 = arith.constant 512 : index
      %get3A_732 = vector.load %arg7[%get3A_730, %get3A_731] : memref<1024x1024xf32, #tpu.memory_space<vmem>>, vector<128x128xf32>
      %gt3A_733 = vector.broadcast %scan3A_593#0 : f32 to vector<128x128xf32>
      %gt3A_734 = arith.cmpf ogt, %get3A_732, %gt3A_733 : vector<128x128xf32>
      %convert_element_type3A_735 = arith.extui %gt3A_734 : vector<128x128xi1> to vector<128x128xi32>
      %convert_element_type3A_736 = arith.sitofp %convert_element_type3A_735 : vector<128x128xi32> to vector<128x128xf32>
      %add3A_737 = arith.addf %add3A_725, %convert_element_type3A_736 : vector<128x128xf32>
      %jit3A_738 = arith.constant 0.000000e+00 : f32
      %broadcast_in_dim3A_739 = vector.broadcast %jit3A_738 : f32 to vector<128x128xf32>
      %select_n3A_740 = arith.select %gt3A_734, %get3A_732, %broadcast_in_dim3A_739 : vector<128x128xi1>, vector<128x128xf32>
      %add3A_741 = arith.addf %add3A_729, %select_n3A_740 : vector<128x128xf32>
      %get3A_742 = arith.constant 128 : index
      %get3A_743 = arith.constant 640 : index
      %get3A_744 = vector.load %arg7[%get3A_742, %get3A_743] : memref<1024x1024xf32, #tpu.memory_space<vmem>>, vector<128x128xf32>
      %gt3A_745 = vector.broadcast %scan3A_593#0 : f32 to vector<128x128xf32>
      %gt3A_746 = arith.cmpf ogt, %get3A_744, %gt3A_745 : vector<128x128xf32>
      %convert_element_type3A_747 = arith.extui %gt3A_746 : vector<128x128xi1> to vector<128x128xi32>
      %convert_element_type3A_748 = arith.sitofp %convert_element_type3A_747 : vector<128x128xi32> to vector<128x128xf32>
      %add3A_749 = arith.addf %add3A_737, %convert_element_type3A_748 : vector<128x128xf32>
      %jit3A_750 = arith.constant 0.000000e+00 : f32
      %broadcast_in_dim3A_751 = vector.broadcast %jit3A_750 : f32 to vector<128x128xf32>
      %select_n3A_752 = arith.select %gt3A_746, %get3A_744, %broadcast_in_dim3A_751 : vector<128x128xi1>, vector<128x128xf32>
      %add3A_753 = arith.addf %add3A_741, %select_n3A_752 : vector<128x128xf32>
      %get3A_754 = arith.constant 128 : index
      %get3A_755 = arith.constant 768 : index
      %get3A_756 = vector.load %arg7[%get3A_754, %get3A_755] : memref<1024x1024xf32, #tpu.memory_space<vmem>>, vector<128x128xf32>
      %gt3A_757 = vector.broadcast %scan3A_593#0 : f32 to vector<128x128xf32>
      %gt3A_758 = arith.cmpf ogt, %get3A_756, %gt3A_757 : vector<128x128xf32>
      %convert_element_type3A_759 = arith.extui %gt3A_758 : vector<128x128xi1> to vector<128x128xi32>
      %convert_element_type3A_760 = arith.sitofp %convert_element_type3A_759 : vector<128x128xi32> to vector<128x128xf32>
      %add3A_761 = arith.addf %add3A_749, %convert_element_type3A_760 : vector<128x128xf32>
      %jit3A_762 = arith.constant 0.000000e+00 : f32
      %broadcast_in_dim3A_763 = vector.broadcast %jit3A_762 : f32 to vector<128x128xf32>
      %select_n3A_764 = arith.select %gt3A_758, %get3A_756, %broadcast_in_dim3A_763 : vector<128x128xi1>, vector<128x128xf32>
      %add3A_765 = arith.addf %add3A_753, %select_n3A_764 : vector<128x128xf32>
      %get3A_766 = arith.constant 128 : index
      %get3A_767 = arith.constant 896 : index
      %get3A_768 = vector.load %arg7[%get3A_766, %get3A_767] : memref<1024x1024xf32, #tpu.memory_space<vmem>>, vector<128x128xf32>
      %gt3A_769 = vector.broadcast %scan3A_593#0 : f32 to vector<128x128xf32>
      %gt3A_770 = arith.cmpf ogt, %get3A_768, %gt3A_769 : vector<128x128xf32>
      %convert_element_type3A_771 = arith.extui %gt3A_770 : vector<128x128xi1> to vector<128x128xi32>
      %convert_element_type3A_772 = arith.sitofp %convert_element_type3A_771 : vector<128x128xi32> to vector<128x128xf32>
      %add3A_773 = arith.addf %add3A_761, %convert_element_type3A_772 : vector<128x128xf32>
      %jit3A_774 = arith.constant 0.000000e+00 : f32
      %broadcast_in_dim3A_775 = vector.broadcast %jit3A_774 : f32 to vector<128x128xf32>
      %select_n3A_776 = arith.select %gt3A_770, %get3A_768, %broadcast_in_dim3A_775 : vector<128x128xi1>, vector<128x128xf32>
      %add3A_777 = arith.addf %add3A_765, %select_n3A_776 : vector<128x128xf32>
      %get3A_778 = arith.constant 256 : index
      %get3A_779 = arith.constant 256 : index
      %get3A_780 = vector.load %arg7[%get3A_778, %get3A_779] : memref<1024x1024xf32, #tpu.memory_space<vmem>>, vector<128x128xf32>
      %gt3A_781 = vector.broadcast %scan3A_593#0 : f32 to vector<128x128xf32>
      %gt3A_782 = arith.cmpf ogt, %get3A_780, %gt3A_781 : vector<128x128xf32>
      %convert_element_type3A_783 = arith.extui %gt3A_782 : vector<128x128xi1> to vector<128x128xi32>
      %convert_element_type3A_784 = arith.sitofp %convert_element_type3A_783 : vector<128x128xi32> to vector<128x128xf32>
      %add3A_785 = arith.addf %add3A_773, %convert_element_type3A_784 : vector<128x128xf32>
      %jit3A_786 = arith.constant 0.000000e+00 : f32
      %broadcast_in_dim3A_787 = vector.broadcast %jit3A_786 : f32 to vector<128x128xf32>
      %select_n3A_788 = arith.select %gt3A_782, %get3A_780, %broadcast_in_dim3A_787 : vector<128x128xi1>, vector<128x128xf32>
      %add3A_789 = arith.addf %add3A_777, %select_n3A_788 : vector<128x128xf32>
      %get3A_790 = arith.constant 256 : index
      %get3A_791 = arith.constant 384 : index
      %get3A_792 = vector.load %arg7[%get3A_790, %get3A_791] : memref<1024x1024xf32, #tpu.memory_space<vmem>>, vector<128x128xf32>
      %gt3A_793 = vector.broadcast %scan3A_593#0 : f32 to vector<128x128xf32>
      %gt3A_794 = arith.cmpf ogt, %get3A_792, %gt3A_793 : vector<128x128xf32>
      %convert_element_type3A_795 = arith.extui %gt3A_794 : vector<128x128xi1> to vector<128x128xi32>
      %convert_element_type3A_796 = arith.sitofp %convert_element_type3A_795 : vector<128x128xi32> to vector<128x128xf32>
      %add3A_797 = arith.addf %add3A_785, %convert_element_type3A_796 : vector<128x128xf32>
      %jit3A_798 = arith.constant 0.000000e+00 : f32
      %broadcast_in_dim3A_799 = vector.broadcast %jit3A_798 : f32 to vector<128x128xf32>
      %select_n3A_800 = arith.select %gt3A_794, %get3A_792, %broadcast_in_dim3A_799 : vector<128x128xi1>, vector<128x128xf32>
      %add3A_801 = arith.addf %add3A_789, %select_n3A_800 : vector<128x128xf32>
      %get3A_802 = arith.constant 256 : index
      %get3A_803 = arith.constant 512 : index
      %get3A_804 = vector.load %arg7[%get3A_802, %get3A_803] : memref<1024x1024xf32, #tpu.memory_space<vmem>>, vector<128x128xf32>
      %gt3A_805 = vector.broadcast %scan3A_593#0 : f32 to vector<128x128xf32>
      %gt3A_806 = arith.cmpf ogt, %get3A_804, %gt3A_805 : vector<128x128xf32>
      %convert_element_type3A_807 = arith.extui %gt3A_806 : vector<128x128xi1> to vector<128x128xi32>
      %convert_element_type3A_808 = arith.sitofp %convert_element_type3A_807 : vector<128x128xi32> to vector<128x128xf32>
      %add3A_809 = arith.addf %add3A_797, %convert_element_type3A_808 : vector<128x128xf32>
      %jit3A_810 = arith.constant 0.000000e+00 : f32
      %broadcast_in_dim3A_811 = vector.broadcast %jit3A_810 : f32 to vector<128x128xf32>
      %select_n3A_812 = arith.select %gt3A_806, %get3A_804, %broadcast_in_dim3A_811 : vector<128x128xi1>, vector<128x128xf32>
      %add3A_813 = arith.addf %add3A_801, %select_n3A_812 : vector<128x128xf32>
      %get3A_814 = arith.constant 256 : index
      %get3A_815 = arith.constant 640 : index
      %get3A_816 = vector.load %arg7[%get3A_814, %get3A_815] : memref<1024x1024xf32, #tpu.memory_space<vmem>>, vector<128x128xf32>
      %gt3A_817 = vector.broadcast %scan3A_593#0 : f32 to vector<128x128xf32>
      %gt3A_818 = arith.cmpf ogt, %get3A_816, %gt3A_817 : vector<128x128xf32>
      %convert_element_type3A_819 = arith.extui %gt3A_818 : vector<128x128xi1> to vector<128x128xi32>
      %convert_element_type3A_820 = arith.sitofp %convert_element_type3A_819 : vector<128x128xi32> to vector<128x128xf32>
      %add3A_821 = arith.addf %add3A_809, %convert_element_type3A_820 : vector<128x128xf32>
      %jit3A_822 = arith.constant 0.000000e+00 : f32
      %broadcast_in_dim3A_823 = vector.broadcast %jit3A_822 : f32 to vector<128x128xf32>
      %select_n3A_824 = arith.select %gt3A_818, %get3A_816, %broadcast_in_dim3A_823 : vector<128x128xi1>, vector<128x128xf32>
      %add3A_825 = arith.addf %add3A_813, %select_n3A_824 : vector<128x128xf32>
      %get3A_826 = arith.constant 256 : index
      %get3A_827 = arith.constant 768 : index
      %get3A_828 = vector.load %arg7[%get3A_826, %get3A_827] : memref<1024x1024xf32, #tpu.memory_space<vmem>>, vector<128x128xf32>
      %gt3A_829 = vector.broadcast %scan3A_593#0 : f32 to vector<128x128xf32>
      %gt3A_830 = arith.cmpf ogt, %get3A_828, %gt3A_829 : vector<128x128xf32>
      %convert_element_type3A_831 = arith.extui %gt3A_830 : vector<128x128xi1> to vector<128x128xi32>
      %convert_element_type3A_832 = arith.sitofp %convert_element_type3A_831 : vector<128x128xi32> to vector<128x128xf32>
      %add3A_833 = arith.addf %add3A_821, %convert_element_type3A_832 : vector<128x128xf32>
      %jit3A_834 = arith.constant 0.000000e+00 : f32
      %broadcast_in_dim3A_835 = vector.broadcast %jit3A_834 : f32 to vector<128x128xf32>
      %select_n3A_836 = arith.select %gt3A_830, %get3A_828, %broadcast_in_dim3A_835 : vector<128x128xi1>, vector<128x128xf32>
      %add3A_837 = arith.addf %add3A_825, %select_n3A_836 : vector<128x128xf32>
      %get3A_838 = arith.constant 256 : index
      %get3A_839 = arith.constant 896 : index
      %get3A_840 = vector.load %arg7[%get3A_838, %get3A_839] : memref<1024x1024xf32, #tpu.memory_space<vmem>>, vector<128x128xf32>
      %gt3A_841 = vector.broadcast %scan3A_593#0 : f32 to vector<128x128xf32>
      %gt3A_842 = arith.cmpf ogt, %get3A_840, %gt3A_841 : vector<128x128xf32>
      %convert_element_type3A_843 = arith.extui %gt3A_842 : vector<128x128xi1> to vector<128x128xi32>
      %convert_element_type3A_844 = arith.sitofp %convert_element_type3A_843 : vector<128x128xi32> to vector<128x128xf32>
      %add3A_845 = arith.addf %add3A_833, %convert_element_type3A_844 : vector<128x128xf32>
      %jit3A_846 = arith.constant 0.000000e+00 : f32
      %broadcast_in_dim3A_847 = vector.broadcast %jit3A_846 : f32 to vector<128x128xf32>
      %select_n3A_848 = arith.select %gt3A_842, %get3A_840, %broadcast_in_dim3A_847 : vector<128x128xi1>, vector<128x128xf32>
      %add3A_849 = arith.addf %add3A_837, %select_n3A_848 : vector<128x128xf32>
      %get3A_850 = arith.constant 384 : index
      %get3A_851 = arith.constant 384 : index
      %get3A_852 = vector.load %arg7[%get3A_850, %get3A_851] : memref<1024x1024xf32, #tpu.memory_space<vmem>>, vector<128x128xf32>
      %gt3A_853 = vector.broadcast %scan3A_593#0 : f32 to vector<128x128xf32>
      %gt3A_854 = arith.cmpf ogt, %get3A_852, %gt3A_853 : vector<128x128xf32>
      %convert_element_type3A_855 = arith.extui %gt3A_854 : vector<128x128xi1> to vector<128x128xi32>
      %convert_element_type3A_856 = arith.sitofp %convert_element_type3A_855 : vector<128x128xi32> to vector<128x128xf32>
      %add3A_857 = arith.addf %add3A_845, %convert_element_type3A_856 : vector<128x128xf32>
      %jit3A_858 = arith.constant 0.000000e+00 : f32
      %broadcast_in_dim3A_859 = vector.broadcast %jit3A_858 : f32 to vector<128x128xf32>
      %select_n3A_860 = arith.select %gt3A_854, %get3A_852, %broadcast_in_dim3A_859 : vector<128x128xi1>, vector<128x128xf32>
      %add3A_861 = arith.addf %add3A_849, %select_n3A_860 : vector<128x128xf32>
      %get3A_862 = arith.constant 384 : index
      %get3A_863 = arith.constant 512 : index
      %get3A_864 = vector.load %arg7[%get3A_862, %get3A_863] : memref<1024x1024xf32, #tpu.memory_space<vmem>>, vector<128x128xf32>
      %gt3A_865 = vector.broadcast %scan3A_593#0 : f32 to vector<128x128xf32>
      %gt3A_866 = arith.cmpf ogt, %get3A_864, %gt3A_865 : vector<128x128xf32>
      %convert_element_type3A_867 = arith.extui %gt3A_866 : vector<128x128xi1> to vector<128x128xi32>
      %convert_element_type3A_868 = arith.sitofp %convert_element_type3A_867 : vector<128x128xi32> to vector<128x128xf32>
      %add3A_869 = arith.addf %add3A_857, %convert_element_type3A_868 : vector<128x128xf32>
      %jit3A_870 = arith.constant 0.000000e+00 : f32
      %broadcast_in_dim3A_871 = vector.broadcast %jit3A_870 : f32 to vector<128x128xf32>
      %select_n3A_872 = arith.select %gt3A_866, %get3A_864, %broadcast_in_dim3A_871 : vector<128x128xi1>, vector<128x128xf32>
      %add3A_873 = arith.addf %add3A_861, %select_n3A_872 : vector<128x128xf32>
      %get3A_874 = arith.constant 384 : index
      %get3A_875 = arith.constant 640 : index
      %get3A_876 = vector.load %arg7[%get3A_874, %get3A_875] : memref<1024x1024xf32, #tpu.memory_space<vmem>>, vector<128x128xf32>
      %gt3A_877 = vector.broadcast %scan3A_593#0 : f32 to vector<128x128xf32>
      %gt3A_878 = arith.cmpf ogt, %get3A_876, %gt3A_877 : vector<128x128xf32>
      %convert_element_type3A_879 = arith.extui %gt3A_878 : vector<128x128xi1> to vector<128x128xi32>
      %convert_element_type3A_880 = arith.sitofp %convert_element_type3A_879 : vector<128x128xi32> to vector<128x128xf32>
      %add3A_881 = arith.addf %add3A_869, %convert_element_type3A_880 : vector<128x128xf32>
      %jit3A_882 = arith.constant 0.000000e+00 : f32
      %broadcast_in_dim3A_883 = vector.broadcast %jit3A_882 : f32 to vector<128x128xf32>
      %select_n3A_884 = arith.select %gt3A_878, %get3A_876, %broadcast_in_dim3A_883 : vector<128x128xi1>, vector<128x128xf32>
      %add3A_885 = arith.addf %add3A_873, %select_n3A_884 : vector<128x128xf32>
      %get3A_886 = arith.constant 384 : index
      %get3A_887 = arith.constant 768 : index
      %get3A_888 = vector.load %arg7[%get3A_886, %get3A_887] : memref<1024x1024xf32, #tpu.memory_space<vmem>>, vector<128x128xf32>
      %gt3A_889 = vector.broadcast %scan3A_593#0 : f32 to vector<128x128xf32>
      %gt3A_890 = arith.cmpf ogt, %get3A_888, %gt3A_889 : vector<128x128xf32>
      %convert_element_type3A_891 = arith.extui %gt3A_890 : vector<128x128xi1> to vector<128x128xi32>
      %convert_element_type3A_892 = arith.sitofp %convert_element_type3A_891 : vector<128x128xi32> to vector<128x128xf32>
      %add3A_893 = arith.addf %add3A_881, %convert_element_type3A_892 : vector<128x128xf32>
      %jit3A_894 = arith.constant 0.000000e+00 : f32
      %broadcast_in_dim3A_895 = vector.broadcast %jit3A_894 : f32 to vector<128x128xf32>
      %select_n3A_896 = arith.select %gt3A_890, %get3A_888, %broadcast_in_dim3A_895 : vector<128x128xi1>, vector<128x128xf32>
      %add3A_897 = arith.addf %add3A_885, %select_n3A_896 : vector<128x128xf32>
      %get3A_898 = arith.constant 384 : index
      %get3A_899 = arith.constant 896 : index
      %get3A_900 = vector.load %arg7[%get3A_898, %get3A_899] : memref<1024x1024xf32, #tpu.memory_space<vmem>>, vector<128x128xf32>
      %gt3A_901 = vector.broadcast %scan3A_593#0 : f32 to vector<128x128xf32>
      %gt3A_902 = arith.cmpf ogt, %get3A_900, %gt3A_901 : vector<128x128xf32>
      %convert_element_type3A_903 = arith.extui %gt3A_902 : vector<128x128xi1> to vector<128x128xi32>
      %convert_element_type3A_904 = arith.sitofp %convert_element_type3A_903 : vector<128x128xi32> to vector<128x128xf32>
      %add3A_905 = arith.addf %add3A_893, %convert_element_type3A_904 : vector<128x128xf32>
      %jit3A_906 = arith.constant 0.000000e+00 : f32
      %broadcast_in_dim3A_907 = vector.broadcast %jit3A_906 : f32 to vector<128x128xf32>
      %select_n3A_908 = arith.select %gt3A_902, %get3A_900, %broadcast_in_dim3A_907 : vector<128x128xi1>, vector<128x128xf32>
      %add3A_909 = arith.addf %add3A_897, %select_n3A_908 : vector<128x128xf32>
      %get3A_910 = arith.constant 512 : index
      %get3A_911 = arith.constant 512 : index
      %get3A_912 = vector.load %arg7[%get3A_910, %get3A_911] : memref<1024x1024xf32, #tpu.memory_space<vmem>>, vector<128x128xf32>
      %gt3A_913 = vector.broadcast %scan3A_593#0 : f32 to vector<128x128xf32>
      %gt3A_914 = arith.cmpf ogt, %get3A_912, %gt3A_913 : vector<128x128xf32>
      %convert_element_type3A_915 = arith.extui %gt3A_914 : vector<128x128xi1> to vector<128x128xi32>
      %convert_element_type3A_916 = arith.sitofp %convert_element_type3A_915 : vector<128x128xi32> to vector<128x128xf32>
      %add3A_917 = arith.addf %add3A_905, %convert_element_type3A_916 : vector<128x128xf32>
      %jit3A_918 = arith.constant 0.000000e+00 : f32
      %broadcast_in_dim3A_919 = vector.broadcast %jit3A_918 : f32 to vector<128x128xf32>
      %select_n3A_920 = arith.select %gt3A_914, %get3A_912, %broadcast_in_dim3A_919 : vector<128x128xi1>, vector<128x128xf32>
      %add3A_921 = arith.addf %add3A_909, %select_n3A_920 : vector<128x128xf32>
      %get3A_922 = arith.constant 512 : index
      %get3A_923 = arith.constant 640 : index
      %get3A_924 = vector.load %arg7[%get3A_922, %get3A_923] : memref<1024x1024xf32, #tpu.memory_space<vmem>>, vector<128x128xf32>
      %gt3A_925 = vector.broadcast %scan3A_593#0 : f32 to vector<128x128xf32>
      %gt3A_926 = arith.cmpf ogt, %get3A_924, %gt3A_925 : vector<128x128xf32>
      %convert_element_type3A_927 = arith.extui %gt3A_926 : vector<128x128xi1> to vector<128x128xi32>
      %convert_element_type3A_928 = arith.sitofp %convert_element_type3A_927 : vector<128x128xi32> to vector<128x128xf32>
      %add3A_929 = arith.addf %add3A_917, %convert_element_type3A_928 : vector<128x128xf32>
      %jit3A_930 = arith.constant 0.000000e+00 : f32
      %broadcast_in_dim3A_931 = vector.broadcast %jit3A_930 : f32 to vector<128x128xf32>
      %select_n3A_932 = arith.select %gt3A_926, %get3A_924, %broadcast_in_dim3A_931 : vector<128x128xi1>, vector<128x128xf32>
      %add3A_933 = arith.addf %add3A_921, %select_n3A_932 : vector<128x128xf32>
      %get3A_934 = arith.constant 512 : index
      %get3A_935 = arith.constant 768 : index
      %get3A_936 = vector.load %arg7[%get3A_934, %get3A_935] : memref<1024x1024xf32, #tpu.memory_space<vmem>>, vector<128x128xf32>
      %gt3A_937 = vector.broadcast %scan3A_593#0 : f32 to vector<128x128xf32>
      %gt3A_938 = arith.cmpf ogt, %get3A_936, %gt3A_937 : vector<128x128xf32>
      %convert_element_type3A_939 = arith.extui %gt3A_938 : vector<128x128xi1> to vector<128x128xi32>
      %convert_element_type3A_940 = arith.sitofp %convert_element_type3A_939 : vector<128x128xi32> to vector<128x128xf32>
      %add3A_941 = arith.addf %add3A_929, %convert_element_type3A_940 : vector<128x128xf32>
      %jit3A_942 = arith.constant 0.000000e+00 : f32
      %broadcast_in_dim3A_943 = vector.broadcast %jit3A_942 : f32 to vector<128x128xf32>
      %select_n3A_944 = arith.select %gt3A_938, %get3A_936, %broadcast_in_dim3A_943 : vector<128x128xi1>, vector<128x128xf32>
      %add3A_945 = arith.addf %add3A_933, %select_n3A_944 : vector<128x128xf32>
      %get3A_946 = arith.constant 512 : index
      %get3A_947 = arith.constant 896 : index
      %get3A_948 = vector.load %arg7[%get3A_946, %get3A_947] : memref<1024x1024xf32, #tpu.memory_space<vmem>>, vector<128x128xf32>
      %gt3A_949 = vector.broadcast %scan3A_593#0 : f32 to vector<128x128xf32>
      %gt3A_950 = arith.cmpf ogt, %get3A_948, %gt3A_949 : vector<128x128xf32>
      %convert_element_type3A_951 = arith.extui %gt3A_950 : vector<128x128xi1> to vector<128x128xi32>
      %convert_element_type3A_952 = arith.sitofp %convert_element_type3A_951 : vector<128x128xi32> to vector<128x128xf32>
      %add3A_953 = arith.addf %add3A_941, %convert_element_type3A_952 : vector<128x128xf32>
      %jit3A_954 = arith.constant 0.000000e+00 : f32
      %broadcast_in_dim3A_955 = vector.broadcast %jit3A_954 : f32 to vector<128x128xf32>
      %select_n3A_956 = arith.select %gt3A_950, %get3A_948, %broadcast_in_dim3A_955 : vector<128x128xi1>, vector<128x128xf32>
      %add3A_957 = arith.addf %add3A_945, %select_n3A_956 : vector<128x128xf32>
      %get3A_958 = arith.constant 640 : index
      %get3A_959 = arith.constant 640 : index
      %get3A_960 = vector.load %arg7[%get3A_958, %get3A_959] : memref<1024x1024xf32, #tpu.memory_space<vmem>>, vector<128x128xf32>
      %gt3A_961 = vector.broadcast %scan3A_593#0 : f32 to vector<128x128xf32>
      %gt3A_962 = arith.cmpf ogt, %get3A_960, %gt3A_961 : vector<128x128xf32>
      %convert_element_type3A_963 = arith.extui %gt3A_962 : vector<128x128xi1> to vector<128x128xi32>
      %convert_element_type3A_964 = arith.sitofp %convert_element_type3A_963 : vector<128x128xi32> to vector<128x128xf32>
      %add3A_965 = arith.addf %add3A_953, %convert_element_type3A_964 : vector<128x128xf32>
      %jit3A_966 = arith.constant 0.000000e+00 : f32
      %broadcast_in_dim3A_967 = vector.broadcast %jit3A_966 : f32 to vector<128x128xf32>
      %select_n3A_968 = arith.select %gt3A_962, %get3A_960, %broadcast_in_dim3A_967 : vector<128x128xi1>, vector<128x128xf32>
      %add3A_969 = arith.addf %add3A_957, %select_n3A_968 : vector<128x128xf32>
      %get3A_970 = arith.constant 640 : index
      %get3A_971 = arith.constant 768 : index
      %get3A_972 = vector.load %arg7[%get3A_970, %get3A_971] : memref<1024x1024xf32, #tpu.memory_space<vmem>>, vector<128x128xf32>
      %gt3A_973 = vector.broadcast %scan3A_593#0 : f32 to vector<128x128xf32>
      %gt3A_974 = arith.cmpf ogt, %get3A_972, %gt3A_973 : vector<128x128xf32>
      %convert_element_type3A_975 = arith.extui %gt3A_974 : vector<128x128xi1> to vector<128x128xi32>
      %convert_element_type3A_976 = arith.sitofp %convert_element_type3A_975 : vector<128x128xi32> to vector<128x128xf32>
      %add3A_977 = arith.addf %add3A_965, %convert_element_type3A_976 : vector<128x128xf32>
      %jit3A_978 = arith.constant 0.000000e+00 : f32
      %broadcast_in_dim3A_979 = vector.broadcast %jit3A_978 : f32 to vector<128x128xf32>
      %select_n3A_980 = arith.select %gt3A_974, %get3A_972, %broadcast_in_dim3A_979 : vector<128x128xi1>, vector<128x128xf32>
      %add3A_981 = arith.addf %add3A_969, %select_n3A_980 : vector<128x128xf32>
      %get3A_982 = arith.constant 640 : index
      %get3A_983 = arith.constant 896 : index
      %get3A_984 = vector.load %arg7[%get3A_982, %get3A_983] : memref<1024x1024xf32, #tpu.memory_space<vmem>>, vector<128x128xf32>
      %gt3A_985 = vector.broadcast %scan3A_593#0 : f32 to vector<128x128xf32>
      %gt3A_986 = arith.cmpf ogt, %get3A_984, %gt3A_985 : vector<128x128xf32>
      %convert_element_type3A_987 = arith.extui %gt3A_986 : vector<128x128xi1> to vector<128x128xi32>
      %convert_element_type3A_988 = arith.sitofp %convert_element_type3A_987 : vector<128x128xi32> to vector<128x128xf32>
      %add3A_989 = arith.addf %add3A_977, %convert_element_type3A_988 : vector<128x128xf32>
      %jit3A_990 = arith.constant 0.000000e+00 : f32
      %broadcast_in_dim3A_991 = vector.broadcast %jit3A_990 : f32 to vector<128x128xf32>
      %select_n3A_992 = arith.select %gt3A_986, %get3A_984, %broadcast_in_dim3A_991 : vector<128x128xi1>, vector<128x128xf32>
      %add3A_993 = arith.addf %add3A_981, %select_n3A_992 : vector<128x128xf32>
      %get3A_994 = arith.constant 768 : index
      %get3A_995 = arith.constant 768 : index
      %get3A_996 = vector.load %arg7[%get3A_994, %get3A_995] : memref<1024x1024xf32, #tpu.memory_space<vmem>>, vector<128x128xf32>
      %gt3A_997 = vector.broadcast %scan3A_593#0 : f32 to vector<128x128xf32>
      %gt3A_998 = arith.cmpf ogt, %get3A_996, %gt3A_997 : vector<128x128xf32>
      %convert_element_type3A_999 = arith.extui %gt3A_998 : vector<128x128xi1> to vector<128x128xi32>
      %convert_element_type3A_1000 = arith.sitofp %convert_element_type3A_999 : vector<128x128xi32> to vector<128x128xf32>
      %add3A_1001 = arith.addf %add3A_989, %convert_element_type3A_1000 : vector<128x128xf32>
      %jit3A_1002 = arith.constant 0.000000e+00 : f32
      %broadcast_in_dim3A_1003 = vector.broadcast %jit3A_1002 : f32 to vector<128x128xf32>
      %select_n3A_1004 = arith.select %gt3A_998, %get3A_996, %broadcast_in_dim3A_1003 : vector<128x128xi1>, vector<128x128xf32>
      %add3A_1005 = arith.addf %add3A_993, %select_n3A_1004 : vector<128x128xf32>
      %get3A_1006 = arith.constant 768 : index
      %get3A_1007 = arith.constant 896 : index
      %get3A_1008 = vector.load %arg7[%get3A_1006, %get3A_1007] : memref<1024x1024xf32, #tpu.memory_space<vmem>>, vector<128x128xf32>
      %gt3A_1009 = vector.broadcast %scan3A_593#0 : f32 to vector<128x128xf32>
      %gt3A_1010 = arith.cmpf ogt, %get3A_1008, %gt3A_1009 : vector<128x128xf32>
      %convert_element_type3A_1011 = arith.extui %gt3A_1010 : vector<128x128xi1> to vector<128x128xi32>
      %convert_element_type3A_1012 = arith.sitofp %convert_element_type3A_1011 : vector<128x128xi32> to vector<128x128xf32>
      %add3A_1013 = arith.addf %add3A_1001, %convert_element_type3A_1012 : vector<128x128xf32>
      %jit3A_1014 = arith.constant 0.000000e+00 : f32
      %broadcast_in_dim3A_1015 = vector.broadcast %jit3A_1014 : f32 to vector<128x128xf32>
      %select_n3A_1016 = arith.select %gt3A_1010, %get3A_1008, %broadcast_in_dim3A_1015 : vector<128x128xi1>, vector<128x128xf32>
      %add3A_1017 = arith.addf %add3A_1005, %select_n3A_1016 : vector<128x128xf32>
      %get3A_1018 = arith.constant 896 : index
      %get3A_1019 = arith.constant 896 : index
      %get3A_1020 = vector.load %arg7[%get3A_1018, %get3A_1019] : memref<1024x1024xf32, #tpu.memory_space<vmem>>, vector<128x128xf32>
      %gt3A_1021 = vector.broadcast %scan3A_593#0 : f32 to vector<128x128xf32>
      %gt3A_1022 = arith.cmpf ogt, %get3A_1020, %gt3A_1021 : vector<128x128xf32>
      %convert_element_type3A_1023 = arith.extui %gt3A_1022 : vector<128x128xi1> to vector<128x128xi32>
      %convert_element_type3A_1024 = arith.sitofp %convert_element_type3A_1023 : vector<128x128xi32> to vector<128x128xf32>
      %add3A_1025 = arith.addf %add3A_1013, %convert_element_type3A_1024 : vector<128x128xf32>
      %jit3A_1026 = arith.constant 0.000000e+00 : f32
      %broadcast_in_dim3A_1027 = vector.broadcast %jit3A_1026 : f32 to vector<128x128xf32>
      %select_n3A_1028 = arith.select %gt3A_1022, %get3A_1020, %broadcast_in_dim3A_1027 : vector<128x128xi1>, vector<128x128xf32>
      %add3A_1029 = arith.addf %add3A_1017, %select_n3A_1028 : vector<128x128xf32>
      %reduce_sum3A_1030 = vector.shape_cast %add3A_1025 : vector<128x128xf32> to vector<1x128x128xf32>
      %reduce_sum3A_1031 = arith.constant dense<0.000000e+00> : vector<1xf32>
      %reduce_sum3A_1032 = vector.multi_reduction <add>, %reduce_sum3A_1030, %reduce_sum3A_1031 [1, 2] : vector<1x128x128xf32> to vector<1xf32>
      %reduce_sum3A_1033 = vector.shape_cast %reduce_sum3A_1032 : vector<1xf32> to vector<1x1x1xf32>
      %reduce_sum3A_1034 = vector.extract %reduce_sum3A_1033[0, 0, 0] : f32 from vector<1x1x1xf32>
      %reduce_sum3A_1035 = vector.shape_cast %add3A_1029 : vector<128x128xf32> to vector<1x128x128xf32>
      %reduce_sum3A_1036 = arith.constant dense<0.000000e+00> : vector<1xf32>
      %reduce_sum3A_1037 = vector.multi_reduction <add>, %reduce_sum3A_1035, %reduce_sum3A_1036 [1, 2] : vector<1x128x128xf32> to vector<1xf32>
      %reduce_sum3A_1038 = vector.shape_cast %reduce_sum3A_1037 : vector<1xf32> to vector<1x1x1xf32>
      %reduce_sum3A_1039 = vector.extract %reduce_sum3A_1038[0, 0, 0] : f32 from vector<1x1x1xf32>
      %mul3A_1040 = arith.constant 2.000000e+00 : f32
      %mul3A_1041 = arith.mulf %mul3A_1040, %reduce_sum3A_1039 : f32
      %mul3A_1042 = arith.constant 2.000000e+00 : f32
      %mul3A_1043 = arith.mulf %mul3A_1042, %reduce_sum3A_1034 : f32
      %sub3A_1044 = arith.subf %mul3A_1043, %max3A_587 : f32
      %mul3A_1045 = arith.mulf %sub3A_1044, %scan3A_593#0 : f32
      %sub3A_1046 = arith.subf %mul3A_1041, %mul3A_1045 : f32
      %div3A = arith.divf %sub3A_1046, %max3A_587 : f32
      %sub3A_1047 = arith.constant 1.000000e-01 : f32
      %sub3A_1048 = arith.subf %div3A, %sub3A_1047 : f32
      %get3A_1049 = arith.constant 0 : index
      %get3A_1050 = memref.load %arg8[%get3A_1049] : memref<8xf32, #tpu.memory_space<smem>>
      %sub3A_1051 = arith.constant 5.237760e+05 : f32
      %sub3A_1052 = arith.subf %sub3A_1051, %get3A_1050 : f32
      %mul3A_1053 = arith.constant 1.000000e-01 : f32
      %mul3A_1054 = arith.mulf %reduce_sum3A_576, %mul3A_1053 : f32
      %sub3A_1055 = arith.subf %reduce_sum3A_581, %mul3A_1054 : f32
      %div3A_1056 = arith.divf %sub3A_1055, %sub3A_1052 : f32
      %gt3A_1057 = arith.constant 0.000000e+00 : f32
      %gt3A_1058 = arith.cmpf ogt, %mul3A_583, %gt3A_1057 : f32
      %select_n3A_1059 = arith.select %gt3A_1058, %sub3A_1048, %div3A_1056 : f32
      %get3A_1060 = arith.constant 1 : index
      %get3A_1061 = memref.load %arg8[%get3A_1060] : memref<8xf32, #tpu.memory_space<smem>>
      %get3A_1062 = arith.constant 0 : index
      %get3A_1063 = memref.load %arg8[%get3A_1062] : memref<8xf32, #tpu.memory_space<smem>>
      %div3A_1064 = arith.divf %get3A_1061, %get3A_1063 : f32
      %add3A_1065 = arith.addf %div3A_1064, %select_n3A_1059 : f32
      %max3A_1066 = arith.constant 1.000000e-16 : f32
      %max3A_1067 = arith.maximumf %add3A_1065, %max3A_1066 : f32
      %get3A_1068 = arith.constant 4 : index
      %get3A_1069 = memref.load %arg8[%get3A_1068] : memref<8xf32, #tpu.memory_space<smem>>
      %div3A_1070 = arith.constant 1.024000e+03 : f32
      %div3A_1071 = arith.divf %get3A_1069, %div3A_1070 : f32
      %mul3A_1072 = arith.constant 1.000000e-01 : f32
      %mul3A_1073 = arith.mulf %mul3A_1072, %max3A_1067 : f32
      %add3A_1074 = arith.addf %div3A_1071, %mul3A_1073 : f32
      %broadcast_in_dim3A_1075 = vector.broadcast %add3A_1074 : f32 to vector<1x1xf32>
      %swap3A_1076 = arith.constant 0 : index
      %swap3A_1077 = arith.constant 0 : index
      %swap3A_1078 = vector.load %arg4[%swap3A_1076, %swap3A_1077] : memref<1x1xf32, #tpu.memory_space<vmem>>, vector<1x1xf32>
      tpu.vector_store %arg4[%swap3A_1076, %swap3A_1077], %broadcast_in_dim3A_1075 {strides = array<i32>} : memref<1x1xf32, #tpu.memory_space<vmem>>, vector<1x1xf32>,
      %iota3A_1079 = tpu.iota {dimensions = array<i32: 0>} : vector<128x1024xi32>
      %add3A_1080 = arith.constant 0 : i32
      %add3A_1081 = vector.broadcast %add3A_1080 : i32 to vector<128x1024xi32>
      %add3A_1082 = arith.addi %add3A_1081, %iota3A_1079 : vector<128x1024xi32>
      %eq3A_1083 = vector.broadcast %get3A_3 : vector<1x1024xi32> to vector<128x1024xi32>
      %eq3A_1084 = arith.cmpi eq, %eq3A_1083, %add3A_1082 : vector<128x1024xi32>
      %convert_element_type3A_1085 = arith.extui %eq3A_1084 : vector<128x1024xi1> to vector<128x1024xi32>
      %convert_element_type3A_1086 = arith.sitofp %convert_element_type3A_1085 : vector<128x1024xi32> to vector<128x1024xf32>
      %reduce_sum3A_1087 = arith.constant dense<0.000000e+00> : vector<128xf32>
      %reduce_sum3A_1088 = vector.multi_reduction <add>, %convert_element_type3A_1086, %reduce_sum3A_1087 [1] : vector<128x1024xf32> to vector<128xf32>
      %broadcast_in_dim3A_1089 = vector.shape_cast %reduce_sum3A_1088 : vector<128xf32> to vector<128x1xf32>
      %swap3A_1090 = arith.constant 0 : index
      %swap3A_1091 = arith.constant 0 : index
      %swap3A_1092 = vector.load %arg5[%swap3A_1090, %swap3A_1091] : memref<1024x1xf32, #tpu.memory_space<vmem>>, vector<128x1xf32>
      tpu.vector_store %arg5[%swap3A_1090, %swap3A_1091], %broadcast_in_dim3A_1089 {strides = array<i32>} : memref<1024x1xf32, #tpu.memory_space<vmem>>, vector<128x1xf32>,
      %iota3A_1093 = tpu.iota {dimensions = array<i32: 0>} : vector<128x1024xi32>
      %add3A_1094 = arith.constant 128 : i32
      %add3A_1095 = vector.broadcast %add3A_1094 : i32 to vector<128x1024xi32>
      %add3A_1096 = arith.addi %add3A_1095, %iota3A_1093 : vector<128x1024xi32>
      %eq3A_1097 = vector.broadcast %get3A_3 : vector<1x1024xi32> to vector<128x1024xi32>
      %eq3A_1098 = arith.cmpi eq, %eq3A_1097, %add3A_1096 : vector<128x1024xi32>
      %convert_element_type3A_1099 = arith.extui %eq3A_1098 : vector<128x1024xi1> to vector<128x1024xi32>
      %convert_element_type3A_1100 = arith.sitofp %convert_element_type3A_1099 : vector<128x1024xi32> to vector<128x1024xf32>
      %reduce_sum3A_1101 = arith.constant dense<0.000000e+00> : vector<128xf32>
      %reduce_sum3A_1102 = vector.multi_reduction <add>, %convert_element_type3A_1100, %reduce_sum3A_1101 [1] : vector<128x1024xf32> to vector<128xf32>
      %broadcast_in_dim3A_1103 = vector.shape_cast %reduce_sum3A_1102 : vector<128xf32> to vector<128x1xf32>
      %swap3A_1104 = arith.constant 128 : index
      %swap3A_1105 = arith.constant 0 : index
      %swap3A_1106 = vector.load %arg5[%swap3A_1104, %swap3A_1105] : memref<1024x1xf32, #tpu.memory_space<vmem>>, vector<128x1xf32>
      tpu.vector_store %arg5[%swap3A_1104, %swap3A_1105], %broadcast_in_dim3A_1103 {strides = array<i32>} : memref<1024x1xf32, #tpu.memory_space<vmem>>, vector<128x1xf32>,
      %iota3A_1107 = tpu.iota {dimensions = array<i32: 0>} : vector<128x1024xi32>
      %add3A_1108 = arith.constant 256 : i32
      %add3A_1109 = vector.broadcast %add3A_1108 : i32 to vector<128x1024xi32>
      %add3A_1110 = arith.addi %add3A_1109, %iota3A_1107 : vector<128x1024xi32>
      %eq3A_1111 = vector.broadcast %get3A_3 : vector<1x1024xi32> to vector<128x1024xi32>
      %eq3A_1112 = arith.cmpi eq, %eq3A_1111, %add3A_1110 : vector<128x1024xi32>
      %convert_element_type3A_1113 = arith.extui %eq3A_1112 : vector<128x1024xi1> to vector<128x1024xi32>
      %convert_element_type3A_1114 = arith.sitofp %convert_element_type3A_1113 : vector<128x1024xi32> to vector<128x1024xf32>
      %reduce_sum3A_1115 = arith.constant dense<0.000000e+00> : vector<128xf32>
      %reduce_sum3A_1116 = vector.multi_reduction <add>, %convert_element_type3A_1114, %reduce_sum3A_1115 [1] : vector<128x1024xf32> to vector<128xf32>
      %broadcast_in_dim3A_1117 = vector.shape_cast %reduce_sum3A_1116 : vector<128xf32> to vector<128x1xf32>
      %swap3A_1118 = arith.constant 256 : index
      %swap3A_1119 = arith.constant 0 : index
      %swap3A_1120 = vector.load %arg5[%swap3A_1118, %swap3A_1119] : memref<1024x1xf32, #tpu.memory_space<vmem>>, vector<128x1xf32>
      tpu.vector_store %arg5[%swap3A_1118, %swap3A_1119], %broadcast_in_dim3A_1117 {strides = array<i32>} : memref<1024x1xf32, #tpu.memory_space<vmem>>, vector<128x1xf32>,
      %iota3A_1121 = tpu.iota {dimensions = array<i32: 0>} : vector<128x1024xi32>
      %add3A_1122 = arith.constant 384 : i32
      %add3A_1123 = vector.broadcast %add3A_1122 : i32 to vector<128x1024xi32>
      %add3A_1124 = arith.addi %add3A_1123, %iota3A_1121 : vector<128x1024xi32>
      %eq3A_1125 = vector.broadcast %get3A_3 : vector<1x1024xi32> to vector<128x1024xi32>
      %eq3A_1126 = arith.cmpi eq, %eq3A_1125, %add3A_1124 : vector<128x1024xi32>
      %convert_element_type3A_1127 = arith.extui %eq3A_1126 : vector<128x1024xi1> to vector<128x1024xi32>
      %convert_element_type3A_1128 = arith.sitofp %convert_element_type3A_1127 : vector<128x1024xi32> to vector<128x1024xf32>
      %reduce_sum3A_1129 = arith.constant dense<0.000000e+00> : vector<128xf32>
      %reduce_sum3A_1130 = vector.multi_reduction <add>, %convert_element_type3A_1128, %reduce_sum3A_1129 [1] : vector<128x1024xf32> to vector<128xf32>
      %broadcast_in_dim3A_1131 = vector.shape_cast %reduce_sum3A_1130 : vector<128xf32> to vector<128x1xf32>
      %swap3A_1132 = arith.constant 384 : index
      %swap3A_1133 = arith.constant 0 : index
      %swap3A_1134 = vector.load %arg5[%swap3A_1132, %swap3A_1133] : memref<1024x1xf32, #tpu.memory_space<vmem>>, vector<128x1xf32>
      tpu.vector_store %arg5[%swap3A_1132, %swap3A_1133], %broadcast_in_dim3A_1131 {strides = array<i32>} : memref<1024x1xf32, #tpu.memory_space<vmem>>, vector<128x1xf32>,
      %iota3A_1135 = tpu.iota {dimensions = array<i32: 0>} : vector<128x1024xi32>
      %add3A_1136 = arith.constant 512 : i32
      %add3A_1137 = vector.broadcast %add3A_1136 : i32 to vector<128x1024xi32>
      %add3A_1138 = arith.addi %add3A_1137, %iota3A_1135 : vector<128x1024xi32>
      %eq3A_1139 = vector.broadcast %get3A_3 : vector<1x1024xi32> to vector<128x1024xi32>
      %eq3A_1140 = arith.cmpi eq, %eq3A_1139, %add3A_1138 : vector<128x1024xi32>
      %convert_element_type3A_1141 = arith.extui %eq3A_1140 : vector<128x1024xi1> to vector<128x1024xi32>
      %convert_element_type3A_1142 = arith.sitofp %convert_element_type3A_1141 : vector<128x1024xi32> to vector<128x1024xf32>
      %reduce_sum3A_1143 = arith.constant dense<0.000000e+00> : vector<128xf32>
      %reduce_sum3A_1144 = vector.multi_reduction <add>, %convert_element_type3A_1142, %reduce_sum3A_1143 [1] : vector<128x1024xf32> to vector<128xf32>
      %broadcast_in_dim3A_1145 = vector.shape_cast %reduce_sum3A_1144 : vector<128xf32> to vector<128x1xf32>
      %swap3A_1146 = arith.constant 512 : index
      %swap3A_1147 = arith.constant 0 : index
      %swap3A_1148 = vector.load %arg5[%swap3A_1146, %swap3A_1147] : memref<1024x1xf32, #tpu.memory_space<vmem>>, vector<128x1xf32>
      tpu.vector_store %arg5[%swap3A_1146, %swap3A_1147], %broadcast_in_dim3A_1145 {strides = array<i32>} : memref<1024x1xf32, #tpu.memory_space<vmem>>, vector<128x1xf32>,
      %iota3A_1149 = tpu.iota {dimensions = array<i32: 0>} : vector<128x1024xi32>
      %add3A_1150 = arith.constant 640 : i32
      %add3A_1151 = vector.broadcast %add3A_1150 : i32 to vector<128x1024xi32>
      %add3A_1152 = arith.addi %add3A_1151, %iota3A_1149 : vector<128x1024xi32>
      %eq3A_1153 = vector.broadcast %get3A_3 : vector<1x1024xi32> to vector<128x1024xi32>
      %eq3A_1154 = arith.cmpi eq, %eq3A_1153, %add3A_1152 : vector<128x1024xi32>
      %convert_element_type3A_1155 = arith.extui %eq3A_1154 : vector<128x1024xi1> to vector<128x1024xi32>
      %convert_element_type3A_1156 = arith.sitofp %convert_element_type3A_1155 : vector<128x1024xi32> to vector<128x1024xf32>
      %reduce_sum3A_1157 = arith.constant dense<0.000000e+00> : vector<128xf32>
      %reduce_sum3A_1158 = vector.multi_reduction <add>, %convert_element_type3A_1156, %reduce_sum3A_1157 [1] : vector<128x1024xf32> to vector<128xf32>
      %broadcast_in_dim3A_1159 = vector.shape_cast %reduce_sum3A_1158 : vector<128xf32> to vector<128x1xf32>
      %swap3A_1160 = arith.constant 640 : index
      %swap3A_1161 = arith.constant 0 : index
      %swap3A_1162 = vector.load %arg5[%swap3A_1160, %swap3A_1161] : memref<1024x1xf32, #tpu.memory_space<vmem>>, vector<128x1xf32>
      tpu.vector_store %arg5[%swap3A_1160, %swap3A_1161], %broadcast_in_dim3A_1159 {strides = array<i32>} : memref<1024x1xf32, #tpu.memory_space<vmem>>, vector<128x1xf32>,
      %iota3A_1163 = tpu.iota {dimensions = array<i32: 0>} : vector<128x1024xi32>
      %add3A_1164 = arith.constant 768 : i32
      %add3A_1165 = vector.broadcast %add3A_1164 : i32 to vector<128x1024xi32>
      %add3A_1166 = arith.addi %add3A_1165, %iota3A_1163 : vector<128x1024xi32>
      %eq3A_1167 = vector.broadcast %get3A_3 : vector<1x1024xi32> to vector<128x1024xi32>
      %eq3A_1168 = arith.cmpi eq, %eq3A_1167, %add3A_1166 : vector<128x1024xi32>
      %convert_element_type3A_1169 = arith.extui %eq3A_1168 : vector<128x1024xi1> to vector<128x1024xi32>
      %convert_element_type3A_1170 = arith.sitofp %convert_element_type3A_1169 : vector<128x1024xi32> to vector<128x1024xf32>
      %reduce_sum3A_1171 = arith.constant dense<0.000000e+00> : vector<128xf32>
      %reduce_sum3A_1172 = vector.multi_reduction <add>, %convert_element_type3A_1170, %reduce_sum3A_1171 [1] : vector<128x1024xf32> to vector<128xf32>
      %broadcast_in_dim3A_1173 = vector.shape_cast %reduce_sum3A_1172 : vector<128xf32> to vector<128x1xf32>
      %swap3A_1174 = arith.constant 768 : index
      %swap3A_1175 = arith.constant 0 : index
      %swap3A_1176 = vector.load %arg5[%swap3A_1174, %swap3A_1175] : memref<1024x1xf32, #tpu.memory_space<vmem>>, vector<128x1xf32>
      tpu.vector_store %arg5[%swap3A_1174, %swap3A_1175], %broadcast_in_dim3A_1173 {strides = array<i32>} : memref<1024x1xf32, #tpu.memory_space<vmem>>, vector<128x1xf32>,
      %iota3A_1177 = tpu.iota {dimensions = array<i32: 0>} : vector<128x1024xi32>
      %add3A_1178 = arith.constant 896 : i32
      %add3A_1179 = vector.broadcast %add3A_1178 : i32 to vector<128x1024xi32>
      %add3A_1180 = arith.addi %add3A_1179, %iota3A_1177 : vector<128x1024xi32>
      %eq3A_1181 = vector.broadcast %get3A_3 : vector<1x1024xi32> to vector<128x1024xi32>
      %eq3A_1182 = arith.cmpi eq, %eq3A_1181, %add3A_1180 : vector<128x1024xi32>
      %convert_element_type3A_1183 = arith.extui %eq3A_1182 : vector<128x1024xi1> to vector<128x1024xi32>
      %convert_element_type3A_1184 = arith.sitofp %convert_element_type3A_1183 : vector<128x1024xi32> to vector<128x1024xf32>
      %reduce_sum3A_1185 = arith.constant dense<0.000000e+00> : vector<128xf32>
      %reduce_sum3A_1186 = vector.multi_reduction <add>, %convert_element_type3A_1184, %reduce_sum3A_1185 [1] : vector<128x1024xf32> to vector<128xf32>
      %broadcast_in_dim3A_1187 = vector.shape_cast %reduce_sum3A_1186 : vector<128xf32> to vector<128x1xf32>
      %swap3A_1188 = arith.constant 896 : index
      %swap3A_1189 = arith.constant 0 : index
      %swap3A_1190 = vector.load %arg5[%swap3A_1188, %swap3A_1189] : memref<1024x1xf32, #tpu.memory_space<vmem>>, vector<128x1xf32>
      tpu.vector_store %arg5[%swap3A_1188, %swap3A_1189], %broadcast_in_dim3A_1187 {strides = array<i32>} : memref<1024x1xf32, #tpu.memory_space<vmem>>, vector<128x1xf32>,
    } else {
    }
    return
  }
  func.func @transform_0(%arg0: i32) -> (i32, i32) {
    %c0_i32 = arith.constant 0 : i32
    %c0_i32_0 = arith.constant 0 : i32
    %c0_i32_1 = arith.constant 0 : i32
    return %c0_i32, %c0_i32_0 : i32, i32
  }
  func.func @transform_1(%arg0: i32) -> (i32, i32) {
    %c0_i32 = arith.constant 0 : i32
    %c0_i32_0 = arith.constant 0 : i32
    return %c0_i32, %arg0 : i32, i32
  }
  func.func @transform_2(%arg0: i32) -> (i32, i32) {
    %c0_i32 = arith.constant 0 : i32
    %c0_i32_0 = arith.constant 0 : i32
    %c0_i32_1 = arith.constant 0 : i32
    return %c0_i32, %c0_i32_0 : i32, i32
  }
  func.func @transform_3(%arg0: i32) -> (i32, i32) {
    %c0_i32 = arith.constant 0 : i32
    %c0_i32_0 = arith.constant 0 : i32
    %c0_i32_1 = arith.constant 0 : i32
    return %c0_i32, %c0_i32_0 : i32, i32
  }
  func.func @transform_4(%arg0: i32) -> (i32, i32) {
    %c0_i32 = arith.constant 0 : i32
    %c0_i32_0 = arith.constant 0 : i32
    %c0_i32_1 = arith.constant 0 : i32
    return %c0_i32, %c0_i32_0 : i32, i32
  }
}

</mosaic_0001>

<sc_bundles>
// kernel: kernel.6.cloned.1.call-start
scs
__scs_entry_jumppad:
0x0: {  	(pc) =	sbr.rel $0x88, $3  }
0x1: {  	(tag) =	ssettag $0x0;
	lr =	simm.s32 $0x1  }
0x2: {  	[smem:$0x3F9D] =	sst lr;
	_ =	strace $0xD0000000  }
0x3: {  	_ = 	snop  }
0x4: {  	_ = 	snop  }
0x5: {  	_ = 	snop  }
0x6: {  	_ = 	snop  }
0x7: {  	_ = 	snop  }
__scs_overlays_trampoline_lowered:
0x8: {  	[smem:$0x3FAC] =	sst s0  }
0x9: {  	[smem:$0x3FAD] =	sst s1  }
0xa: {  	[smem:$0x3FAE] =	sst s2  }
0xb: {  	[smem:$0x3FAF] =	sst s3  }
0xc: {  	[smem:$0x3FB0] =	sst s4  }
0xd: {  	[smem:$0x3FB1] =	sst s5  }
0xe: {  	[smem:$0x3FB2] =	sst s6  }
0xf: {  	[smem:$0x3FB3] =	sst s7  }
0x10: {  	[smem:$0x3FB4] =	sst s8  }
0x11: {  	[smem:$0x3FB5] =	sst s9;
	s0 =	simm.s32 @!p0 $0x0  }
0x12: {  	s1 =	sld [smem:$0x3F9B];
	s0 =	simm.s32 @p0 $0x1  }
0x13: {  	[smem:$0x3FB6] =	sst s0;
	s0 =	simm.s32 @!p1 $0x0  }
0x14: {  	s2 =	sld [smem:$0x3F9A];
	s0 =	simm.s32 @p1 $0x1  }
0x15: {  	[smem:$0x3FB7] =	sst s0;
	s0 =	simm.s32 @!p2 $0x0  }
0x16: {  	s3 =	sld [smem:$0x3FDB];
	s0 =	simm.s32 @p2 $0x1  }
0x17: {  	s4 =	simm.s32 $0x1BF5;
	[smem:$0x3FB9] =	sst s0  }
0x18: {  	s0 =	sld [smem:$0x3F9C];
	_ =	swait.ge [sflag:s4], $0x0  }
0x19: {  	s7 =	sld [smem:$0x3F9D]  }
0x1a: {  	s8 =	sadd.s32 $0xFFFFE003, lr  }
0x1b: {  	s9 =	sadd.s32 $0xFFFFFEF7, lr;
	s5 =	simm.s32 $0xFFFFFFFF;
	p2 =	slt.u32 s8, $0xFFFFF086  }
0x1c: {  	p1 =	slt.u32 s9, $0xF7A;
	s5 =	simm.s32 @!p2 $0x0  }
0x1d: {  	s5 =	simm.s32 @p1 $0x1;
	p0 =	seq.s32 s7, s2  }
0x1e: {  	s7 =	smul.u32 @!p0 $0xF7A, s2;
	p2 =	seq.s32 @!p0 s5, $0x0  }
0x1f: {  	s9 =	smul.u32 $0xF7A, s1;
	s8 =	simm.s32 @!p0 $0x1BF5;
	p2 =	por !p2, p0  }
0x20: {  	[sflag:s8] =	ssyncset.s32 @!p0 $0xFFFFF086;
	s6 =	sadd.s32 @!p0 s3, s7;
	s7 =	simm.s32 @!p0 $0x108  }
0x21: {  	s3 =	sadd.s32 s3, s9;
	s6 =	sadd.s32 @!p0 $0x88, s6;
	s7 =	simm.s32 @p2 $0x1082  }
0x22: {  	[simem:s7], [sflag:s8] =	dma.local @!p0 [hbm:s6], $0xF7A  }
0x23: {  	s9 =	sor.u32 $0xD0000000, s2;
	s6 =	simm.s32 $0x108;
	_ =	swait.ge @!p0 [sflag:s8], $0x0  }
0x24: {  	s3 =	sadd.s32 $0x88, s3;
	s6 =	simm.s32 @!p1 $0x1082;
	[sflag:s4] =	ssyncset.s32 $0xFFFFF086  }
0x25: {  	[simem:s6], [sflag:s4] =	dma.local [hbm:s3], $0xF7A  }
0x26: {  	[smem:$0x3F9D] =	sst s1;
	(tag) =	ssettag s2;
	_ =	strace s9  }
0x27: {  	s1 =	sld [smem:$0x3FAD]  }
0x28: {  	s2 =	sld [smem:$0x3FAE]  }
0x29: {  	s4 =	sld [smem:$0x3FB0]  }
0x2a: {  	p0 =	seq.s32 s5, $0x0;
	s5 =	sld [smem:$0x3FB1]  }
0x2b: {  	s6 =	sld [smem:$0x3FB2]  }
0x2c: {  	s7 =	sld [smem:$0x3FB3]  }
0x2d: {  	s3 =	simm.s32 $0x108;
	s8 =	sld [smem:$0x3FB4]  }
0x2e: {  	s3 =	simm.s32 @!p0 $0x1082;
	s9 =	sld [smem:$0x3FB5]  }
0x2f: {  	lr =	sadd.s32 s0, s3;
	s0 =	sld [smem:$0x3FAC]  }
0x30: {  	s3 =	sld [smem:$0x3FAF]  }
0x31: {  	[smem:$0x3FB8] =	sst s10  }
0x32: {  	s10 =	sld [smem:$0x3FB6];
	_ =	sdelay $0x3  }
0x33: {  	p0 =	seq.s32 s10, $0x1;
	s10 =	sld [smem:$0x3FB8];
	_ =	sdelay $0x3  }
0x34: {  	[smem:$0x3FB8] =	sst s10  }
0x35: {  	s10 =	sld [smem:$0x3FB7];
	_ =	sdelay $0x3  }
0x36: {  	p1 =	seq.s32 s10, $0x1;
	s10 =	sld [smem:$0x3FB8];
	_ =	sdelay $0x3  }
0x37: {  	[smem:$0x3FB8] =	sst s10  }
0x38: {  	s10 =	sld [smem:$0x3FB9]  }
0x39: {  	_ = 	snop;
	(pc) =	sbr.ind lr, $3  }
0x3a: {  	_ = 	snop  }
0x3b: {  	_ = 	snop  }
0x3c: {  	p2 =	seq.s32 s10, $0x1;
	s10 =	sld [smem:$0x3FB8]  }
0x3d: {  	_ =	shalt  }
0x3e: {  	_ =	shalt  }
0x3f: {  	_ =	shalt  }
0x40: {  	_ =	shalt  }
0x41: {  	_ =	shalt  }
0x42: {  	_ =	shalt  }
0x43: {  	_ =	shalt  }
0x44: {  	_ =	shalt  }
0x45: {  	_ =	shalt  }
0x46: {  	_ =	shalt  }
0x47: {  	_ =	shalt  }
0x48: {  	_ =	shalt  }
0x49: {  	_ =	shalt  }
0x4a: {  	_ =	shalt  }
0x4b: {  	_ =	shalt  }
0x4c: {  	_ =	shalt  }
0x4d: {  	_ =	shalt  }
0x4e: {  	_ =	shalt  }
0x4f: {  	_ =	shalt  }
0x50: {  	_ =	shalt  }
0x51: {  	_ =	shalt  }
0x52: {  	_ =	shalt  }
0x53: {  	_ =	shalt  }
0x54: {  	_ =	shalt  }
0x55: {  	_ =	shalt  }
0x56: {  	_ =	shalt  }
0x57: {  	_ =	shalt  }
0x58: {  	_ =	shalt  }
0x59: {  	_ =	shalt  }
0x5a: {  	_ =	shalt  }
0x5b: {  	_ =	shalt  }
0x5c: {  	_ =	shalt  }
0x5d: {  	_ =	shalt  }
0x5e: {  	_ =	shalt  }
0x5f: {  	_ =	shalt  }
0x60: {  	_ =	shalt  }
0x61: {  	_ =	shalt  }
0x62: {  	_ =	shalt  }
0x63: {  	_ =	shalt  }
0x64: {  	_ =	shalt  }
0x65: {  	_ =	shalt  }
0x66: {  	_ =	shalt  }
0x67: {  	_ =	shalt  }
0x68: {  	_ =	shalt  }
0x69: {  	_ =	shalt  }
0x6a: {  	_ =	shalt  }
0x6b: {  	_ =	shalt  }
0x6c: {  	_ =	shalt  }
0x6d: {  	_ =	shalt  }
0x6e: {  	_ =	shalt  }
0x6f: {  	_ =	shalt  }
0x70: {  	_ =	shalt  }
0x71: {  	_ =	shalt  }
0x72: {  	_ =	shalt  }
0x73: {  	_ =	shalt  }
0x74: {  	_ =	shalt  }
0x75: {  	_ =	shalt  }
0x76: {  	_ =	shalt  }
0x77: {  	_ =	shalt  }
0x78: {  	_ =	shalt  }
0x79: {  	_ =	shalt  }
0x7a: {  	_ =	shalt  }
0x7b: {  	_ =	shalt  }
0x7c: {  	_ =	shalt  }
0x7d: {  	_ =	shalt  }
0x7e: {  	_ =	shalt  }
0x7f: {  	_ =	shalt  }
0x80: {  	_ =	shalt  }
0x81: {  	_ =	shalt  }
0x82: {  	_ =	shalt  }
0x83: {  	_ =	shalt  }
0x84: {  	_ =	shalt  }
0x85: {  	_ =	shalt  }
0x86: {  	_ =	shalt  }
0x87: {  	_ =	shalt  }
.Lfunc_end0:
.L_simem_size_0:
called_computation_lowered:
.L_overlay_start_0:
0x88: {  	s2 =	sld [smem:$0x3FD9]  }
0x89: {  	s3 =	sld [smem:$0x3FFE];
	_ =	sdelay $0x1  }
0x8a: {  	s1 =	srdreg.scid  }
0x8b: {  	s0 =	sand.u32 $0x1, s1  }
0x8c: {  	s17 =	sshll.u32 s0, $0xA;
	s2 =	sadd.s32 s3, s2  }
0x8d: {  	s2 =	sadd.s32 s2, s17  }
0x8e: {  	[smem:$0x3FC4] =	sst s2  }
0x8f: {  	_ = 	snop  }
0x90: {  	s2 =	sld [smem:$0x3FC7];
	(tm) =	ssettm $0x1  }
0x91: {  	s18 =	sld [smem:$0x3FFB];
	_ =	sdelay $0x3  }
0x92: {  	_ =	strace s18  }
0x93: {  	s3 =	sld [smem:$0x3FFC];
	_ =	sdelay $0x3  }
0x94: {  	_ =	strace s3  }
0x95: {  	s3 =	sld [smem:$0x3FFD];
	_ =	sdelay $0x3  }
0x96: {  	_ =	strace s3  }
0x97: {  	_ =	strace $0x8FFFFFFF  }
0x98: {  	s19 =	sld [smem:$0x3FDB];
	_ =	sdelay $0x1  }
0x99: {  	s4 =	simm.s32 $_scs_section_size  }
0x9a: {  	s5 =	simm.s32 $_size__tile_overlayer_lowered;
	s6 =	simm.s32 $_tile_overlayer_lowered  }
0x9b: {  	s22 =	simm.s32 $0x1BFF;
	s21 =	sshll.u32 s6, $0x1;
	s3 =	sadd.s32 s4, s19  }
0x9c: {  	s7 =	simm.s32 $0x0;
	s20 =	sshll.u32 s5, $0x1;
	s5 =	sadd.s32 s21, s3  }
0x9d: {  	[timem:s7], [sflag:s22] =	dma.local [hbm:s5], s20  }
0x9e: {  	_ =	swait.ge [sflag:s22], s20  }
0x9f: {  	s4 =	ssub.s32 $0x0, s20;
	[sflag:s22] =	ssyncset.done $0x0  }
0xa0: {  	[sflag:s22] =	ssyncadd.s32 s4;
	_ =	sdelay $0x1  }
0xa1: {  	s23 =	simm.s32 $0x1B8B  }
0xa2: {  	_ =	swait.ge [sflag:s23], $0x1  }
0xa3: {  	[sflag:s23] =	ssyncset.done $0x0  }
0xa4: {  	s25 =	simm.s32 $0x1B8E;
	s24 =	sld [smem:$0x3FFE];
	[sflag:s23] =	ssyncadd.s32 $0xFFFFFFFF  }
0xa5: {  	s26 =	simm.s32 $execute0_lowered;
	[smem:$0x3FD2] =	sst s25  }
0xa6: {  	s5 =	sshll.u32 s26, $0x1;
	_ =	strace $0x80000046;
	[dreg:$0x1] =	wrdreg $0xFFFFFFFF  }
0xa7: {  	s28 =	simm.s32 $_size_execute0_lowered;
	s3 =	sadd.s32 s3, s5;
	[dreg:$0x0] =	wrdreg $0x0  }
0xa8: {  	s5 =	sshll.u32 s28, $0x1;
	[dreg:$0x2] =	wrdreg s3  }
0xa9: {  	[dreg:$0x3] =	wrdreg s5  }
0xaa: {  	[dreg:$0x4] =	wrdreg $0xC0  }
0xab: {  	_ =	task [dreg:s7], $0x5FFFF  }
0xac: {  	[dreg:$0x1] =	wrdreg $0xFFFFFFFF  }
0xad: {  	[dreg:$0x0] =	wrdreg $0x60  }
0xae: {  	[dreg:$0x2] =	wrdreg s24  }
0xaf: {  	[dreg:$0x3] =	wrdreg s2  }
0xb0: {  	[dreg:$0x4] =	wrdreg $0x9  }
0xb1: {  	_ =	task.clear_ibuf [dreg:s7], $0x5FFFF;
	_ =	strace $0x90000046  }
0xb2: {  	s29 =	simm.s32 $0x9;
	_ =	strace $0x80000048  }
0xb3: {  	_ =	swait.ge [sflag:s29], $0x1  }
0xb4: {  	[sflag:s29] =	ssyncadd.s32 $0xFFFFFFFF  }
0xb5: {  	_ =	strace $0x90000048  }
0xb6: {  	_ =	sfence  }
0xb7: {  	s30 =	sld [smem:$0x0];
	_ =	sdelay $0x2  }
0xb8: {  	s31 =	sshll.u32 s1, $0xD;
	s1 =	sshrl.u32 s1, $0x2  }
0xb9: {  	s3 =	sand.u32 $0x4000, s31;
	s1 =	sadd.s32 s1, s30  }
0xba: {  	s0 =	sor.u32 s3, s0;
	s1 =	sshll.u32 s1, $0x11  }
0xbb: {  	s0 =	sor.u32 s1, s0  }
0xbc: {  	s0 =	sadd.s32 $0x8F2B, s0  }
0xbd: {  	[sflag:s0] =	ssyncadd.remote.s32 $0x1  }
0xbe: {  	_ =	sfence.sel $0xFFFF  }
0xbf: {  	[dreg:$0x0] =	wrdreg $0xFFFFFFFF;
	(pc) =	sbr.abs _section_cstart, $3  }
0xc0: {  	[dreg:$0x1] =	wrdreg $0xFFFFFFFF  }
0xc1: {  	_ =	task.clear_ibuf [dreg:s7], $0x2FFFF;
	_ =	strace $0x9FFFFFFF  }
0xc2: {  	(tm) =	ssettm $0x7FFFFFFF  }
0xc3: {  	_ =	shalt  }
tec
execute0_lowered:
.L_overlay_start_1:
0x0: {  	(tag) =	ssettag $0x1  }
0x1: {  	s4 =	rddreg [dreg:$0x0]  }
0x2: {  	s2 =	rddreg [dreg:$0x1]  }
0x3: {  	s0 =	rddreg [dreg:$0x2];
	s5 =	srdreg.scid  }
0x4: {  	s3 =	simm.s32 $0x0;
	s1 =	stileid.u32;
	s8 =	simm.s32 $0x10  }
0x5: {  	s9 =	simm.s32 $0x200;
	s10 =	simm.s32 $0x400;
	s5 =	sand.u32 $0x1, s5  }
0x6: {  	s11 =	simm.s32 $0x4400;
	s6 =	sshll.u32 s1, $0x2;
	s7 =	sshll.u32 s5, $0x1  }
0x7: {  	s12 =	simm.s32 $0x0;
	s5 =	ssub.s32 $0x2, s5;
	s6 =	sor.u32 s7, s6  }
0x8: {  	[smem:$0x7FF] =	sst s3;
	s31 =	sshrl.u32 s5, $0x1;
	s6 =	sadd.s32 s6, s4  }
0x9: {  	_ =	strace $0x80000047;
	s7 =	ssub.s32 s5, s31;
	s4 =	sadd.s32 $0x1400, s6  }
0xa: {  	v0 =	vimm.f32 $0.0e+00;
	s5 =	sadd.s32 $0x11400, s6;
	s6 =	smax.u32 s7, $0x1;
	s7 =	simm.s32 $0x1  }
.LBB2_1:
0xb: {  	[tilespmem:s3], [sflag:$0x1] =	stream.linear.gather [hbm4b:s2+s3], $0x400, $0x38;
	[tilespmem:$0x8400] =	vst v63  }
0xc: {  	_ =	swait.ge [sflag:s7], $0x400  }
0xd: {  	[sflag:s7] =	ssyncset.done $0x0  }
0xe: {  	[sflag:s7] =	ssyncadd.s32 $0xFFFFFC00  }
0xf: {  	[tilespmem:s10], [sflag:$0x1] =	stream.strided.gather [hbm4b:s4+s8], $0x4000, s9, s8, $0x38;
	[tilespmem:$0x8400] =	vst v63  }
0x10: {  	_ =	swait.ge [sflag:s7], $0x4000  }
0x11: {  	[sflag:s7] =	ssyncset.done $0x0  }
0x12: {  	s13 =	simm.s32 $0x0;
	[sflag:s7] =	ssyncadd.s32 $0xFFFFC000  }
.LBB2_2:
0x13: {  	p0 =	sne.s32 s13, $0xFFC0  }
.Ltmp0:
0x14: {  	_ = 	snop;
	(pc) =	sbr.rel @p0 .LBB2_2-.Ltmp0, $3  }
0x15: {  	_ =	sdelay $0x1  }
0x16: {  	s14 =	sshra.s32 s13, $0x2  }
0x17: {  	s13 =	sadd.s32 $0x40, s13;
	[tilespmem:s14+$0x4400] =	vst v0  }
0x18: {  	s13 =	simm.s32 $0x0  }
0x19: {  	v1 =	vld [tilespmem:s13+$0x0];
	_ =	sdelay $0x4  }
0x1a: {  	v1 =	vshll.u32 v1, $0x6  }
0x1b: {  	v1 =	vshra.s32 v1, $0x2  }
0x1c: {  	v1 =	vadd.s32 $0x4400, v1  }
0x1d: {  	(v2sf) =	vpush v1, $0x0;
	_ =	sdelay $0x5  }
0x1e: {  	(v2sf) =	vpush v1, $0x1;
	_ =	sdelay $0x3  }
0x1f: {  	s13 =	simm.s32 $0x480  }
0x20: {  	v2 =	vld [tilespmem:s13+$0xFFFFFF80]  }
0x21: {  	(v2sf) =	vpush v1, $0x2;
	_ =	sdelay $0x2  }
0x22: {  	s14 =	spop (v2sf)  }
0x23: {  	[tilespmem:s14+$0x0] =	vst.add.f32.msk $0xffff, v2  }
0x24: {  	v2 =	vld [tilespmem:s13+$0xFFFFFF90]  }
0x25: {  	(v2sf) =	vpush v1, $0x3;
	_ =	sdelay $0x2  }
0x26: {  	s17 =	spop (v2sf)  }
0x27: {  	[tilespmem:s17+$0x0] =	vst.add.f32.msk $0xffff, v2  }
0x28: {  	v2 =	vld [tilespmem:s13+$0xFFFFFFA0]  }
0x29: {  	(v2sf) =	vpush v1, $0x4;
	_ =	sdelay $0x2  }
0x2a: {  	s18 =	spop (v2sf)  }
0x2b: {  	[tilespmem:s18+$0x0] =	vst.add.f32.msk $0xffff, v2  }
0x2c: {  	v2 =	vld [tilespmem:s13+$0xFFFFFFB0]  }
0x2d: {  	(v2sf) =	vpush v1, $0x5;
	_ =	sdelay $0x2  }
0x2e: {  	s19 =	spop (v2sf)  }
0x2f: {  	[tilespmem:s19+$0x0] =	vst.add.f32.msk $0xffff, v2  }
0x30: {  	v2 =	vld [tilespmem:s13+$0xFFFFFFC0]  }
0x31: {  	(v2sf) =	vpush v1, $0x6;
	_ =	sdelay $0x2  }
0x32: {  	s20 =	spop (v2sf)  }
0x33: {  	[tilespmem:s20+$0x0] =	vst.add.f32.msk $0xffff, v2  }
0x34: {  	v2 =	vld [tilespmem:s13+$0xFFFFFFD0]  }
0x35: {  	(v2sf) =	vpush v1, $0x7;
	_ =	sdelay $0x2  }
0x36: {  	s21 =	spop (v2sf)  }
0x37: {  	[tilespmem:s21+$0x0] =	vst.add.f32.msk $0xffff, v2  }
0x38: {  	v2 =	vld [tilespmem:s13+$0xFFFFFFE0]  }
0x39: {  	(v2sf) =	vpush v1, $0x8;
	_ =	sdelay $0x2  }
0x3a: {  	s22 =	spop (v2sf)  }
0x3b: {  	[tilespmem:s22+$0x0] =	vst.add.f32.msk $0xffff, v2  }
0x3c: {  	v2 =	vld [tilespmem:s13+$0xFFFFFFF0]  }
0x3d: {  	(v2sf) =	vpush v1, $0x9;
	_ =	sdelay $0x2  }
0x3e: {  	s23 =	spop (v2sf)  }
0x3f: {  	[tilespmem:s23+$0x0] =	vst.add.f32.msk $0xffff, v2  }
0x40: {  	v2 =	vld [tilespmem:s13+$0x0]  }
0x41: {  	(v2sf) =	vpush v1, $0xA;
	_ =	sdelay $0x2  }
0x42: {  	s24 =	spop (v2sf)  }
0x43: {  	[tilespmem:s24+$0x0] =	vst.add.f32.msk $0xffff, v2  }
0x44: {  	v2 =	vld [tilespmem:s13+$0x10]  }
0x45: {  	(v2sf) =	vpush v1, $0xB;
	_ =	sdelay $0x2  }
0x46: {  	s25 =	spop (v2sf)  }
0x47: {  	[tilespmem:s25+$0x0] =	vst.add.f32.msk $0xffff, v2  }
0x48: {  	v2 =	vld [tilespmem:s13+$0x20]  }
0x49: {  	(v2sf) =	vpush v1, $0xC;
	_ =	sdelay $0x2  }
0x4a: {  	s26 =	spop (v2sf)  }
0x4b: {  	[tilespmem:s26+$0x0] =	vst.add.f32.msk $0xffff, v2  }
0x4c: {  	v2 =	vld [tilespmem:s13+$0x30]  }
0x4d: {  	(v2sf) =	vpush v1, $0xD;
	_ =	sdelay $0x2  }
0x4e: {  	s28 =	spop (v2sf)  }
0x4f: {  	[tilespmem:s28+$0x0] =	vst.add.f32.msk $0xffff, v2  }
0x50: {  	v2 =	vld [tilespmem:s13+$0x40]  }
0x51: {  	(v2sf) =	vpush v1, $0xE;
	_ =	sdelay $0x2  }
0x52: {  	s29 =	spop (v2sf)  }
0x53: {  	[tilespmem:s29+$0x0] =	vst.add.f32.msk $0xffff, v2  }
0x54: {  	(v2sf) =	vpush v1, $0xF;
	v1 =	vld [tilespmem:s13+$0x50];
	_ =	sdelay $0x3  }
0x55: {  	s30 =	spop (v2sf)  }
0x56: {  	[tilespmem:s30+$0x0] =	vst.add.f32.msk $0xffff, v1  }
0x57: {  	v1 =	vld [tilespmem:s13+$0x60];
	_ =	sdelay $0x3  }
0x58: {  	s31 =	spop (v2sf)  }
0x59: {  	[tilespmem:s31+$0x0] =	vst.add.f32.msk $0xffff, v1  }
0x5a: {  	v1 =	vld [tilespmem:s13+$0x70];
	_ =	sdelay $0x2  }
0x5b: {  	s16 =	simm.s32 $0x80;
	s14 =	simm.s32 $0x40;
	s17 =	spop (v2sf)  }
.LBB2_4:
0x5c: {  	s18 =	sshra.s32 s14, $0x2  }
0x5d: {  	[tilespmem:s17+$0x0] =	vst.add.f32.msk $0xffff, v1;
	s13 =	sadd.s32 $0x100, s13;
	s14 =	smov.u32 s16;
	s15 =	sadd.s32 $0x40, s16  }
0x5e: {  	p0 =	sne.s32 s16, $0xFC0;
	v1 =	vld [tilespmem:s18+$0x0];
	_ =	sdelay $0x4  }
0x5f: {  	v1 =	vshll.u32 v1, $0x6  }
0x60: {  	v1 =	vshra.s32 v1, $0x2  }
0x61: {  	v1 =	vadd.s32 $0x4400, v1  }
0x62: {  	(v2sf) =	vpush v1, $0x0;
	_ =	sdelay $0x5  }
0x63: {  	(v2sf) =	vpush v1, $0x1;
	_ =	sdelay $0x4  }
0x64: {  	v2 =	vld [tilespmem:s13+$0xFFFFFF80]  }
0x65: {  	(v2sf) =	vpush v1, $0x2;
	_ =	sdelay $0x2  }
0x66: {  	s16 =	spop (v2sf)  }
0x67: {  	[tilespmem:s16+$0x0] =	vst.add.f32.msk $0xffff, v2  }
0x68: {  	v2 =	vld [tilespmem:s13+$0xFFFFFF90]  }
0x69: {  	(v2sf) =	vpush v1, $0x3;
	_ =	sdelay $0x2  }
0x6a: {  	s16 =	spop (v2sf)  }
0x6b: {  	[tilespmem:s16+$0x0] =	vst.add.f32.msk $0xffff, v2  }
0x6c: {  	v2 =	vld [tilespmem:s13+$0xFFFFFFA0]  }
0x6d: {  	(v2sf) =	vpush v1, $0x4;
	_ =	sdelay $0x2  }
0x6e: {  	s16 =	spop (v2sf)  }
0x6f: {  	[tilespmem:s16+$0x0] =	vst.add.f32.msk $0xffff, v2  }
0x70: {  	v2 =	vld [tilespmem:s13+$0xFFFFFFB0]  }
0x71: {  	(v2sf) =	vpush v1, $0x5;
	_ =	sdelay $0x2  }
0x72: {  	s16 =	spop (v2sf)  }
0x73: {  	[tilespmem:s16+$0x0] =	vst.add.f32.msk $0xffff, v2  }
0x74: {  	v2 =	vld [tilespmem:s13+$0xFFFFFFC0]  }
0x75: {  	(v2sf) =	vpush v1, $0x6;
	_ =	sdelay $0x2  }
0x76: {  	s16 =	spop (v2sf)  }
0x77: {  	[tilespmem:s16+$0x0] =	vst.add.f32.msk $0xffff, v2  }
0x78: {  	v2 =	vld [tilespmem:s13+$0xFFFFFFD0]  }
0x79: {  	(v2sf) =	vpush v1, $0x7;
	_ =	sdelay $0x2  }
0x7a: {  	s16 =	spop (v2sf)  }
0x7b: {  	[tilespmem:s16+$0x0] =	vst.add.f32.msk $0xffff, v2  }
0x7c: {  	v2 =	vld [tilespmem:s13+$0xFFFFFFE0]  }
0x7d: {  	(v2sf) =	vpush v1, $0x8;
	_ =	sdelay $0x2  }
0x7e: {  	s16 =	spop (v2sf)  }
0x7f: {  	[tilespmem:s16+$0x0] =	vst.add.f32.msk $0xffff, v2  }
0x80: {  	v2 =	vld [tilespmem:s13+$0xFFFFFFF0]  }
0x81: {  	(v2sf) =	vpush v1, $0x9;
	_ =	sdelay $0x2  }
0x82: {  	s16 =	spop (v2sf)  }
0x83: {  	[tilespmem:s16+$0x0] =	vst.add.f32.msk $0xffff, v2  }
0x84: {  	v2 =	vld [tilespmem:s13+$0x0]  }
0x85: {  	(v2sf) =	vpush v1, $0xA;
	_ =	sdelay $0x2  }
0x86: {  	s16 =	spop (v2sf)  }
0x87: {  	[tilespmem:s16+$0x0] =	vst.add.f32.msk $0xffff, v2  }
0x88: {  	v2 =	vld [tilespmem:s13+$0x10]  }
0x89: {  	(v2sf) =	vpush v1, $0xB;
	_ =	sdelay $0x2  }
0x8a: {  	s16 =	spop (v2sf)  }
0x8b: {  	[tilespmem:s16+$0x0] =	vst.add.f32.msk $0xffff, v2  }
0x8c: {  	v2 =	vld [tilespmem:s13+$0x20]  }
0x8d: {  	(v2sf) =	vpush v1, $0xC;
	_ =	sdelay $0x2  }
0x8e: {  	s16 =	spop (v2sf)  }
0x8f: {  	[tilespmem:s16+$0x0] =	vst.add.f32.msk $0xffff, v2  }
0x90: {  	v2 =	vld [tilespmem:s13+$0x30]  }
0x91: {  	(v2sf) =	vpush v1, $0xD;
	_ =	sdelay $0x2  }
0x92: {  	s16 =	spop (v2sf)  }
0x93: {  	[tilespmem:s16+$0x0] =	vst.add.f32.msk $0xffff, v2  }
0x94: {  	v2 =	vld [tilespmem:s13+$0x40]  }
0x95: {  	(v2sf) =	vpush v1, $0xE;
	_ =	sdelay $0x2  }
0x96: {  	s16 =	spop (v2sf)  }
0x97: {  	[tilespmem:s16+$0x0] =	vst.add.f32.msk $0xffff, v2  }
0x98: {  	v2 =	vld [tilespmem:s13+$0x50]  }
0x99: {  	(v2sf) =	vpush v1, $0xF;
	_ =	sdelay $0x2  }
0x9a: {  	s16 =	spop (v2sf)  }
0x9b: {  	[tilespmem:s16+$0x0] =	vst.add.f32.msk $0xffff, v2  }
0x9c: {  	v1 =	vld [tilespmem:s13+$0x60];
	_ =	sdelay $0x3  }
0x9d: {  	s16 =	spop (v2sf)  }
0x9e: {  	[tilespmem:s16+$0x0] =	vst.add.f32.msk $0xffff, v1  }
.Ltmp1:
0x9f: {  	v1 =	vld [tilespmem:s13+$0x70];
	(pc) =	sbr.rel @p0 .LBB2_4-.Ltmp1, $2  }
0xa0: {  	_ =	sdelay $0x2  }
0xa1: {  	s16 =	smov.u32 s15;
	s17 =	spop (v2sf)  }
0xa2: {  	s14 =	sshra.s32 s14, $0x2;
	[tilespmem:s17+$0x0] =	vst.add.f32.msk $0xffff, v1  }
0xa3: {  	v1 =	vld [tilespmem:s14+$0x0];
	_ =	sdelay $0x4  }
0xa4: {  	v1 =	vshll.u32 v1, $0x6  }
0xa5: {  	v1 =	vshra.s32 v1, $0x2  }
0xa6: {  	v1 =	vadd.s32 $0x4400, v1  }
0xa7: {  	(v2sf) =	vpush v1, $0x0;
	_ =	sdelay $0x5  }
0xa8: {  	(v2sf) =	vpush v1, $0x1;
	_ =	sdelay $0x3  }
0xa9: {  	s13 =	sadd.s32 $0x100, s13  }
0xaa: {  	v2 =	vld [tilespmem:s13+$0xFFFFFF80]  }
0xab: {  	(v2sf) =	vpush v1, $0x2;
	_ =	sdelay $0x2  }
0xac: {  	s15 =	spop (v2sf)  }
0xad: {  	[tilespmem:s15+$0x0] =	vst.add.f32.msk $0xffff, v2  }
0xae: {  	v2 =	vld [tilespmem:s13+$0xFFFFFF90]  }
0xaf: {  	(v2sf) =	vpush v1, $0x3;
	_ =	sdelay $0x2  }
0xb0: {  	s16 =	spop (v2sf)  }
0xb1: {  	[tilespmem:s16+$0x0] =	vst.add.f32.msk $0xffff, v2  }
0xb2: {  	v2 =	vld [tilespmem:s13+$0xFFFFFFA0]  }
0xb3: {  	(v2sf) =	vpush v1, $0x4;
	_ =	sdelay $0x2  }
0xb4: {  	s17 =	spop (v2sf)  }
0xb5: {  	[tilespmem:s17+$0x0] =	vst.add.f32.msk $0xffff, v2  }
0xb6: {  	v2 =	vld [tilespmem:s13+$0xFFFFFFB0]  }
0xb7: {  	(v2sf) =	vpush v1, $0x5;
	_ =	sdelay $0x2  }
0xb8: {  	s18 =	spop (v2sf)  }
0xb9: {  	[tilespmem:s18+$0x0] =	vst.add.f32.msk $0xffff, v2  }
0xba: {  	v2 =	vld [tilespmem:s13+$0xFFFFFFC0]  }
0xbb: {  	(v2sf) =	vpush v1, $0x6;
	_ =	sdelay $0x2  }
0xbc: {  	s19 =	spop (v2sf)  }
0xbd: {  	[tilespmem:s19+$0x0] =	vst.add.f32.msk $0xffff, v2  }
0xbe: {  	v2 =	vld [tilespmem:s13+$0xFFFFFFD0]  }
0xbf: {  	(v2sf) =	vpush v1, $0x7;
	_ =	sdelay $0x2  }
0xc0: {  	s20 =	spop (v2sf)  }
0xc1: {  	[tilespmem:s20+$0x0] =	vst.add.f32.msk $0xffff, v2  }
0xc2: {  	v2 =	vld [tilespmem:s13+$0xFFFFFFE0]  }
0xc3: {  	(v2sf) =	vpush v1, $0x8;
	_ =	sdelay $0x2  }
0xc4: {  	s21 =	spop (v2sf)  }
0xc5: {  	[tilespmem:s21+$0x0] =	vst.add.f32.msk $0xffff, v2  }
0xc6: {  	v2 =	vld [tilespmem:s13+$0xFFFFFFF0]  }
0xc7: {  	(v2sf) =	vpush v1, $0x9;
	_ =	sdelay $0x2  }
0xc8: {  	s22 =	spop (v2sf)  }
0xc9: {  	[tilespmem:s22+$0x0] =	vst.add.f32.msk $0xffff, v2  }
0xca: {  	v2 =	vld [tilespmem:s13+$0x0]  }
0xcb: {  	(v2sf) =	vpush v1, $0xA;
	_ =	sdelay $0x2  }
0xcc: {  	s23 =	spop (v2sf)  }
0xcd: {  	[tilespmem:s23+$0x0] =	vst.add.f32.msk $0xffff, v2  }
0xce: {  	v2 =	vld [tilespmem:s13+$0x10]  }
0xcf: {  	(v2sf) =	vpush v1, $0xB;
	_ =	sdelay $0x2  }
0xd0: {  	s24 =	spop (v2sf)  }
0xd1: {  	[tilespmem:s24+$0x0] =	vst.add.f32.msk $0xffff, v2  }
0xd2: {  	v2 =	vld [tilespmem:s13+$0x20]  }
0xd3: {  	(v2sf) =	vpush v1, $0xC;
	_ =	sdelay $0x2  }
0xd4: {  	s25 =	spop (v2sf)  }
0xd5: {  	[tilespmem:s25+$0x0] =	vst.add.f32.msk $0xffff, v2  }
0xd6: {  	v2 =	vld [tilespmem:s13+$0x30]  }
0xd7: {  	(v2sf) =	vpush v1, $0xD;
	_ =	sdelay $0x2  }
0xd8: {  	s26 =	spop (v2sf)  }
0xd9: {  	[tilespmem:s26+$0x0] =	vst.add.f32.msk $0xffff, v2  }
0xda: {  	v2 =	vld [tilespmem:s13+$0x40]  }
0xdb: {  	(v2sf) =	vpush v1, $0xE;
	_ =	sdelay $0x2  }
0xdc: {  	s28 =	spop (v2sf)  }
0xdd: {  	[tilespmem:s28+$0x0] =	vst.add.f32.msk $0xffff, v2  }
0xde: {  	v2 =	vld [tilespmem:s13+$0x50]  }
0xdf: {  	(v2sf) =	vpush v1, $0xF;
	_ =	sdelay $0x2  }
0xe0: {  	s29 =	spop (v2sf)  }
0xe1: {  	[tilespmem:s29+$0x0] =	vst.add.f32.msk $0xffff, v2  }
0xe2: {  	v1 =	vld [tilespmem:s13+$0x60];
	_ =	sdelay $0x3  }
0xe3: {  	s30 =	spop (v2sf)  }
0xe4: {  	[tilespmem:s30+$0x0] =	vst.add.f32.msk $0xffff, v1  }
0xe5: {  	v1 =	vld [tilespmem:s13+$0x70];
	_ =	sdelay $0x2  }
0xe6: {  	s12 =	sadd.s32 $0x1, s12  }
0xe7: {  	p0 =	sne.s32 s12, s6;
	s31 =	spop (v2sf)  }
.Ltmp2:
0xe8: {  	[tilespmem:s31+$0x0] =	vst.add.f32.msk $0xffff, v1;
	(pc) =	sbr.rel @p0 .LBB2_1-.Ltmp2, $4  }
0xe9: {  	[hbm4b:s5+s8] =	stream.strided.scatter [tilespmem:s11], [sflag:$0x1], $0x4000, s9, s8, $0x38;
	[tilespmem:$0x8400] =	vst v63  }
0xea: {  	_ =	swait.ge [sflag:s7], $0x4000  }
0xeb: {  	[sflag:s7] =	ssyncset.done $0x0  }
0xec: {  	[sflag:s7] =	ssyncadd.s32 $0xFFFFC000  }
0xed: {  	_ =	sfence.sel $0x180000  }
0xee: {  	[bflag:$0x0] =	sbarrier.arrive $0xFFFF  }
0xef: {  	p0 =	sne.s32 s1, $0x0;
	_ =	strace $0x90000047  }
0xf0: {  	s0 =	sadd.s32 @!p0 $0x100000, s0;
	[bflag:$0x2] =	sbarrier.arrive $0xFFFF  }
0xf1: {  	[sflag:s0] =	ssyncadd.tile.s32 @!p0 $0x1;
	_ =	shalt  }
.Lfunc_end2:
_tile_overlayer_lowered:
.L_overlay_start_2:
0xf2: {  	(tag) =	ssettag $0x2  }
0xf3: {  	s0 =	rddreg [dreg:$0x0];
	s2 =	stileid.u32  }
0xf4: {  	s1 =	rddreg [dreg:$0x1];
	p0 =	sne.s32 s2, $0x0  }
0xf5: {  	s3 =	rddreg [dreg:$0x2];
	[bflag:$0x3] =	sbarrier.arrive $0xFFFF;
	s2 =	simm.s32 @!p0 $0x1C01  }
0xf6: {  	[timem:s3], [sflag:s2] =	dma.local @!p0 [hbm:s0], s1  }
0xf7: {  	s0 =	simm.s32 @!p0 $0x1  }
0xf8: {  	_ =	swait.ge @!p0 [sflag:s0], s1  }
0xf9: {  	s1 =	ssub.s32 @!p0 $0x0, s1;
	[sflag:s0] =	ssyncset.done @!p0 $0x0  }
0xfa: {  	[sflag:s0] =	ssyncadd.s32 @!p0 s1  }
0xfb: {  	[bflag:$0x3] =	sbarrier.arrive $0xFFFF  }
0xfc: {  	_ =	shalt  }

</sc_bundles>
